<compile_context>
chip_gen: v7x
topology: tpu7x:2x2x1
jax: 0.10.2.dev20260603
libtpu: 0.0.44.dev20260713+nightly
codegen_flags: <defaults>
</compile_context>

<pallas_src>
import functools

import jax
import jax.numpy as jnp
from jax import lax
from jax.experimental import pallas as pl
from jax.experimental.pallas import tpu as pltpu
from jax.experimental.pallas import tpu_sc as plsc

N = 10000
E = 320000
D = 128
DE = 16
F0 = 128
F1 = 64

E_SELF = E + N
E_PAD = 331776
NH = 2
E_H = E_PAD // NH
N_PAD = 10240

NC = 2
NS = 16
NW = NC * NS

DP = D // 2
G_ROWS = 2 * E_H
G_RPW = G_ROWS // NW
G_CH = 432
G_NCH = G_RPW // G_CH
G_TILE_N = N_PAD // NS


def _gather_body(nodes_hbm, idx_hbm, out_hbm, tbl_sh, idx_v, rows0, rows1,
                 gsem0, gsem1, wsem0, wsem1):
    c = lax.axis_index("c")
    s = lax.axis_index("s")
    wid = s * NC + c
    base_w = wid * G_RPW
    pltpu.sync_copy(nodes_hbm.at[pl.ds(s * G_TILE_N, G_TILE_N)],
                    tbl_sh.at[pl.ds(s * G_TILE_N, G_TILE_N)])
    pltpu.sync_copy(idx_hbm.at[pl.ds(base_w, G_RPW)], idx_v)
    plsc.subcore_barrier()

    bufs = (rows0, rows1)
    wsems = (wsem0, wsem1)
    gsems = (gsem0, gsem1)

    def g_desc(j, b):
        return pltpu.make_async_copy(
            tbl_sh.at[idx_v.at[pl.ds(j * G_CH, G_CH)]], bufs[b], gsems[b])

    def w_desc(j, b):
        return pltpu.make_async_copy(
            bufs[b], out_hbm.at[pl.ds(base_w + j * G_CH, G_CH)], wsems[b])

    g_desc(0, 0).start()

    def body2(j2, _):
        for b in range(2):
            j = 2 * j2 + b
            nb = 1 - b

            @pl.when(j + 1 < G_NCH)
            def _():
                @pl.when(j >= 1)
                def _():
                    w_desc(j - 1, nb).wait()

                g_desc(j + 1, nb).start()

            g_desc(j, b).wait()
            w_desc(j, b).start()
        return 0

    lax.fori_loop(0, G_NCH // 2, body2, 0)
    w_desc(G_NCH - 2, 0).wait()
    w_desc(G_NCH - 1, 1).wait()


_gather_call = functools.partial(
    pl.kernel,
    mesh=plsc.VectorSubcoreMesh(core_axis_name="c", subcore_axis_name="s"),
    compiler_params=pltpu.CompilerParams(use_tc_tiling_on_sc=False),
    out_type=jax.ShapeDtypeStruct((G_ROWS, DP), jnp.float32),
    scratch_types=[
        pltpu.VMEM_SHARED((N_PAD, DP), jnp.float32),
        pltpu.VMEM((G_RPW,), jnp.int32),
        pltpu.VMEM((G_CH, DP), jnp.float32),
        pltpu.VMEM((G_CH, DP), jnp.float32),
        pltpu.SemaphoreType.DMA,
        pltpu.SemaphoreType.DMA,
        pltpu.SemaphoreType.DMA,
        pltpu.SemaphoreType.DMA,
    ],
)(_gather_body)


BLK = 2048
NBLK = E_H // BLK



def _unpack(packed):
    u = lax.bitcast_convert_type(packed, jnp.uint32)
    lo = lax.bitcast_convert_type(u << 16, jnp.float32)
    hi = lax.bitcast_convert_type(u & jnp.uint32(0xFFFF0000), jnp.float32)
    return lo, hi


def _mlp_body(sent_ref, recv_ref, edge_ref, valid_ref, wq_ref, bq_ref,
              w1_ref, b1_ref, wqe_ref, w1e_ref, w2_ref, b2_ref,
              w3_ref, b3_ref, qe_ref, e_ref):
    SB = BLK // 4
    for t in range(4):
        rows = pl.ds(t * SB, SB)
        s_lo, s_hi = _unpack(sent_ref[rows, :])
        r_lo, r_hi = _unpack(recv_ref[rows, :])
        s_cat = jnp.concatenate((s_lo, s_hi), axis=-1)
        r_cat = jnp.concatenate((r_lo, r_hi), axis=-1)
        eg = edge_ref[rows, :]

        def proj(w, we):
            return (jnp.dot(s_cat, w[:D], preferred_element_type=jnp.float32)
                    + jnp.dot(r_cat, w[D:2 * D],
                              preferred_element_type=jnp.float32)
                    + jnp.dot(eg, we, preferred_element_type=jnp.float32))

        q = proj(wq_ref[...], wqe_ref[...]) + bq_ref[...]
        a = proj(w1_ref[...], w1e_ref[...]) + b1_ref[...]
        a = jnp.maximum(a, 0.0)
        ones_d = jnp.full((D, D), 1.0 / D, jnp.float32)
        mu = jnp.dot(a, ones_d, preferred_element_type=jnp.float32)
        var = jnp.dot(a * a, ones_d,
                      preferred_element_type=jnp.float32) - mu * mu
        rstd = lax.rsqrt(var + 1e-6)
        z1 = a * rstd - mu * rstd

        b = jnp.dot(z1, w2_ref[...],
                    preferred_element_type=jnp.float32) + b2_ref[...]
        b = jnp.maximum(b, 0.0)
        mu2 = jnp.mean(b, axis=-1, keepdims=True)
        var2 = jnp.mean(b * b, axis=-1, keepdims=True) - mu2 * mu2
        rstd2 = lax.rsqrt(var2 + 1e-6)
        z2 = b * rstd2 - mu2 * rstd2

        logit = jnp.sum(z2 * w3_ref[...], axis=-1, keepdims=True) + b3_ref[...]
        logit = jnp.maximum(logit, 0.0)

        e = jnp.exp(logit) * valid_ref[rows, :]

        qe_ref[rows, :] = q * e
        e_ref[rows, :] = e


def _mlp_call(gath, edges_h, valid_h, wq, bq2, w1, b12, wqe, w1e,
              w2f, b2f, w3f, b3f):
    const = lambda shape: pl.BlockSpec(shape, lambda i: (0, 0))
    return pl.pallas_call(
        _mlp_body,
        grid=(NBLK,),
        in_specs=[
            pl.BlockSpec((BLK, DP), lambda i: (i, 0)),
            pl.BlockSpec((BLK, DP), lambda i: (i + NBLK, 0)),
            pl.BlockSpec((BLK, DE), lambda i: (i, 0)),
            pl.BlockSpec((BLK, 1), lambda i: (i, 0)),
            const((2 * D, F0)),
            const((1, F0)),
            const((2 * D, F0)),
            const((1, F0)),
            const((DE, F0)),
            const((DE, F0)),
            const((F0, F1)),
            const((1, F1)),
            const((1, F1)),
            const((1, 1)),
        ],
        out_specs=[
            pl.BlockSpec((BLK, D), lambda i: (i, 0)),
            pl.BlockSpec((BLK, 1), lambda i: (i, 0)),
        ],
        out_shape=[
            jax.ShapeDtypeStruct((E_H, D), jnp.float32),
            jax.ShapeDtypeStruct((E_H, 1), jnp.float32),
        ],
    )(gath, gath, edges_h, valid_h, wq, bq2, w1, b12, wqe, w1e,
      w2f, b2f, w3f, b3f)


S_RPW = E_H // NW
S_CH = 96
S_NCH = S_RPW // S_CH
TILE_N = N_PAD // NS
L = 16


def _scatter_body(zeros_hbm, ridx_hbm, qe_hbm, e_hbm,
                  pq_hbm, pd_hbm,
                  acc_sh, idx_v, t0, t1, e_v, den_v,
                  lsem0, lsem1, ssem0, ssem1):
    c = lax.axis_index("c")
    s = lax.axis_index("s")
    wid = s * NC + c
    base_w = wid * S_RPW

    t_bufs = (t0, t1)
    lsems = (lsem0, lsem1)
    ssems = (ssem0, ssem1)

    def ld_descs(j, b):
        base = base_w + j * S_CH
        return (
            pltpu.make_async_copy(
                ridx_hbm.at[pl.ds(base, S_CH)], idx_v.at[b], lsems[b]),
            pltpu.make_async_copy(
                e_hbm.at[pl.ds(base, S_CH)], e_v.at[b], lsems[b]),
            pltpu.make_async_copy(
                qe_hbm.at[pl.ds(base, S_CH)], t_bufs[b], lsems[b]),
        )

    def scat_desc(b):
        return pltpu.make_async_copy(
            t_bufs[b], acc_sh.at[idx_v.at[b]], ssems[b])

    pltpu.sync_copy(zeros_hbm.at[pl.ds(s * TILE_N, TILE_N)],
                    acc_sh.at[pl.ds(s * TILE_N, TILE_N)])

    def zden(j, _):
        den_v[pl.ds(j * L, L)] = jnp.zeros((L,), jnp.float32)
        return 0

    lax.fori_loop(0, N_PAD // L, zden, 0)
    plsc.subcore_barrier()

    for d in ld_descs(0, 0):
        d.start()

    def body2(j2, _):
        for b in range(2):
            j = 2 * j2 + b
            nb = 1 - b
            for d in ld_descs(j, b):
                d.wait()

            @pl.when(j + 1 < S_NCH)
            def _():
                @pl.when(j >= 1)
                def _():
                    scat_desc(nb).wait()

                for d in ld_descs(j + 1, nb):
                    d.start()

            scat_desc(b).start(add=True)

            def vr(k, _):
                iv = idx_v[b, pl.ds(k * L, L)]
                ev = e_v[b, pl.ds(k * L, L)]
                plsc.addupdate_scatter(den_v, [iv], ev)
                return 0

            lax.fori_loop(0, S_CH // L, vr, 0)
        return 0

    lax.fori_loop(0, S_NCH // 2, body2, 0)
    scat_desc(0).wait()
    scat_desc(1).wait()
    plsc.subcore_barrier()

    pltpu.sync_copy(acc_sh.at[pl.ds(s * TILE_N, TILE_N)],
                    pq_hbm.at[pl.ds(c * N_PAD + s * TILE_N, TILE_N)])
    pltpu.sync_copy(den_v, pd_hbm.at[wid])


_scatter_call = functools.partial(
    pl.kernel,
    mesh=plsc.VectorSubcoreMesh(core_axis_name="c", subcore_axis_name="s"),
    compiler_params=pltpu.CompilerParams(needs_layout_passes=False),
    out_type=[
        jax.ShapeDtypeStruct((NC * N_PAD, D), jnp.float32),
        jax.ShapeDtypeStruct((NW, N_PAD), jnp.float32),
    ],
    scratch_types=[
        pltpu.VMEM_SHARED((N_PAD, D), jnp.float32),
        pltpu.VMEM((2, S_CH), jnp.int32),
        pltpu.VMEM((S_CH, D), jnp.float32),
        pltpu.VMEM((S_CH, D), jnp.float32),
        pltpu.VMEM((2, S_CH), jnp.float32),
        pltpu.VMEM((N_PAD,), jnp.float32),
        pltpu.SemaphoreType.DMA,
        pltpu.SemaphoreType.DMA,
        pltpu.SemaphoreType.DMA,
        pltpu.SemaphoreType.DMA,
    ],
)(_scatter_body)


FBLK = 1280
NFBLK = N_PAD // FBLK


def _fin_body(qa0_ref, qa1_ref, qb0_ref, qb1_ref, pda_ref, pdb_ref, out_ref):
    agg = (qa0_ref[...] + qa1_ref[...]) + (qb0_ref[...] + qb1_ref[...])
    ones = jnp.full((NW, 1), 1.0, jnp.float32)
    dn = (((0,), (0,)), ((), ()))
    dsum = (lax.dot_general(pda_ref[...], ones, dn,
                            preferred_element_type=jnp.float32)
            + lax.dot_general(pdb_ref[...], ones, dn,
                              preferred_element_type=jnp.float32))
    den = jnp.maximum(dsum, 1e-30)
    x = agg / den
    out_ref[...] = jnp.where(x >= 0.0, x, 0.01 * x)


def _fin_call(pq_a, pq_b, pd_a, pd_b):
    return pl.pallas_call(
        _fin_body,
        grid=(NFBLK,),
        in_specs=[
            pl.BlockSpec((FBLK, D), lambda i: (i, 0)),
            pl.BlockSpec((FBLK, D), lambda i: (i + NFBLK, 0)),
            pl.BlockSpec((FBLK, D), lambda i: (i, 0)),
            pl.BlockSpec((FBLK, D), lambda i: (i + NFBLK, 0)),
            pl.BlockSpec((NW, FBLK), lambda i: (0, i)),
            pl.BlockSpec((NW, FBLK), lambda i: (0, i)),
        ],
        out_specs=pl.BlockSpec((FBLK, D), lambda i: (i, 0)),
        out_shape=jax.ShapeDtypeStruct((N_PAD, D), jnp.float32),
    )(pq_a, pq_a, pq_b, pq_b, pd_a, pd_b)


def kernel(nodes, edges, senders, receivers, copy_arr, Wq, bq, W1, b1,
           ln1_s, ln1_b, W2, b2, ln2_s, ln2_b, W3, b3):
    ar = jnp.arange(N, dtype=senders.dtype)
    zpad = jnp.zeros((E_PAD - E_SELF,), dtype=senders.dtype)
    send_p = jnp.concatenate((senders, ar, zpad))
    recv_p = jnp.concatenate((receivers, ar, zpad))
    edges_p = jnp.concatenate(
        (edges, jnp.zeros((E_PAD - E, DE), dtype=edges.dtype)), axis=0)
    valid = (jnp.arange(E_PAD, dtype=jnp.int32) < E_SELF).astype(
        jnp.float32).reshape(E_PAD, 1)

    nodes_packed = lax.bitcast_convert_type(
        nodes.astype(jnp.bfloat16).reshape(N, DP, 2), jnp.float32)
    nodes_packed = jnp.concatenate(
        (nodes_packed, jnp.zeros((N_PAD - N, DP), jnp.float32)))

    def rearr(w):
        return jnp.concatenate((w[0:D:2], w[1:D:2], w[D:2 * D:2],
                                w[D + 1:2 * D:2]))

    w2f = ln1_s[:, None] * W2
    b2f = (b2 + ln1_b @ W2).reshape(1, F1)
    w3f = (ln2_s * W3[:, 0]).reshape(1, F1)
    b3f = (b3 + ln2_b @ W3).reshape(1, 1)
    wqx, w1x = rearr(Wq), rearr(W1)
    bq2, b12 = bq.reshape(1, F0), b1.reshape(1, F0)
    zeros_acc = jnp.zeros((N_PAD, D), jnp.float32)

    parts = []
    for h in range(NH):
        send_h = lax.dynamic_slice(send_p, (h * E_H,), (E_H,))
        recv_h = lax.dynamic_slice(recv_p, (h * E_H,), (E_H,))
        edges_h = lax.dynamic_slice(edges_p, (h * E_H, 0), (E_H, DE))
        valid_h = lax.dynamic_slice(valid, (h * E_H, 0), (E_H, 1))
        idx_h = jnp.concatenate((send_h, recv_h))
        gath_h = _gather_call(nodes_packed, idx_h)
        qe_h, e_h = _mlp_call(
            gath_h, edges_h, valid_h, wqx, bq2, w1x, b12,
            Wq[2 * D:], W1[2 * D:], w2f, b2f, w3f, b3f)
        pq_h, pd_h = _scatter_call(zeros_acc, recv_h, qe_h,
                                   e_h.reshape(E_H))
        parts.append((pq_h, pd_h))

    out = _fin_call(parts[0][0], parts[1][0], parts[0][1], parts[1][1])
    return out[:N]

# --- scband reference (transcript-rebuilt; emitter-appended) ---
"""Pipeline reference for scband-graph-attention-network-62749472195066 (READ-ONLY COPY).

The authoritative reference and input builder live on the scoring server;
editing this copy changes nothing except your own understanding.
"""

import jax, jax.numpy as jnp
import numpy as np

N = 10000
E = 320000
D = 128
DE = 16
CIN = 2 * D + DE
F0 = 128
F1 = 64

def _he(key, fan_in, shape):
    return jax.random.normal(key, shape, dtype=jnp.float32) * np.sqrt(2.0 / fan_in).astype(np.float32)

def _layer_norm(x, scale, bias, eps=1e-6):
    mean = jnp.mean(x, axis=-1, keepdims=True)
    var = jnp.var(x, axis=-1, keepdims=True)
    return (x - mean) / jnp.sqrt(var + eps) * scale + bias

def setup_inputs(seed: int = 0):
    key = jax.random.key(seed)
    ks = jax.random.split(key, 12)
    nodes = jax.random.normal(ks[0], (N, D), dtype=jnp.float32)
    edges = jax.random.normal(ks[1], (E, DE), dtype=jnp.float32)
    senders = jax.random.randint(ks[2], (E,), 0, N, dtype=jnp.int32)
    receivers = jax.random.randint(ks[3], (E,), 0, N, dtype=jnp.int32)
    copy_arr = jnp.zeros((1,), dtype=jnp.float32)
    Wq = _he(ks[4], CIN, (CIN, F0)); bq = jnp.zeros((F0,), jnp.float32)
    W1 = _he(ks[5], CIN, (CIN, F0)); b1 = jnp.zeros((F0,), jnp.float32)
    ln1_s = jnp.ones((F0,), jnp.float32); ln1_b = jnp.zeros((F0,), jnp.float32)
    W2 = _he(ks[6], F0, (F0, F1)); b2 = jnp.zeros((F1,), jnp.float32)
    ln2_s = jnp.ones((F1,), jnp.float32); ln2_b = jnp.zeros((F1,), jnp.float32)
    W3 = _he(ks[7], F1, (F1, 1)); b3 = jnp.zeros((1,), jnp.float32)
    return {"nodes": nodes, "edges": edges, "senders": senders, "receivers": receivers, "copy_arr": copy_arr, "Wq": Wq, "bq": bq, "W1": W1, "b1": b1, "ln1_s": ln1_s, "ln1_b": ln1_b, "W2": W2, "b2": b2, "ln2_s": ln2_s, "ln2_b": ln2_b, "W3": W3, "b3": b3}

def reference(nodes, edges, senders, receivers, copy_arr, Wq, bq, W1, b1, ln1_s, ln1_b, W2, b2, ln2_s, ln2_b, W3, b3):
    # add self edges (assumed absent in the input graph)
    n = nodes.shape[0]
    ar = jnp.arange(n, dtype=senders.dtype)
    senders = jnp.concatenate((senders, ar), axis=0)
    receivers = jnp.concatenate((receivers, ar), axis=0)
    edges = jnp.concatenate((edges, jnp.zeros((n, edges.shape[-1]), dtype=edges.dtype)), axis=0)
    # gather endpoint features
    sent = nodes[senders]
    recv = nodes[receivers]
    x = jnp.concatenate((sent, recv, edges), axis=-1)
    # attention query: single Dense
    q = x @ Wq + bq
    # attention logit MLP: Dense->relu->LN -> Dense->relu->LN -> Dense(1)->relu
    h = _layer_norm(jax.nn.relu(x @ W1 + b1), ln1_s, ln1_b)
    h = _layer_norm(jax.nn.relu(h @ W2 + b2), ln2_s, ln2_b)
    logits = jax.nn.relu(h @ W3 + b3)
    # segment softmax over receivers
    mx = jax.ops.segment_max(logits, receivers, num_segments=n)
    e = jnp.exp(logits - mx[receivers])
    denom = jax.ops.segment_sum(e, receivers, num_segments=n)
    w = e / denom[receivers]
    # weighted message aggregation
    agg = jax.ops.segment_sum(q * w, receivers, num_segments=n)
    out = jax.nn.leaky_relu(agg)
    return jnp.reshape(out, (out.shape[0], -1))

if __name__ == "__main__":
    import jax
    _d = setup_inputs()
    print(jax.jit(kernel)(*tuple(_d.values())))

</pallas_src>

<mosaic_0001>
#map = affine_map<(d0, d1) -> (0, 0)>
#map1 = affine_map<(d0, d1) -> (0)>
module attributes {stable_mosaic.version = 14 : i64} {
  func.func @_gather_body(%arg0: i32, %arg1: i32, %arg2: memref<10240x64xf32, #tpu.memory_space<hbm>>, %arg3: memref<331776xi32, #tpu.memory_space<hbm>>, %arg4: memref<331776x64xf32, #tpu.memory_space<hbm>>, %arg5: memref<10240x64xf32, #tpu.memory_space<vmem_shared>>, %arg6: memref<10368xi32, #tpu.memory_space<vmem>>, %arg7: memref<432x64xf32, #tpu.memory_space<vmem>>, %arg8: memref<432x64xf32, #tpu.memory_space<vmem>>, %arg9: memref<!tpu.dma_semaphore, #tpu.memory_space<semaphore_mem>>, %arg10: memref<!tpu.dma_semaphore, #tpu.memory_space<semaphore_mem>>, %arg11: memref<!tpu.dma_semaphore, #tpu.memory_space<semaphore_mem>>, %arg12: memref<!tpu.dma_semaphore, #tpu.memory_space<semaphore_mem>>) attributes {dimension_semantics = [#tpu.dimension_semantics<core_parallel>, #tpu.dimension_semantics<subcore_parallel>], iteration_bounds = array<i64: 2, 16>, scalar_prefetch = 0 : i64, scratch_operands = 8 : i64, tpu.core_type = #tpu.core_type<sc_vector_subcore>, window_params = [{transform_indices = #map}, {transform_indices = #map1}, {transform_indices = #map}]} {
    %mul3A = arith.constant 2 : i32
    %mul3A_0 = arith.muli %arg1, %mul3A : i32
    %add3A = arith.addi %mul3A_0, %arg0 : i32
    %mul3A_1 = arith.constant 10368 : i32
    %mul3A_2 = arith.muli %add3A, %mul3A_1 : i32
    %mul3A_3 = arith.constant 640 : i32
    %mul3A_4 = arith.muli %arg1, %mul3A_3 : i32
    %mul3A_5 = arith.constant 640 : i32
    %mul3A_6 = arith.muli %arg1, %mul3A_5 : i32
    "tpu.region"() ({
      %run_scoped3A = tpu.sem_alloc : memref<!tpu.dma_semaphore, #tpu.memory_space<semaphore_mem>>
      %dma_start3A_28 = arith.constant 0 : i32
      %dma_start3A_29 = tpu.memref_slice %arg5[%mul3A_6, %dma_start3A_28] : memref<10240x64xf32, #tpu.memory_space<vmem_shared>> -> memref<640x64xf32, #tpu.memory_space<vmem_shared>>
      %dma_start3A_30 = arith.constant 0 : i32
      %dma_start3A_31 = tpu.memref_slice %arg2[%mul3A_4, %dma_start3A_30] : memref<10240x64xf32, #tpu.memory_space<hbm>> -> memref<640x64xf32, #tpu.memory_space<hbm>>
      tpu.enqueue_dma source(%dma_start3A_31 : memref<640x64xf32, #tpu.memory_space<hbm>>) target(%dma_start3A_29 : memref<640x64xf32, #tpu.memory_space<vmem_shared>>) target_semaphore(%run_scoped3A : memref<!tpu.dma_semaphore, #tpu.memory_space<semaphore_mem>>)
      %dma_wait3A_32 = arith.constant 0 : i32
      %dma_wait3A_33 = tpu.memref_slice %arg5[%mul3A_6, %dma_wait3A_32] : memref<10240x64xf32, #tpu.memory_space<vmem_shared>> -> memref<640x64xf32, #tpu.memory_space<vmem_shared>>
      %dma_wait3A_34 = arith.constant 0 : i32
      %dma_wait3A_35 = tpu.memref_slice %arg2[%mul3A_4, %dma_wait3A_34] : memref<10240x64xf32, #tpu.memory_space<hbm>> -> memref<640x64xf32, #tpu.memory_space<hbm>>
      tpu.wait_dma2 semaphore(%run_scoped3A : memref<!tpu.dma_semaphore, #tpu.memory_space<semaphore_mem>>) src(%dma_wait3A_35 : memref<640x64xf32, #tpu.memory_space<hbm>>) dst(%dma_wait3A_33 : memref<640x64xf32, #tpu.memory_space<vmem_shared>>)
      tpu.yield
    }) : () -> ()
    "tpu.region"() ({
      %run_scoped3A = tpu.sem_alloc : memref<!tpu.dma_semaphore, #tpu.memory_space<semaphore_mem>>
      %dma_start3A_28 = tpu.memref_slice %arg3[%mul3A_2] : memref<331776xi32, #tpu.memory_space<hbm>> -> memref<10368xi32, #tpu.memory_space<hbm>>
      %dma_start3A_29 = tpu.memref_slice %arg3[%mul3A_2] : memref<331776xi32, #tpu.memory_space<hbm>> -> memref<10368xi32, #tpu.memory_space<hbm>>
      tpu.enqueue_dma source(%dma_start3A_29 : memref<10368xi32, #tpu.memory_space<hbm>>) target(%arg6 : memref<10368xi32, #tpu.memory_space<vmem>>) target_semaphore(%run_scoped3A : memref<!tpu.dma_semaphore, #tpu.memory_space<semaphore_mem>>)
      %dma_wait3A_30 = tpu.memref_slice %arg3[%mul3A_2] : memref<331776xi32, #tpu.memory_space<hbm>> -> memref<10368xi32, #tpu.memory_space<hbm>>
      %dma_wait3A_31 = tpu.memref_slice %arg3[%mul3A_2] : memref<331776xi32, #tpu.memory_space<hbm>> -> memref<10368xi32, #tpu.memory_space<hbm>>
      tpu.wait_dma2 semaphore(%run_scoped3A : memref<!tpu.dma_semaphore, #tpu.memory_space<semaphore_mem>>) src(%dma_wait3A_31 : memref<10368xi32, #tpu.memory_space<hbm>>) dst(%arg6 : memref<10368xi32, #tpu.memory_space<vmem>>)
      tpu.yield
    }) : () -> ()
    %barrier3A = arith.constant 0 : index
    tpu.barrier barrier_id(%barrier3A)
    %dma_start3A = arith.constant 0 : i32
    %dma_start3A_7 = tpu.memref_slice %arg6[%dma_start3A] : memref<10368xi32, #tpu.memory_space<vmem>> -> memref<432xi32, #tpu.memory_space<vmem>>
    %dma_start3A_8 = arith.constant 0 : i32
    %dma_start3A_9 = arith.constant 0 : i32
    %dma_start3A_10 = tpu.memref_slice %arg5[%dma_start3A_8, %dma_start3A_9] : memref<10240x64xf32, #tpu.memory_space<vmem_shared>> -> memref<10240x64xf32, #tpu.memory_space<vmem_shared>>
    tpu.enqueue_indirect_dma source(%dma_start3A_10 : memref<10240x64xf32, #tpu.memory_space<vmem_shared>>) target(%arg7 : memref<432x64xf32, #tpu.memory_space<vmem>>) offsets(%dma_start3A_7 : memref<432xi32, #tpu.memory_space<vmem>>) semaphore(%arg9 : memref<!tpu.dma_semaphore, #tpu.memory_space<semaphore_mem>>)
    %scan3A = arith.constant 0 : i32
    %scan3A_11 = arith.constant 0 : i32
    %scan3A_12 = arith.constant 12 : i32
    %scan3A_13 = arith.addi %scan3A_11, %scan3A_12 : i32
    %scan3A_14 = arith.constant 1 : i32
    %scan3A_15 = scf.for %scan3A_28 = %scan3A_11 to %scan3A_13 step %scan3A_14 iter_args(%scan3A_29 = %scan3A) -> (i32)  : i32 {
      %mul3A_30 = arith.constant 2 : i32
      %mul3A_31 = arith.muli %mul3A_30, %scan3A_28 : i32
      %add3A_32 = arith.constant 0 : i32
      %add3A_33 = arith.addi %mul3A_31, %add3A_32 : i32
      %add3A_34 = arith.constant 1 : i32
      %add3A_35 = arith.addi %add3A_33, %add3A_34 : i32
      %lt3A = arith.constant 24 : i32
      %lt3A_36 = arith.cmpi slt, %add3A_35, %lt3A : i32
      %convert_element_type3A = arith.extui %lt3A_36 : i1 to i32
      %cond3A = arith.constant 0 : i32
      %cond3A_37 = arith.cmpi ne, %convert_element_type3A, %cond3A : i32
      scf.if %cond3A_37 {
        %ge3A = arith.constant 1 : i32
        %ge3A_76 = arith.cmpi sge, %add3A_33, %ge3A : i32
        %convert_element_type3A_77 = arith.extui %ge3A_76 : i1 to i32
        %cond3A_78 = arith.constant 0 : i32
        %cond3A_79 = arith.cmpi ne, %convert_element_type3A_77, %cond3A_78 : i32
        scf.if %cond3A_79 {
          %sub3A = arith.constant 1 : i32
          %sub3A_88 = arith.subi %add3A_33, %sub3A : i32
          %mul3A_89 = arith.constant 432 : i32
          %mul3A_90 = arith.muli %sub3A_88, %mul3A_89 : i32
          %add3A_91 = arith.addi %mul3A_2, %mul3A_90 : i32
          %dma_wait3A_92 = arith.constant 0 : i32
          %dma_wait3A_93 = tpu.memref_slice %arg4[%add3A_91, %dma_wait3A_92] : memref<331776x64xf32, #tpu.memory_space<hbm>> -> memref<432x64xf32, #tpu.memory_space<hbm>>
          %dma_wait3A_94 = arith.constant 0 : i32
          %dma_wait3A_95 = tpu.memref_slice %arg4[%add3A_91, %dma_wait3A_94] : memref<331776x64xf32, #tpu.memory_space<hbm>> -> memref<432x64xf32, #tpu.memory_space<hbm>>
          tpu.wait_dma2 semaphore(%arg12 : memref<!tpu.dma_semaphore, #tpu.memory_space<semaphore_mem>>) src(%arg8 : memref<432x64xf32, #tpu.memory_space<vmem>>) dst(%dma_wait3A_95 : memref<432x64xf32, #tpu.memory_space<hbm>>)
        } else {
        }
        %add3A_80 = arith.constant 1 : i32
        %add3A_81 = arith.addi %add3A_33, %add3A_80 : i32
        %mul3A_82 = arith.constant 432 : i32
        %mul3A_83 = arith.muli %add3A_81, %mul3A_82 : i32
        %dma_start3A_84 = tpu.memref_slice %arg6[%mul3A_83] : memref<10368xi32, #tpu.memory_space<vmem>> -> memref<432xi32, #tpu.memory_space<vmem>>
        %dma_start3A_85 = arith.constant 0 : i32
        %dma_start3A_86 = arith.constant 0 : i32
        %dma_start3A_87 = tpu.memref_slice %arg5[%dma_start3A_85, %dma_start3A_86] : memref<10240x64xf32, #tpu.memory_space<vmem_shared>> -> memref<10240x64xf32, #tpu.memory_space<vmem_shared>>
        tpu.enqueue_indirect_dma source(%dma_start3A_87 : memref<10240x64xf32, #tpu.memory_space<vmem_shared>>) target(%arg8 : memref<432x64xf32, #tpu.memory_space<vmem>>) offsets(%dma_start3A_84 : memref<432xi32, #tpu.memory_space<vmem>>) semaphore(%arg10 : memref<!tpu.dma_semaphore, #tpu.memory_space<semaphore_mem>>)
      } else {
      }
      %mul3A_38 = arith.constant 432 : i32
      %mul3A_39 = arith.muli %add3A_33, %mul3A_38 : i32
      %dma_wait3A_40 = tpu.memref_slice %arg6[%mul3A_39] : memref<10368xi32, #tpu.memory_space<vmem>> -> memref<432xi32, #tpu.memory_space<vmem>>
      %dma_wait3A_41 = arith.constant 0 : i32
      %dma_wait3A_42 = arith.constant 0 : i32
      %dma_wait3A_43 = tpu.memref_slice %arg5[%dma_wait3A_41, %dma_wait3A_42] : memref<10240x64xf32, #tpu.memory_space<vmem_shared>> -> memref<10240x64xf32, #tpu.memory_space<vmem_shared>>
      tpu.wait_indirect_dma semaphore(%arg9 : memref<!tpu.dma_semaphore, #tpu.memory_space<semaphore_mem>>) src(%dma_wait3A_43 : memref<10240x64xf32, #tpu.memory_space<vmem_shared>>) dst(%arg7 : memref<432x64xf32, #tpu.memory_space<vmem>>)
      %mul3A_44 = arith.constant 432 : i32
      %mul3A_45 = arith.muli %add3A_33, %mul3A_44 : i32
      %add3A_46 = arith.addi %mul3A_2, %mul3A_45 : i32
      %dma_start3A_47 = arith.constant 0 : i32
      %dma_start3A_48 = tpu.memref_slice %arg4[%add3A_46, %dma_start3A_47] : memref<331776x64xf32, #tpu.memory_space<hbm>> -> memref<432x64xf32, #tpu.memory_space<hbm>>
      %dma_start3A_49 = arith.constant 0 : i32
      %dma_start3A_50 = tpu.memref_slice %arg4[%add3A_46, %dma_start3A_49] : memref<331776x64xf32, #tpu.memory_space<hbm>> -> memref<432x64xf32, #tpu.memory_space<hbm>>
      tpu.enqueue_dma source(%arg7 : memref<432x64xf32, #tpu.memory_space<vmem>>) target(%dma_start3A_50 : memref<432x64xf32, #tpu.memory_space<hbm>>) target_semaphore(%arg11 : memref<!tpu.dma_semaphore, #tpu.memory_space<semaphore_mem>>)
      %mul3A_51 = arith.constant 2 : i32
      %mul3A_52 = arith.muli %mul3A_51, %scan3A_28 : i32
      %add3A_53 = arith.constant 1 : i32
      %add3A_54 = arith.addi %mul3A_52, %add3A_53 : i32
      %add3A_55 = arith.constant 1 : i32
      %add3A_56 = arith.addi %add3A_54, %add3A_55 : i32
      %lt3A_57 = arith.constant 24 : i32
      %lt3A_58 = arith.cmpi slt, %add3A_56, %lt3A_57 : i32
      %convert_element_type3A_59 = arith.extui %lt3A_58 : i1 to i32
      %cond3A_60 = arith.constant 0 : i32
      %cond3A_61 = arith.cmpi ne, %convert_element_type3A_59, %cond3A_60 : i32
      scf.if %cond3A_61 {
        %ge3A = arith.constant 1 : i32
        %ge3A_76 = arith.cmpi sge, %add3A_54, %ge3A : i32
        %convert_element_type3A_77 = arith.extui %ge3A_76 : i1 to i32
        %cond3A_78 = arith.constant 0 : i32
        %cond3A_79 = arith.cmpi ne, %convert_element_type3A_77, %cond3A_78 : i32
        scf.if %cond3A_79 {
          %sub3A = arith.constant 1 : i32
          %sub3A_88 = arith.subi %add3A_54, %sub3A : i32
          %mul3A_89 = arith.constant 432 : i32
          %mul3A_90 = arith.muli %sub3A_88, %mul3A_89 : i32
          %add3A_91 = arith.addi %mul3A_2, %mul3A_90 : i32
          %dma_wait3A_92 = arith.constant 0 : i32
          %dma_wait3A_93 = tpu.memref_slice %arg4[%add3A_91, %dma_wait3A_92] : memref<331776x64xf32, #tpu.memory_space<hbm>> -> memref<432x64xf32, #tpu.memory_space<hbm>>
          %dma_wait3A_94 = arith.constant 0 : i32
          %dma_wait3A_95 = tpu.memref_slice %arg4[%add3A_91, %dma_wait3A_94] : memref<331776x64xf32, #tpu.memory_space<hbm>> -> memref<432x64xf32, #tpu.memory_space<hbm>>
          tpu.wait_dma2 semaphore(%arg11 : memref<!tpu.dma_semaphore, #tpu.memory_space<semaphore_mem>>) src(%arg7 : memref<432x64xf32, #tpu.memory_space<vmem>>) dst(%dma_wait3A_95 : memref<432x64xf32, #tpu.memory_space<hbm>>)
        } else {
        }
        %add3A_80 = arith.constant 1 : i32
        %add3A_81 = arith.addi %add3A_54, %add3A_80 : i32
        %mul3A_82 = arith.constant 432 : i32
        %mul3A_83 = arith.muli %add3A_81, %mul3A_82 : i32
        %dma_start3A_84 = tpu.memref_slice %arg6[%mul3A_83] : memref<10368xi32, #tpu.memory_space<vmem>> -> memref<432xi32, #tpu.memory_space<vmem>>
        %dma_start3A_85 = arith.constant 0 : i32
        %dma_start3A_86 = arith.constant 0 : i32
        %dma_start3A_87 = tpu.memref_slice %arg5[%dma_start3A_85, %dma_start3A_86] : memref<10240x64xf32, #tpu.memory_space<vmem_shared>> -> memref<10240x64xf32, #tpu.memory_space<vmem_shared>>
        tpu.enqueue_indirect_dma source(%dma_start3A_87 : memref<10240x64xf32, #tpu.memory_space<vmem_shared>>) target(%arg7 : memref<432x64xf32, #tpu.memory_space<vmem>>) offsets(%dma_start3A_84 : memref<432xi32, #tpu.memory_space<vmem>>) semaphore(%arg9 : memref<!tpu.dma_semaphore, #tpu.memory_space<semaphore_mem>>)
      } else {
      }
      %mul3A_62 = arith.constant 432 : i32
      %mul3A_63 = arith.muli %add3A_54, %mul3A_62 : i32
      %dma_wait3A_64 = tpu.memref_slice %arg6[%mul3A_63] : memref<10368xi32, #tpu.memory_space<vmem>> -> memref<432xi32, #tpu.memory_space<vmem>>
      %dma_wait3A_65 = arith.constant 0 : i32
      %dma_wait3A_66 = arith.constant 0 : i32
      %dma_wait3A_67 = tpu.memref_slice %arg5[%dma_wait3A_65, %dma_wait3A_66] : memref<10240x64xf32, #tpu.memory_space<vmem_shared>> -> memref<10240x64xf32, #tpu.memory_space<vmem_shared>>
      tpu.wait_indirect_dma semaphore(%arg10 : memref<!tpu.dma_semaphore, #tpu.memory_space<semaphore_mem>>) src(%dma_wait3A_67 : memref<10240x64xf32, #tpu.memory_space<vmem_shared>>) dst(%arg8 : memref<432x64xf32, #tpu.memory_space<vmem>>)
      %mul3A_68 = arith.constant 432 : i32
      %mul3A_69 = arith.muli %add3A_54, %mul3A_68 : i32
      %add3A_70 = arith.addi %mul3A_2, %mul3A_69 : i32
      %dma_start3A_71 = arith.constant 0 : i32
      %dma_start3A_72 = tpu.memref_slice %arg4[%add3A_70, %dma_start3A_71] : memref<331776x64xf32, #tpu.memory_space<hbm>> -> memref<432x64xf32, #tpu.memory_space<hbm>>
      %dma_start3A_73 = arith.constant 0 : i32
      %dma_start3A_74 = tpu.memref_slice %arg4[%add3A_70, %dma_start3A_73] : memref<331776x64xf32, #tpu.memory_space<hbm>> -> memref<432x64xf32, #tpu.memory_space<hbm>>
      tpu.enqueue_dma source(%arg8 : memref<432x64xf32, #tpu.memory_space<vmem>>) target(%dma_start3A_74 : memref<432x64xf32, #tpu.memory_space<hbm>>) target_semaphore(%arg12 : memref<!tpu.dma_semaphore, #tpu.memory_space<semaphore_mem>>)
      %scan3A_75 = arith.constant 0 : i32
      scf.yield %scan3A_75 : i32
    }
    %scan3A_16 = arith.constant 12 : i32
    %add3A_17 = arith.constant 9504 : i32
    %add3A_18 = arith.addi %mul3A_2, %add3A_17 : i32
    %dma_wait3A = arith.constant 0 : i32
    %dma_wait3A_19 = tpu.memref_slice %arg4[%add3A_18, %dma_wait3A] : memref<331776x64xf32, #tpu.memory_space<hbm>> -> memref<432x64xf32, #tpu.memory_space<hbm>>
    %dma_wait3A_20 = arith.constant 0 : i32
    %dma_wait3A_21 = tpu.memref_slice %arg4[%add3A_18, %dma_wait3A_20] : memref<331776x64xf32, #tpu.memory_space<hbm>> -> memref<432x64xf32, #tpu.memory_space<hbm>>
    tpu.wait_dma2 semaphore(%arg11 : memref<!tpu.dma_semaphore, #tpu.memory_space<semaphore_mem>>) src(%arg7 : memref<432x64xf32, #tpu.memory_space<vmem>>) dst(%dma_wait3A_21 : memref<432x64xf32, #tpu.memory_space<hbm>>)
    %add3A_22 = arith.constant 9936 : i32
    %add3A_23 = arith.addi %mul3A_2, %add3A_22 : i32
    %dma_wait3A_24 = arith.constant 0 : i32
    %dma_wait3A_25 = tpu.memref_slice %arg4[%add3A_23, %dma_wait3A_24] : memref<331776x64xf32, #tpu.memory_space<hbm>> -> memref<432x64xf32, #tpu.memory_space<hbm>>
    %dma_wait3A_26 = arith.constant 0 : i32
    %dma_wait3A_27 = tpu.memref_slice %arg4[%add3A_23, %dma_wait3A_26] : memref<331776x64xf32, #tpu.memory_space<hbm>> -> memref<432x64xf32, #tpu.memory_space<hbm>>
    tpu.wait_dma2 semaphore(%arg12 : memref<!tpu.dma_semaphore, #tpu.memory_space<semaphore_mem>>) src(%arg8 : memref<432x64xf32, #tpu.memory_space<vmem>>) dst(%dma_wait3A_27 : memref<432x64xf32, #tpu.memory_space<hbm>>)
    return
  }
}

#map = affine_map<(d0, d1) -> (0, 0)>
#map1 = affine_map<(d0, d1) -> (0)>
module attributes {stable_mosaic.version = 14 : i64} {
  func.func @_scatter_body(%arg0: i32, %arg1: i32, %arg2: memref<10240x128xf32, #tpu.memory_space<hbm>>, %arg3: memref<165888xi32, #tpu.memory_space<hbm>>, %arg4: memref<165888x128xf32, #tpu.memory_space<hbm>>, %arg5: memref<165888xf32, #tpu.memory_space<hbm>>, %arg6: memref<20480x128xf32, #tpu.memory_space<hbm>>, %arg7: memref<32x10240xf32, #tpu.memory_space<hbm>>, %arg8: memref<10240x128xf32, #tpu.memory_space<vmem_shared>>, %arg9: memref<2x96xi32, #tpu.memory_space<vmem>>, %arg10: memref<96x128xf32, #tpu.memory_space<vmem>>, %arg11: memref<96x128xf32, #tpu.memory_space<vmem>>, %arg12: memref<2x96xf32, #tpu.memory_space<vmem>>, %arg13: memref<10240xf32, #tpu.memory_space<vmem>>, %arg14: memref<!tpu.dma_semaphore, #tpu.memory_space<semaphore_mem>>, %arg15: memref<!tpu.dma_semaphore, #tpu.memory_space<semaphore_mem>>, %arg16: memref<!tpu.dma_semaphore, #tpu.memory_space<semaphore_mem>>, %arg17: memref<!tpu.dma_semaphore, #tpu.memory_space<semaphore_mem>>) attributes {dimension_semantics = [#tpu.dimension_semantics<core_parallel>, #tpu.dimension_semantics<subcore_parallel>], iteration_bounds = array<i64: 2, 16>, scalar_prefetch = 0 : i64, scratch_operands = 10 : i64, tpu.core_type = #tpu.core_type<sc_vector_subcore>, window_params = [{transform_indices = #map}, {transform_indices = #map1}, {transform_indices = #map}, {transform_indices = #map1}, {transform_indices = #map}, {transform_indices = #map}]} {
    %mul3A = arith.constant 2 : i32
    %mul3A_0 = arith.muli %arg1, %mul3A : i32
    %add3A = arith.addi %mul3A_0, %arg0 : i32
    %mul3A_1 = arith.constant 5184 : i32
    %mul3A_2 = arith.muli %add3A, %mul3A_1 : i32
    %mul3A_3 = arith.constant 640 : i32
    %mul3A_4 = arith.muli %arg1, %mul3A_3 : i32
    %mul3A_5 = arith.constant 640 : i32
    %mul3A_6 = arith.muli %arg1, %mul3A_5 : i32
    "tpu.region"() ({
      %run_scoped3A = tpu.sem_alloc : memref<!tpu.dma_semaphore, #tpu.memory_space<semaphore_mem>>
      %dma_start3A_64 = arith.constant 0 : i32
      %dma_start3A_65 = tpu.memref_slice %arg8[%mul3A_6, %dma_start3A_64] : memref<10240x128xf32, #tpu.memory_space<vmem_shared>> -> memref<640x128xf32, #tpu.memory_space<vmem_shared>>
      %dma_start3A_66 = arith.constant 0 : i32
      %dma_start3A_67 = tpu.memref_slice %arg2[%mul3A_4, %dma_start3A_66] : memref<10240x128xf32, #tpu.memory_space<hbm>> -> memref<640x128xf32, #tpu.memory_space<hbm>>
      tpu.enqueue_dma source(%dma_start3A_67 : memref<640x128xf32, #tpu.memory_space<hbm>>) target(%dma_start3A_65 : memref<640x128xf32, #tpu.memory_space<vmem_shared>>) target_semaphore(%run_scoped3A : memref<!tpu.dma_semaphore, #tpu.memory_space<semaphore_mem>>)
      %dma_wait3A_68 = arith.constant 0 : i32
      %dma_wait3A_69 = tpu.memref_slice %arg8[%mul3A_6, %dma_wait3A_68] : memref<10240x128xf32, #tpu.memory_space<vmem_shared>> -> memref<640x128xf32, #tpu.memory_space<vmem_shared>>
      %dma_wait3A_70 = arith.constant 0 : i32
      %dma_wait3A_71 = tpu.memref_slice %arg2[%mul3A_4, %dma_wait3A_70] : memref<10240x128xf32, #tpu.memory_space<hbm>> -> memref<640x128xf32, #tpu.memory_space<hbm>>
      tpu.wait_dma2 semaphore(%run_scoped3A : memref<!tpu.dma_semaphore, #tpu.memory_space<semaphore_mem>>) src(%dma_wait3A_71 : memref<640x128xf32, #tpu.memory_space<hbm>>) dst(%dma_wait3A_69 : memref<640x128xf32, #tpu.memory_space<vmem_shared>>)
      tpu.yield
    }) : () -> ()
    %scan3A = arith.constant 0 : i32
    %scan3A_7 = arith.constant 0 : i32
    %scan3A_8 = arith.constant 640 : i32
    %scan3A_9 = arith.addi %scan3A_7, %scan3A_8 : i32
    %scan3A_10 = arith.constant 1 : i32
    %scan3A_11 = scf.for %scan3A_64 = %scan3A_7 to %scan3A_9 step %scan3A_10 iter_args(%scan3A_65 = %scan3A) -> (i32)  : i32 {
      %broadcast_in_dim3A = arith.constant 0.000000e+00 : f32
      %broadcast_in_dim3A_66 = vector.broadcast %broadcast_in_dim3A : f32 to vector<16xf32>
      %mul3A_67 = arith.constant 16 : i32
      %mul3A_68 = arith.muli %scan3A_64, %mul3A_67 : i32
      %swap3A = arith.index_cast %mul3A_68 : i32 to index
      %swap3A_69 = tpu.vector_load %arg13[%swap3A] {strides = array<i32>} : memref<10240xf32, #tpu.memory_space<vmem>>, vector<16xf32>,
      tpu.vector_store %arg13[%swap3A], %broadcast_in_dim3A_66 {strides = array<i32>} : memref<10240xf32, #tpu.memory_space<vmem>>, vector<16xf32>,
      %scan3A_70 = arith.constant 0 : i32
      scf.yield %scan3A_70 : i32
    }
    %scan3A_12 = arith.constant 640 : i32
    %barrier3A = arith.constant 0 : index
    tpu.barrier barrier_id(%barrier3A)
    %add3A_13 = arith.constant 0 : i32
    %add3A_14 = arith.addi %mul3A_2, %add3A_13 : i32
    %dma_start3A = arith.constant 0 : i32
    %dma_start3A_15 = arith.constant 0 : i32
    %dma_start3A_16 = tpu.memref_slice %arg9[%dma_start3A, %dma_start3A_15] : memref<2x96xi32, #tpu.memory_space<vmem>> -> memref<1x96xi32, #tpu.memory_space<vmem>>
    %dma_start3A_17 = tpu.memref_squeeze %dma_start3A_16 : memref<1x96xi32, #tpu.memory_space<vmem>> -> memref<96xi32, #tpu.memory_space<vmem>>
    %dma_start3A_18 = tpu.memref_slice %arg3[%add3A_14] : memref<165888xi32, #tpu.memory_space<hbm>> -> memref<96xi32, #tpu.memory_space<hbm>>
    %dma_start3A_19 = arith.constant 0 : i32
    %dma_start3A_20 = tpu.memref_slice %arg9[%dma_start3A, %dma_start3A_19] : memref<2x96xi32, #tpu.memory_space<vmem>> -> memref<1x96xi32, #tpu.memory_space<vmem>>
    %dma_start3A_21 = tpu.memref_squeeze %dma_start3A_20 : memref<1x96xi32, #tpu.memory_space<vmem>> -> memref<96xi32, #tpu.memory_space<vmem>>
    %dma_start3A_22 = tpu.memref_slice %arg3[%add3A_14] : memref<165888xi32, #tpu.memory_space<hbm>> -> memref<96xi32, #tpu.memory_space<hbm>>
    tpu.enqueue_dma source(%dma_start3A_22 : memref<96xi32, #tpu.memory_space<hbm>>) target(%dma_start3A_21 : memref<96xi32, #tpu.memory_space<vmem>>) target_semaphore(%arg14 : memref<!tpu.dma_semaphore, #tpu.memory_space<semaphore_mem>>)
    %dma_start3A_23 = arith.constant 0 : i32
    %dma_start3A_24 = arith.constant 0 : i32
    %dma_start3A_25 = tpu.memref_slice %arg12[%dma_start3A_23, %dma_start3A_24] : memref<2x96xf32, #tpu.memory_space<vmem>> -> memref<1x96xf32, #tpu.memory_space<vmem>>
    %dma_start3A_26 = tpu.memref_squeeze %dma_start3A_25 : memref<1x96xf32, #tpu.memory_space<vmem>> -> memref<96xf32, #tpu.memory_space<vmem>>
    %dma_start3A_27 = tpu.memref_slice %arg5[%add3A_14] : memref<165888xf32, #tpu.memory_space<hbm>> -> memref<96xf32, #tpu.memory_space<hbm>>
    %dma_start3A_28 = arith.constant 0 : i32
    %dma_start3A_29 = tpu.memref_slice %arg12[%dma_start3A_23, %dma_start3A_28] : memref<2x96xf32, #tpu.memory_space<vmem>> -> memref<1x96xf32, #tpu.memory_space<vmem>>
    %dma_start3A_30 = tpu.memref_squeeze %dma_start3A_29 : memref<1x96xf32, #tpu.memory_space<vmem>> -> memref<96xf32, #tpu.memory_space<vmem>>
    %dma_start3A_31 = tpu.memref_slice %arg5[%add3A_14] : memref<165888xf32, #tpu.memory_space<hbm>> -> memref<96xf32, #tpu.memory_space<hbm>>
    tpu.enqueue_dma source(%dma_start3A_31 : memref<96xf32, #tpu.memory_space<hbm>>) target(%dma_start3A_30 : memref<96xf32, #tpu.memory_space<vmem>>) target_semaphore(%arg14 : memref<!tpu.dma_semaphore, #tpu.memory_space<semaphore_mem>>)
    %dma_start3A_32 = arith.constant 0 : i32
    %dma_start3A_33 = tpu.memref_slice %arg4[%add3A_14, %dma_start3A_32] : memref<165888x128xf32, #tpu.memory_space<hbm>> -> memref<96x128xf32, #tpu.memory_space<hbm>>
    %dma_start3A_34 = arith.constant 0 : i32
    %dma_start3A_35 = tpu.memref_slice %arg4[%add3A_14, %dma_start3A_34] : memref<165888x128xf32, #tpu.memory_space<hbm>> -> memref<96x128xf32, #tpu.memory_space<hbm>>
    tpu.enqueue_dma source(%dma_start3A_35 : memref<96x128xf32, #tpu.memory_space<hbm>>) target(%arg10 : memref<96x128xf32, #tpu.memory_space<vmem>>) target_semaphore(%arg14 : memref<!tpu.dma_semaphore, #tpu.memory_space<semaphore_mem>>)
    %scan3A_36 = arith.constant 0 : i32
    %scan3A_37 = arith.constant 0 : i32
    %scan3A_38 = arith.constant 27 : i32
    %scan3A_39 = arith.addi %scan3A_37, %scan3A_38 : i32
    %scan3A_40 = arith.constant 1 : i32
    %scan3A_41 = scf.for %scan3A_64 = %scan3A_37 to %scan3A_39 step %scan3A_40 iter_args(%scan3A_65 = %scan3A_36) -> (i32)  : i32 {
      %mul3A_66 = arith.constant 2 : i32
      %mul3A_67 = arith.muli %mul3A_66, %scan3A_64 : i32
      %add3A_68 = arith.constant 0 : i32
      %add3A_69 = arith.addi %mul3A_67, %add3A_68 : i32
      %mul3A_70 = arith.constant 96 : i32
      %mul3A_71 = arith.muli %add3A_69, %mul3A_70 : i32
      %add3A_72 = arith.addi %mul3A_2, %mul3A_71 : i32
      %dma_wait3A_73 = arith.constant 0 : i32
      %dma_wait3A_74 = arith.constant 0 : i32
      %dma_wait3A_75 = tpu.memref_slice %arg9[%dma_wait3A_73, %dma_wait3A_74] : memref<2x96xi32, #tpu.memory_space<vmem>> -> memref<1x96xi32, #tpu.memory_space<vmem>>
      %dma_wait3A_76 = tpu.memref_squeeze %dma_wait3A_75 : memref<1x96xi32, #tpu.memory_space<vmem>> -> memref<96xi32, #tpu.memory_space<vmem>>
      %dma_wait3A_77 = tpu.memref_slice %arg3[%add3A_72] : memref<165888xi32, #tpu.memory_space<hbm>> -> memref<96xi32, #tpu.memory_space<hbm>>
      %dma_wait3A_78 = arith.constant 0 : i32
      %dma_wait3A_79 = tpu.memref_slice %arg9[%dma_wait3A_73, %dma_wait3A_78] : memref<2x96xi32, #tpu.memory_space<vmem>> -> memref<1x96xi32, #tpu.memory_space<vmem>>
      %dma_wait3A_80 = tpu.memref_squeeze %dma_wait3A_79 : memref<1x96xi32, #tpu.memory_space<vmem>> -> memref<96xi32, #tpu.memory_space<vmem>>
      %dma_wait3A_81 = tpu.memref_slice %arg3[%add3A_72] : memref<165888xi32, #tpu.memory_space<hbm>> -> memref<96xi32, #tpu.memory_space<hbm>>
      tpu.wait_dma2 semaphore(%arg14 : memref<!tpu.dma_semaphore, #tpu.memory_space<semaphore_mem>>) src(%dma_wait3A_81 : memref<96xi32, #tpu.memory_space<hbm>>) dst(%dma_wait3A_80 : memref<96xi32, #tpu.memory_space<vmem>>)
      %dma_wait3A_82 = arith.constant 0 : i32
      %dma_wait3A_83 = arith.constant 0 : i32
      %dma_wait3A_84 = tpu.memref_slice %arg12[%dma_wait3A_82, %dma_wait3A_83] : memref<2x96xf32, #tpu.memory_space<vmem>> -> memref<1x96xf32, #tpu.memory_space<vmem>>
      %dma_wait3A_85 = tpu.memref_squeeze %dma_wait3A_84 : memref<1x96xf32, #tpu.memory_space<vmem>> -> memref<96xf32, #tpu.memory_space<vmem>>
      %dma_wait3A_86 = tpu.memref_slice %arg5[%add3A_72] : memref<165888xf32, #tpu.memory_space<hbm>> -> memref<96xf32, #tpu.memory_space<hbm>>
      %dma_wait3A_87 = arith.constant 0 : i32
      %dma_wait3A_88 = tpu.memref_slice %arg12[%dma_wait3A_82, %dma_wait3A_87] : memref<2x96xf32, #tpu.memory_space<vmem>> -> memref<1x96xf32, #tpu.memory_space<vmem>>
      %dma_wait3A_89 = tpu.memref_squeeze %dma_wait3A_88 : memref<1x96xf32, #tpu.memory_space<vmem>> -> memref<96xf32, #tpu.memory_space<vmem>>
      %dma_wait3A_90 = tpu.memref_slice %arg5[%add3A_72] : memref<165888xf32, #tpu.memory_space<hbm>> -> memref<96xf32, #tpu.memory_space<hbm>>
      tpu.wait_dma2 semaphore(%arg14 : memref<!tpu.dma_semaphore, #tpu.memory_space<semaphore_mem>>) src(%dma_wait3A_90 : memref<96xf32, #tpu.memory_space<hbm>>) dst(%dma_wait3A_89 : memref<96xf32, #tpu.memory_space<vmem>>)
      %dma_wait3A_91 = arith.constant 0 : i32
      %dma_wait3A_92 = tpu.memref_slice %arg4[%add3A_72, %dma_wait3A_91] : memref<165888x128xf32, #tpu.memory_space<hbm>> -> memref<96x128xf32, #tpu.memory_space<hbm>>
      %dma_wait3A_93 = arith.constant 0 : i32
      %dma_wait3A_94 = tpu.memref_slice %arg4[%add3A_72, %dma_wait3A_93] : memref<165888x128xf32, #tpu.memory_space<hbm>> -> memref<96x128xf32, #tpu.memory_space<hbm>>
      tpu.wait_dma2 semaphore(%arg14 : memref<!tpu.dma_semaphore, #tpu.memory_space<semaphore_mem>>) src(%dma_wait3A_94 : memref<96x128xf32, #tpu.memory_space<hbm>>) dst(%arg10 : memref<96x128xf32, #tpu.memory_space<vmem>>)
      %add3A_95 = arith.constant 1 : i32
      %add3A_96 = arith.addi %add3A_69, %add3A_95 : i32
      %lt3A = arith.constant 54 : i32
      %lt3A_97 = arith.cmpi slt, %add3A_96, %lt3A : i32
      %convert_element_type3A = arith.extui %lt3A_97 : i1 to i32
      %cond3A = arith.constant 0 : i32
      %cond3A_98 = arith.cmpi ne, %convert_element_type3A, %cond3A : i32
      scf.if %cond3A_98 {
        %ge3A = arith.constant 1 : i32
        %ge3A_164 = arith.cmpi sge, %add3A_69, %ge3A : i32
        %convert_element_type3A_165 = arith.extui %ge3A_164 : i1 to i32
        %cond3A_166 = arith.constant 0 : i32
        %cond3A_167 = arith.cmpi ne, %convert_element_type3A_165, %cond3A_166 : i32
        scf.if %cond3A_167 {
          %dma_wait3A_195 = arith.constant 1 : i32
          %dma_wait3A_196 = arith.constant 0 : i32
          %dma_wait3A_197 = tpu.memref_slice %arg9[%dma_wait3A_195, %dma_wait3A_196] : memref<2x96xi32, #tpu.memory_space<vmem>> -> memref<1x96xi32, #tpu.memory_space<vmem>>
          %dma_wait3A_198 = tpu.memref_squeeze %dma_wait3A_197 : memref<1x96xi32, #tpu.memory_space<vmem>> -> memref<96xi32, #tpu.memory_space<vmem>>
          %dma_wait3A_199 = arith.constant 0 : i32
          %dma_wait3A_200 = arith.constant 0 : i32
          %dma_wait3A_201 = tpu.memref_slice %arg8[%dma_wait3A_199, %dma_wait3A_200] : memref<10240x128xf32, #tpu.memory_space<vmem_shared>> -> memref<10240x128xf32, #tpu.memory_space<vmem_shared>>
          tpu.wait_indirect_dma semaphore(%arg17 : memref<!tpu.dma_semaphore, #tpu.memory_space<semaphore_mem>>) src(%arg11 : memref<96x128xf32, #tpu.memory_space<vmem>>) dst(%dma_wait3A_201 : memref<10240x128xf32, #tpu.memory_space<vmem_shared>>)
        } else {
        }
        %add3A_168 = arith.constant 1 : i32
        %add3A_169 = arith.addi %add3A_69, %add3A_168 : i32
        %mul3A_170 = arith.constant 96 : i32
        %mul3A_171 = arith.muli %add3A_169, %mul3A_170 : i32
        %add3A_172 = arith.addi %mul3A_2, %mul3A_171 : i32
        %dma_start3A_173 = arith.constant 1 : i32
        %dma_start3A_174 = arith.constant 0 : i32
        %dma_start3A_175 = tpu.memref_slice %arg9[%dma_start3A_173, %dma_start3A_174] : memref<2x96xi32, #tpu.memory_space<vmem>> -> memref<1x96xi32, #tpu.memory_space<vmem>>
        %dma_start3A_176 = tpu.memref_squeeze %dma_start3A_175 : memref<1x96xi32, #tpu.memory_space<vmem>> -> memref<96xi32, #tpu.memory_space<vmem>>
        %dma_start3A_177 = tpu.memref_slice %arg3[%add3A_172] : memref<165888xi32, #tpu.memory_space<hbm>> -> memref<96xi32, #tpu.memory_space<hbm>>
        %dma_start3A_178 = arith.constant 0 : i32
        %dma_start3A_179 = tpu.memref_slice %arg9[%dma_start3A_173, %dma_start3A_178] : memref<2x96xi32, #tpu.memory_space<vmem>> -> memref<1x96xi32, #tpu.memory_space<vmem>>
        %dma_start3A_180 = tpu.memref_squeeze %dma_start3A_179 : memref<1x96xi32, #tpu.memory_space<vmem>> -> memref<96xi32, #tpu.memory_space<vmem>>
        %dma_start3A_181 = tpu.memref_slice %arg3[%add3A_172] : memref<165888xi32, #tpu.memory_space<hbm>> -> memref<96xi32, #tpu.memory_space<hbm>>
        tpu.enqueue_dma source(%dma_start3A_181 : memref<96xi32, #tpu.memory_space<hbm>>) target(%dma_start3A_180 : memref<96xi32, #tpu.memory_space<vmem>>) target_semaphore(%arg15 : memref<!tpu.dma_semaphore, #tpu.memory_space<semaphore_mem>>)
        %dma_start3A_182 = arith.constant 1 : i32
        %dma_start3A_183 = arith.constant 0 : i32
        %dma_start3A_184 = tpu.memref_slice %arg12[%dma_start3A_182, %dma_start3A_183] : memref<2x96xf32, #tpu.memory_space<vmem>> -> memref<1x96xf32, #tpu.memory_space<vmem>>
        %dma_start3A_185 = tpu.memref_squeeze %dma_start3A_184 : memref<1x96xf32, #tpu.memory_space<vmem>> -> memref<96xf32, #tpu.memory_space<vmem>>
        %dma_start3A_186 = tpu.memref_slice %arg5[%add3A_172] : memref<165888xf32, #tpu.memory_space<hbm>> -> memref<96xf32, #tpu.memory_space<hbm>>
        %dma_start3A_187 = arith.constant 0 : i32
        %dma_start3A_188 = tpu.memref_slice %arg12[%dma_start3A_182, %dma_start3A_187] : memref<2x96xf32, #tpu.memory_space<vmem>> -> memref<1x96xf32, #tpu.memory_space<vmem>>
        %dma_start3A_189 = tpu.memref_squeeze %dma_start3A_188 : memref<1x96xf32, #tpu.memory_space<vmem>> -> memref<96xf32, #tpu.memory_space<vmem>>
        %dma_start3A_190 = tpu.memref_slice %arg5[%add3A_172] : memref<165888xf32, #tpu.memory_space<hbm>> -> memref<96xf32, #tpu.memory_space<hbm>>
        tpu.enqueue_dma source(%dma_start3A_190 : memref<96xf32, #tpu.memory_space<hbm>>) target(%dma_start3A_189 : memref<96xf32, #tpu.memory_space<vmem>>) target_semaphore(%arg15 : memref<!tpu.dma_semaphore, #tpu.memory_space<semaphore_mem>>)
        %dma_start3A_191 = arith.constant 0 : i32
        %dma_start3A_192 = tpu.memref_slice %arg4[%add3A_172, %dma_start3A_191] : memref<165888x128xf32, #tpu.memory_space<hbm>> -> memref<96x128xf32, #tpu.memory_space<hbm>>
        %dma_start3A_193 = arith.constant 0 : i32
        %dma_start3A_194 = tpu.memref_slice %arg4[%add3A_172, %dma_start3A_193] : memref<165888x128xf32, #tpu.memory_space<hbm>> -> memref<96x128xf32, #tpu.memory_space<hbm>>
        tpu.enqueue_dma source(%dma_start3A_194 : memref<96x128xf32, #tpu.memory_space<hbm>>) target(%arg11 : memref<96x128xf32, #tpu.memory_space<vmem>>) target_semaphore(%arg15 : memref<!tpu.dma_semaphore, #tpu.memory_space<semaphore_mem>>)
      } else {
      }
      %dma_start3A_99 = arith.constant 0 : i32
      %dma_start3A_100 = arith.constant 0 : i32
      %dma_start3A_101 = tpu.memref_slice %arg9[%dma_start3A_99, %dma_start3A_100] : memref<2x96xi32, #tpu.memory_space<vmem>> -> memref<1x96xi32, #tpu.memory_space<vmem>>
      %dma_start3A_102 = tpu.memref_squeeze %dma_start3A_101 : memref<1x96xi32, #tpu.memory_space<vmem>> -> memref<96xi32, #tpu.memory_space<vmem>>
      %dma_start3A_103 = arith.constant 0 : i32
      %dma_start3A_104 = arith.constant 0 : i32
      %dma_start3A_105 = tpu.memref_slice %arg8[%dma_start3A_103, %dma_start3A_104] : memref<10240x128xf32, #tpu.memory_space<vmem_shared>> -> memref<10240x128xf32, #tpu.memory_space<vmem_shared>>
      tpu.enqueue_indirect_dma source(%arg10 : memref<96x128xf32, #tpu.memory_space<vmem>>) target(%dma_start3A_105 : memref<10240x128xf32, #tpu.memory_space<vmem_shared>>) offsets(%dma_start3A_102 : memref<96xi32, #tpu.memory_space<vmem>>) semaphore(%arg16 : memref<!tpu.dma_semaphore, #tpu.memory_space<semaphore_mem>>) {add = true}
      %scan3A_106 = arith.constant 0 : i32
      %scan3A_107 = arith.constant 0 : i32
      %scan3A_108 = arith.constant 6 : i32
      %scan3A_109 = arith.addi %scan3A_107, %scan3A_108 : i32
      %scan3A_110 = arith.constant 1 : i32
      %scan3A_111 = scf.for %scan3A_164 = %scan3A_107 to %scan3A_109 step %scan3A_110 iter_args(%scan3A_165 = %scan3A_106) -> (i32)  : i32 {
        %mul3A_166 = arith.constant 16 : i32
        %mul3A_167 = arith.muli %scan3A_164, %mul3A_166 : i32
        %get3A = arith.constant 0 : i32
        %get3A_168 = arith.index_cast %get3A : i32 to index
        %get3A_169 = arith.index_cast %mul3A_167 : i32 to index
        %get3A_170 = tpu.vector_load %arg9[%get3A_168, %get3A_169] {strides = array<i32>} : memref<2x96xi32, #tpu.memory_space<vmem>>, vector<16xi32>,
        %mul3A_171 = arith.constant 16 : i32
        %mul3A_172 = arith.muli %scan3A_164, %mul3A_171 : i32
        %get3A_173 = arith.constant 0 : i32
        %get3A_174 = arith.index_cast %get3A_173 : i32 to index
        %get3A_175 = arith.index_cast %mul3A_172 : i32 to index
        %get3A_176 = tpu.vector_load %arg12[%get3A_174, %get3A_175] {strides = array<i32>} : memref<2x96xf32, #tpu.memory_space<vmem>>, vector<16xf32>,
        tpu.vector_store_idx %arg13[%get3A_170], %get3A_176 {add = true} : memref<10240xf32, #tpu.memory_space<vmem>>[vector<16xi32>], vector<16xf32>,
        %scan3A_177 = arith.constant 0 : i32
        scf.yield %scan3A_177 : i32
      }
      %scan3A_112 = arith.constant 6 : i32
      %mul3A_113 = arith.constant 2 : i32
      %mul3A_114 = arith.muli %mul3A_113, %scan3A_64 : i32
      %add3A_115 = arith.constant 1 : i32
      %add3A_116 = arith.addi %mul3A_114, %add3A_115 : i32
      %mul3A_117 = arith.constant 96 : i32
      %mul3A_118 = arith.muli %add3A_116, %mul3A_117 : i32
      %add3A_119 = arith.addi %mul3A_2, %mul3A_118 : i32
      %dma_wait3A_120 = arith.constant 1 : i32
      %dma_wait3A_121 = arith.constant 0 : i32
      %dma_wait3A_122 = tpu.memref_slice %arg9[%dma_wait3A_120, %dma_wait3A_121] : memref<2x96xi32, #tpu.memory_space<vmem>> -> memref<1x96xi32, #tpu.memory_space<vmem>>
      %dma_wait3A_123 = tpu.memref_squeeze %dma_wait3A_122 : memref<1x96xi32, #tpu.memory_space<vmem>> -> memref<96xi32, #tpu.memory_space<vmem>>
      %dma_wait3A_124 = tpu.memref_slice %arg3[%add3A_119] : memref<165888xi32, #tpu.memory_space<hbm>> -> memref<96xi32, #tpu.memory_space<hbm>>
      %dma_wait3A_125 = arith.constant 0 : i32
      %dma_wait3A_126 = tpu.memref_slice %arg9[%dma_wait3A_120, %dma_wait3A_125] : memref<2x96xi32, #tpu.memory_space<vmem>> -> memref<1x96xi32, #tpu.memory_space<vmem>>
      %dma_wait3A_127 = tpu.memref_squeeze %dma_wait3A_126 : memref<1x96xi32, #tpu.memory_space<vmem>> -> memref<96xi32, #tpu.memory_space<vmem>>
      %dma_wait3A_128 = tpu.memref_slice %arg3[%add3A_119] : memref<165888xi32, #tpu.memory_space<hbm>> -> memref<96xi32, #tpu.memory_space<hbm>>
      tpu.wait_dma2 semaphore(%arg15 : memref<!tpu.dma_semaphore, #tpu.memory_space<semaphore_mem>>) src(%dma_wait3A_128 : memref<96xi32, #tpu.memory_space<hbm>>) dst(%dma_wait3A_127 : memref<96xi32, #tpu.memory_space<vmem>>)
      %dma_wait3A_129 = arith.constant 1 : i32
      %dma_wait3A_130 = arith.constant 0 : i32
      %dma_wait3A_131 = tpu.memref_slice %arg12[%dma_wait3A_129, %dma_wait3A_130] : memref<2x96xf32, #tpu.memory_space<vmem>> -> memref<1x96xf32, #tpu.memory_space<vmem>>
      %dma_wait3A_132 = tpu.memref_squeeze %dma_wait3A_131 : memref<1x96xf32, #tpu.memory_space<vmem>> -> memref<96xf32, #tpu.memory_space<vmem>>
      %dma_wait3A_133 = tpu.memref_slice %arg5[%add3A_119] : memref<165888xf32, #tpu.memory_space<hbm>> -> memref<96xf32, #tpu.memory_space<hbm>>
      %dma_wait3A_134 = arith.constant 0 : i32
      %dma_wait3A_135 = tpu.memref_slice %arg12[%dma_wait3A_129, %dma_wait3A_134] : memref<2x96xf32, #tpu.memory_space<vmem>> -> memref<1x96xf32, #tpu.memory_space<vmem>>
      %dma_wait3A_136 = tpu.memref_squeeze %dma_wait3A_135 : memref<1x96xf32, #tpu.memory_space<vmem>> -> memref<96xf32, #tpu.memory_space<vmem>>
      %dma_wait3A_137 = tpu.memref_slice %arg5[%add3A_119] : memref<165888xf32, #tpu.memory_space<hbm>> -> memref<96xf32, #tpu.memory_space<hbm>>
      tpu.wait_dma2 semaphore(%arg15 : memref<!tpu.dma_semaphore, #tpu.memory_space<semaphore_mem>>) src(%dma_wait3A_137 : memref<96xf32, #tpu.memory_space<hbm>>) dst(%dma_wait3A_136 : memref<96xf32, #tpu.memory_space<vmem>>)
      %dma_wait3A_138 = arith.constant 0 : i32
      %dma_wait3A_139 = tpu.memref_slice %arg4[%add3A_119, %dma_wait3A_138] : memref<165888x128xf32, #tpu.memory_space<hbm>> -> memref<96x128xf32, #tpu.memory_space<hbm>>
      %dma_wait3A_140 = arith.constant 0 : i32
      %dma_wait3A_141 = tpu.memref_slice %arg4[%add3A_119, %dma_wait3A_140] : memref<165888x128xf32, #tpu.memory_space<hbm>> -> memref<96x128xf32, #tpu.memory_space<hbm>>
      tpu.wait_dma2 semaphore(%arg15 : memref<!tpu.dma_semaphore, #tpu.memory_space<semaphore_mem>>) src(%dma_wait3A_141 : memref<96x128xf32, #tpu.memory_space<hbm>>) dst(%arg11 : memref<96x128xf32, #tpu.memory_space<vmem>>)
      %add3A_142 = arith.constant 1 : i32
      %add3A_143 = arith.addi %add3A_116, %add3A_142 : i32
      %lt3A_144 = arith.constant 54 : i32
      %lt3A_145 = arith.cmpi slt, %add3A_143, %lt3A_144 : i32
      %convert_element_type3A_146 = arith.extui %lt3A_145 : i1 to i32
      %cond3A_147 = arith.constant 0 : i32
      %cond3A_148 = arith.cmpi ne, %convert_element_type3A_146, %cond3A_147 : i32
      scf.if %cond3A_148 {
        %ge3A = arith.constant 1 : i32
        %ge3A_164 = arith.cmpi sge, %add3A_116, %ge3A : i32
        %convert_element_type3A_165 = arith.extui %ge3A_164 : i1 to i32
        %cond3A_166 = arith.constant 0 : i32
        %cond3A_167 = arith.cmpi ne, %convert_element_type3A_165, %cond3A_166 : i32
        scf.if %cond3A_167 {
          %dma_wait3A_195 = arith.constant 0 : i32
          %dma_wait3A_196 = arith.constant 0 : i32
          %dma_wait3A_197 = tpu.memref_slice %arg9[%dma_wait3A_195, %dma_wait3A_196] : memref<2x96xi32, #tpu.memory_space<vmem>> -> memref<1x96xi32, #tpu.memory_space<vmem>>
          %dma_wait3A_198 = tpu.memref_squeeze %dma_wait3A_197 : memref<1x96xi32, #tpu.memory_space<vmem>> -> memref<96xi32, #tpu.memory_space<vmem>>
          %dma_wait3A_199 = arith.constant 0 : i32
          %dma_wait3A_200 = arith.constant 0 : i32
          %dma_wait3A_201 = tpu.memref_slice %arg8[%dma_wait3A_199, %dma_wait3A_200] : memref<10240x128xf32, #tpu.memory_space<vmem_shared>> -> memref<10240x128xf32, #tpu.memory_space<vmem_shared>>
          tpu.wait_indirect_dma semaphore(%arg16 : memref<!tpu.dma_semaphore, #tpu.memory_space<semaphore_mem>>) src(%arg10 : memref<96x128xf32, #tpu.memory_space<vmem>>) dst(%dma_wait3A_201 : memref<10240x128xf32, #tpu.memory_space<vmem_shared>>)
        } else {
        }
        %add3A_168 = arith.constant 1 : i32
        %add3A_169 = arith.addi %add3A_116, %add3A_168 : i32
        %mul3A_170 = arith.constant 96 : i32
        %mul3A_171 = arith.muli %add3A_169, %mul3A_170 : i32
        %add3A_172 = arith.addi %mul3A_2, %mul3A_171 : i32
        %dma_start3A_173 = arith.constant 0 : i32
        %dma_start3A_174 = arith.constant 0 : i32
        %dma_start3A_175 = tpu.memref_slice %arg9[%dma_start3A_173, %dma_start3A_174] : memref<2x96xi32, #tpu.memory_space<vmem>> -> memref<1x96xi32, #tpu.memory_space<vmem>>
        %dma_start3A_176 = tpu.memref_squeeze %dma_start3A_175 : memref<1x96xi32, #tpu.memory_space<vmem>> -> memref<96xi32, #tpu.memory_space<vmem>>
        %dma_start3A_177 = tpu.memref_slice %arg3[%add3A_172] : memref<165888xi32, #tpu.memory_space<hbm>> -> memref<96xi32, #tpu.memory_space<hbm>>
        %dma_start3A_178 = arith.constant 0 : i32
        %dma_start3A_179 = tpu.memref_slice %arg9[%dma_start3A_173, %dma_start3A_178] : memref<2x96xi32, #tpu.memory_space<vmem>> -> memref<1x96xi32, #tpu.memory_space<vmem>>
        %dma_start3A_180 = tpu.memref_squeeze %dma_start3A_179 : memref<1x96xi32, #tpu.memory_space<vmem>> -> memref<96xi32, #tpu.memory_space<vmem>>
        %dma_start3A_181 = tpu.memref_slice %arg3[%add3A_172] : memref<165888xi32, #tpu.memory_space<hbm>> -> memref<96xi32, #tpu.memory_space<hbm>>
        tpu.enqueue_dma source(%dma_start3A_181 : memref<96xi32, #tpu.memory_space<hbm>>) target(%dma_start3A_180 : memref<96xi32, #tpu.memory_space<vmem>>) target_semaphore(%arg14 : memref<!tpu.dma_semaphore, #tpu.memory_space<semaphore_mem>>)
        %dma_start3A_182 = arith.constant 0 : i32
        %dma_start3A_183 = arith.constant 0 : i32
        %dma_start3A_184 = tpu.memref_slice %arg12[%dma_start3A_182, %dma_start3A_183] : memref<2x96xf32, #tpu.memory_space<vmem>> -> memref<1x96xf32, #tpu.memory_space<vmem>>
        %dma_start3A_185 = tpu.memref_squeeze %dma_start3A_184 : memref<1x96xf32, #tpu.memory_space<vmem>> -> memref<96xf32, #tpu.memory_space<vmem>>
        %dma_start3A_186 = tpu.memref_slice %arg5[%add3A_172] : memref<165888xf32, #tpu.memory_space<hbm>> -> memref<96xf32, #tpu.memory_space<hbm>>
        %dma_start3A_187 = arith.constant 0 : i32
        %dma_start3A_188 = tpu.memref_slice %arg12[%dma_start3A_182, %dma_start3A_187] : memref<2x96xf32, #tpu.memory_space<vmem>> -> memref<1x96xf32, #tpu.memory_space<vmem>>
        %dma_start3A_189 = tpu.memref_squeeze %dma_start3A_188 : memref<1x96xf32, #tpu.memory_space<vmem>> -> memref<96xf32, #tpu.memory_space<vmem>>
        %dma_start3A_190 = tpu.memref_slice %arg5[%add3A_172] : memref<165888xf32, #tpu.memory_space<hbm>> -> memref<96xf32, #tpu.memory_space<hbm>>
        tpu.enqueue_dma source(%dma_start3A_190 : memref<96xf32, #tpu.memory_space<hbm>>) target(%dma_start3A_189 : memref<96xf32, #tpu.memory_space<vmem>>) target_semaphore(%arg14 : memref<!tpu.dma_semaphore, #tpu.memory_space<semaphore_mem>>)
        %dma_start3A_191 = arith.constant 0 : i32
        %dma_start3A_192 = tpu.memref_slice %arg4[%add3A_172, %dma_start3A_191] : memref<165888x128xf32, #tpu.memory_space<hbm>> -> memref<96x128xf32, #tpu.memory_space<hbm>>
        %dma_start3A_193 = arith.constant 0 : i32
        %dma_start3A_194 = tpu.memref_slice %arg4[%add3A_172, %dma_start3A_193] : memref<165888x128xf32, #tpu.memory_space<hbm>> -> memref<96x128xf32, #tpu.memory_space<hbm>>
        tpu.enqueue_dma source(%dma_start3A_194 : memref<96x128xf32, #tpu.memory_space<hbm>>) target(%arg10 : memref<96x128xf32, #tpu.memory_space<vmem>>) target_semaphore(%arg14 : memref<!tpu.dma_semaphore, #tpu.memory_space<semaphore_mem>>)
      } else {
      }
      %dma_start3A_149 = arith.constant 1 : i32
      %dma_start3A_150 = arith.constant 0 : i32
      %dma_start3A_151 = tpu.memref_slice %arg9[%dma_start3A_149, %dma_start3A_150] : memref<2x96xi32, #tpu.memory_space<vmem>> -> memref<1x96xi32, #tpu.memory_space<vmem>>
      %dma_start3A_152 = tpu.memref_squeeze %dma_start3A_151 : memref<1x96xi32, #tpu.memory_space<vmem>> -> memref<96xi32, #tpu.memory_space<vmem>>
      %dma_start3A_153 = arith.constant 0 : i32
      %dma_start3A_154 = arith.constant 0 : i32
      %dma_start3A_155 = tpu.memref_slice %arg8[%dma_start3A_153, %dma_start3A_154] : memref<10240x128xf32, #tpu.memory_space<vmem_shared>> -> memref<10240x128xf32, #tpu.memory_space<vmem_shared>>
      tpu.enqueue_indirect_dma source(%arg11 : memref<96x128xf32, #tpu.memory_space<vmem>>) target(%dma_start3A_155 : memref<10240x128xf32, #tpu.memory_space<vmem_shared>>) offsets(%dma_start3A_152 : memref<96xi32, #tpu.memory_space<vmem>>) semaphore(%arg17 : memref<!tpu.dma_semaphore, #tpu.memory_space<semaphore_mem>>) {add = true}
      %scan3A_156 = arith.constant 0 : i32
      %scan3A_157 = arith.constant 0 : i32
      %scan3A_158 = arith.constant 6 : i32
      %scan3A_159 = arith.addi %scan3A_157, %scan3A_158 : i32
      %scan3A_160 = arith.constant 1 : i32
      %scan3A_161 = scf.for %scan3A_164 = %scan3A_157 to %scan3A_159 step %scan3A_160 iter_args(%scan3A_165 = %scan3A_156) -> (i32)  : i32 {
        %mul3A_166 = arith.constant 16 : i32
        %mul3A_167 = arith.muli %scan3A_164, %mul3A_166 : i32
        %get3A = arith.constant 1 : i32
        %get3A_168 = arith.index_cast %get3A : i32 to index
        %get3A_169 = arith.index_cast %mul3A_167 : i32 to index
        %get3A_170 = tpu.vector_load %arg9[%get3A_168, %get3A_169] {strides = array<i32>} : memref<2x96xi32, #tpu.memory_space<vmem>>, vector<16xi32>,
        %mul3A_171 = arith.constant 16 : i32
        %mul3A_172 = arith.muli %scan3A_164, %mul3A_171 : i32
        %get3A_173 = arith.constant 1 : i32
        %get3A_174 = arith.index_cast %get3A_173 : i32 to index
        %get3A_175 = arith.index_cast %mul3A_172 : i32 to index
        %get3A_176 = tpu.vector_load %arg12[%get3A_174, %get3A_175] {strides = array<i32>} : memref<2x96xf32, #tpu.memory_space<vmem>>, vector<16xf32>,
        tpu.vector_store_idx %arg13[%get3A_170], %get3A_176 {add = true} : memref<10240xf32, #tpu.memory_space<vmem>>[vector<16xi32>], vector<16xf32>,
        %scan3A_177 = arith.constant 0 : i32
        scf.yield %scan3A_177 : i32
      }
      %scan3A_162 = arith.constant 6 : i32
      %scan3A_163 = arith.constant 0 : i32
      scf.yield %scan3A_163 : i32
    }
    %scan3A_42 = arith.constant 27 : i32
    %dma_wait3A = arith.constant 0 : i32
    %dma_wait3A_43 = arith.constant 0 : i32
    %dma_wait3A_44 = tpu.memref_slice %arg9[%dma_wait3A, %dma_wait3A_43] : memref<2x96xi32, #tpu.memory_space<vmem>> -> memref<1x96xi32, #tpu.memory_space<vmem>>
    %dma_wait3A_45 = tpu.memref_squeeze %dma_wait3A_44 : memref<1x96xi32, #tpu.memory_space<vmem>> -> memref<96xi32, #tpu.memory_space<vmem>>
    %dma_wait3A_46 = arith.constant 0 : i32
    %dma_wait3A_47 = arith.constant 0 : i32
    %dma_wait3A_48 = tpu.memref_slice %arg8[%dma_wait3A_46, %dma_wait3A_47] : memref<10240x128xf32, #tpu.memory_space<vmem_shared>> -> memref<10240x128xf32, #tpu.memory_space<vmem_shared>>
    tpu.wait_indirect_dma semaphore(%arg16 : memref<!tpu.dma_semaphore, #tpu.memory_space<semaphore_mem>>) src(%arg10 : memref<96x128xf32, #tpu.memory_space<vmem>>) dst(%dma_wait3A_48 : memref<10240x128xf32, #tpu.memory_space<vmem_shared>>)
    %dma_wait3A_49 = arith.constant 1 : i32
    %dma_wait3A_50 = arith.constant 0 : i32
    %dma_wait3A_51 = tpu.memref_slice %arg9[%dma_wait3A_49, %dma_wait3A_50] : memref<2x96xi32, #tpu.memory_space<vmem>> -> memref<1x96xi32, #tpu.memory_space<vmem>>
    %dma_wait3A_52 = tpu.memref_squeeze %dma_wait3A_51 : memref<1x96xi32, #tpu.memory_space<vmem>> -> memref<96xi32, #tpu.memory_space<vmem>>
    %dma_wait3A_53 = arith.constant 0 : i32
    %dma_wait3A_54 = arith.constant 0 : i32
    %dma_wait3A_55 = tpu.memref_slice %arg8[%dma_wait3A_53, %dma_wait3A_54] : memref<10240x128xf32, #tpu.memory_space<vmem_shared>> -> memref<10240x128xf32, #tpu.memory_space<vmem_shared>>
    tpu.wait_indirect_dma semaphore(%arg17 : memref<!tpu.dma_semaphore, #tpu.memory_space<semaphore_mem>>) src(%arg11 : memref<96x128xf32, #tpu.memory_space<vmem>>) dst(%dma_wait3A_55 : memref<10240x128xf32, #tpu.memory_space<vmem_shared>>)
    %barrier3A_56 = arith.constant 0 : index
    tpu.barrier barrier_id(%barrier3A_56)
    %mul3A_57 = arith.constant 640 : i32
    %mul3A_58 = arith.muli %arg1, %mul3A_57 : i32
    %mul3A_59 = arith.constant 10240 : i32
    %mul3A_60 = arith.muli %arg0, %mul3A_59 : i32
    %mul3A_61 = arith.constant 640 : i32
    %mul3A_62 = arith.muli %arg1, %mul3A_61 : i32
    %add3A_63 = arith.addi %mul3A_60, %mul3A_62 : i32
    "tpu.region"() ({
      %run_scoped3A = tpu.sem_alloc : memref<!tpu.dma_semaphore, #tpu.memory_space<semaphore_mem>>
      %dma_start3A_64 = arith.constant 0 : i32
      %dma_start3A_65 = tpu.memref_slice %arg6[%add3A_63, %dma_start3A_64] : memref<20480x128xf32, #tpu.memory_space<hbm>> -> memref<640x128xf32, #tpu.memory_space<hbm>>
      %dma_start3A_66 = arith.constant 0 : i32
      %dma_start3A_67 = tpu.memref_slice %arg8[%mul3A_58, %dma_start3A_66] : memref<10240x128xf32, #tpu.memory_space<vmem_shared>> -> memref<640x128xf32, #tpu.memory_space<vmem_shared>>
      tpu.enqueue_dma source(%dma_start3A_67 : memref<640x128xf32, #tpu.memory_space<vmem_shared>>) target(%dma_start3A_65 : memref<640x128xf32, #tpu.memory_space<hbm>>) target_semaphore(%run_scoped3A : memref<!tpu.dma_semaphore, #tpu.memory_space<semaphore_mem>>)
      %dma_wait3A_68 = arith.constant 0 : i32
      %dma_wait3A_69 = tpu.memref_slice %arg6[%add3A_63, %dma_wait3A_68] : memref<20480x128xf32, #tpu.memory_space<hbm>> -> memref<640x128xf32, #tpu.memory_space<hbm>>
      %dma_wait3A_70 = arith.constant 0 : i32
      %dma_wait3A_71 = tpu.memref_slice %arg8[%mul3A_58, %dma_wait3A_70] : memref<10240x128xf32, #tpu.memory_space<vmem_shared>> -> memref<640x128xf32, #tpu.memory_space<vmem_shared>>
      tpu.wait_dma2 semaphore(%run_scoped3A : memref<!tpu.dma_semaphore, #tpu.memory_space<semaphore_mem>>) src(%dma_wait3A_71 : memref<640x128xf32, #tpu.memory_space<vmem_shared>>) dst(%dma_wait3A_69 : memref<640x128xf32, #tpu.memory_space<hbm>>)
      tpu.yield
    }) : () -> ()
    "tpu.region"() ({
      %run_scoped3A = tpu.sem_alloc : memref<!tpu.dma_semaphore, #tpu.memory_space<semaphore_mem>>
      %dma_start3A_64 = arith.constant 0 : i32
      %dma_start3A_65 = tpu.memref_slice %arg7[%add3A, %dma_start3A_64] : memref<32x10240xf32, #tpu.memory_space<hbm>> -> memref<1x10240xf32, #tpu.memory_space<hbm>>
      %dma_start3A_66 = tpu.memref_squeeze %dma_start3A_65 : memref<1x10240xf32, #tpu.memory_space<hbm>> -> memref<10240xf32, #tpu.memory_space<hbm>>
      %dma_start3A_67 = arith.constant 0 : i32
      %dma_start3A_68 = tpu.memref_slice %arg7[%add3A, %dma_start3A_67] : memref<32x10240xf32, #tpu.memory_space<hbm>> -> memref<1x10240xf32, #tpu.memory_space<hbm>>
      %dma_start3A_69 = tpu.memref_squeeze %dma_start3A_68 : memref<1x10240xf32, #tpu.memory_space<hbm>> -> memref<10240xf32, #tpu.memory_space<hbm>>
      tpu.enqueue_dma source(%arg13 : memref<10240xf32, #tpu.memory_space<vmem>>) target(%dma_start3A_69 : memref<10240xf32, #tpu.memory_space<hbm>>) target_semaphore(%run_scoped3A : memref<!tpu.dma_semaphore, #tpu.memory_space<semaphore_mem>>)
      %dma_wait3A_70 = arith.constant 0 : i32
      %dma_wait3A_71 = tpu.memref_slice %arg7[%add3A, %dma_wait3A_70] : memref<32x10240xf32, #tpu.memory_space<hbm>> -> memref<1x10240xf32, #tpu.memory_space<hbm>>
      %dma_wait3A_72 = tpu.memref_squeeze %dma_wait3A_71 : memref<1x10240xf32, #tpu.memory_space<hbm>> -> memref<10240xf32, #tpu.memory_space<hbm>>
      %dma_wait3A_73 = arith.constant 0 : i32
      %dma_wait3A_74 = tpu.memref_slice %arg7[%add3A, %dma_wait3A_73] : memref<32x10240xf32, #tpu.memory_space<hbm>> -> memref<1x10240xf32, #tpu.memory_space<hbm>>
      %dma_wait3A_75 = tpu.memref_squeeze %dma_wait3A_74 : memref<1x10240xf32, #tpu.memory_space<hbm>> -> memref<10240xf32, #tpu.memory_space<hbm>>
      tpu.wait_dma2 semaphore(%run_scoped3A : memref<!tpu.dma_semaphore, #tpu.memory_space<semaphore_mem>>) src(%arg13 : memref<10240xf32, #tpu.memory_space<vmem>>) dst(%dma_wait3A_75 : memref<10240xf32, #tpu.memory_space<hbm>>)
      tpu.yield
    }) : () -> ()
    return
  }
}

#map = affine_map<(d0, d1) -> (0, 0)>
#map1 = affine_map<(d0, d1) -> (0)>
module attributes {stable_mosaic.version = 14 : i64} {
  func.func @_scatter_body(%arg0: i32, %arg1: i32, %arg2: memref<10240x128xf32, #tpu.memory_space<hbm>>, %arg3: memref<165888xi32, #tpu.memory_space<hbm>>, %arg4: memref<165888x128xf32, #tpu.memory_space<hbm>>, %arg5: memref<165888xf32, #tpu.memory_space<hbm>>, %arg6: memref<20480x128xf32, #tpu.memory_space<hbm>>, %arg7: memref<32x10240xf32, #tpu.memory_space<hbm>>, %arg8: memref<10240x128xf32, #tpu.memory_space<vmem_shared>>, %arg9: memref<2x96xi32, #tpu.memory_space<vmem>>, %arg10: memref<96x128xf32, #tpu.memory_space<vmem>>, %arg11: memref<96x128xf32, #tpu.memory_space<vmem>>, %arg12: memref<2x96xf32, #tpu.memory_space<vmem>>, %arg13: memref<10240xf32, #tpu.memory_space<vmem>>, %arg14: memref<!tpu.dma_semaphore, #tpu.memory_space<semaphore_mem>>, %arg15: memref<!tpu.dma_semaphore, #tpu.memory_space<semaphore_mem>>, %arg16: memref<!tpu.dma_semaphore, #tpu.memory_space<semaphore_mem>>, %arg17: memref<!tpu.dma_semaphore, #tpu.memory_space<semaphore_mem>>) attributes {dimension_semantics = [#tpu.dimension_semantics<core_parallel>, #tpu.dimension_semantics<subcore_parallel>], iteration_bounds = array<i64: 2, 16>, scalar_prefetch = 0 : i64, scratch_operands = 10 : i64, tpu.core_type = #tpu.core_type<sc_vector_subcore>, window_params = [{transform_indices = #map}, {transform_indices = #map1}, {transform_indices = #map}, {transform_indices = #map1}, {transform_indices = #map}, {transform_indices = #map}]} {
    %mul3A = arith.constant 2 : i32
    %mul3A_0 = arith.muli %arg1, %mul3A : i32
    %add3A = arith.addi %mul3A_0, %arg0 : i32
    %mul3A_1 = arith.constant 5184 : i32
    %mul3A_2 = arith.muli %add3A, %mul3A_1 : i32
    %mul3A_3 = arith.constant 640 : i32
    %mul3A_4 = arith.muli %arg1, %mul3A_3 : i32
    %mul3A_5 = arith.constant 640 : i32
    %mul3A_6 = arith.muli %arg1, %mul3A_5 : i32
    "tpu.region"() ({
      %run_scoped3A = tpu.sem_alloc : memref<!tpu.dma_semaphore, #tpu.memory_space<semaphore_mem>>
      %dma_start3A_64 = arith.constant 0 : i32
      %dma_start3A_65 = tpu.memref_slice %arg8[%mul3A_6, %dma_start3A_64] : memref<10240x128xf32, #tpu.memory_space<vmem_shared>> -> memref<640x128xf32, #tpu.memory_space<vmem_shared>>
      %dma_start3A_66 = arith.constant 0 : i32
      %dma_start3A_67 = tpu.memref_slice %arg2[%mul3A_4, %dma_start3A_66] : memref<10240x128xf32, #tpu.memory_space<hbm>> -> memref<640x128xf32, #tpu.memory_space<hbm>>
      tpu.enqueue_dma source(%dma_start3A_67 : memref<640x128xf32, #tpu.memory_space<hbm>>) target(%dma_start3A_65 : memref<640x128xf32, #tpu.memory_space<vmem_shared>>) target_semaphore(%run_scoped3A : memref<!tpu.dma_semaphore, #tpu.memory_space<semaphore_mem>>)
      %dma_wait3A_68 = arith.constant 0 : i32
      %dma_wait3A_69 = tpu.memref_slice %arg8[%mul3A_6, %dma_wait3A_68] : memref<10240x128xf32, #tpu.memory_space<vmem_shared>> -> memref<640x128xf32, #tpu.memory_space<vmem_shared>>
      %dma_wait3A_70 = arith.constant 0 : i32
      %dma_wait3A_71 = tpu.memref_slice %arg2[%mul3A_4, %dma_wait3A_70] : memref<10240x128xf32, #tpu.memory_space<hbm>> -> memref<640x128xf32, #tpu.memory_space<hbm>>
      tpu.wait_dma2 semaphore(%run_scoped3A : memref<!tpu.dma_semaphore, #tpu.memory_space<semaphore_mem>>) src(%dma_wait3A_71 : memref<640x128xf32, #tpu.memory_space<hbm>>) dst(%dma_wait3A_69 : memref<640x128xf32, #tpu.memory_space<vmem_shared>>)
      tpu.yield
    }) : () -> ()
    %scan3A = arith.constant 0 : i32
    %scan3A_7 = arith.constant 0 : i32
    %scan3A_8 = arith.constant 640 : i32
    %scan3A_9 = arith.addi %scan3A_7, %scan3A_8 : i32
    %scan3A_10 = arith.constant 1 : i32
    %scan3A_11 = scf.for %scan3A_64 = %scan3A_7 to %scan3A_9 step %scan3A_10 iter_args(%scan3A_65 = %scan3A) -> (i32)  : i32 {
      %broadcast_in_dim3A = arith.constant 0.000000e+00 : f32
      %broadcast_in_dim3A_66 = vector.broadcast %broadcast_in_dim3A : f32 to vector<16xf32>
      %mul3A_67 = arith.constant 16 : i32
      %mul3A_68 = arith.muli %scan3A_64, %mul3A_67 : i32
      %swap3A = arith.index_cast %mul3A_68 : i32 to index
      %swap3A_69 = tpu.vector_load %arg13[%swap3A] {strides = array<i32>} : memref<10240xf32, #tpu.memory_space<vmem>>, vector<16xf32>,
      tpu.vector_store %arg13[%swap3A], %broadcast_in_dim3A_66 {strides = array<i32>} : memref<10240xf32, #tpu.memory_space<vmem>>, vector<16xf32>,
      %scan3A_70 = arith.constant 0 : i32
      scf.yield %scan3A_70 : i32
    }
    %scan3A_12 = arith.constant 640 : i32
    %barrier3A = arith.constant 0 : index
    tpu.barrier barrier_id(%barrier3A)
    %add3A_13 = arith.constant 0 : i32
    %add3A_14 = arith.addi %mul3A_2, %add3A_13 : i32
    %dma_start3A = arith.constant 0 : i32
    %dma_start3A_15 = arith.constant 0 : i32
    %dma_start3A_16 = tpu.memref_slice %arg9[%dma_start3A, %dma_start3A_15] : memref<2x96xi32, #tpu.memory_space<vmem>> -> memref<1x96xi32, #tpu.memory_space<vmem>>
    %dma_start3A_17 = tpu.memref_squeeze %dma_start3A_16 : memref<1x96xi32, #tpu.memory_space<vmem>> -> memref<96xi32, #tpu.memory_space<vmem>>
    %dma_start3A_18 = tpu.memref_slice %arg3[%add3A_14] : memref<165888xi32, #tpu.memory_space<hbm>> -> memref<96xi32, #tpu.memory_space<hbm>>
    %dma_start3A_19 = arith.constant 0 : i32
    %dma_start3A_20 = tpu.memref_slice %arg9[%dma_start3A, %dma_start3A_19] : memref<2x96xi32, #tpu.memory_space<vmem>> -> memref<1x96xi32, #tpu.memory_space<vmem>>
    %dma_start3A_21 = tpu.memref_squeeze %dma_start3A_20 : memref<1x96xi32, #tpu.memory_space<vmem>> -> memref<96xi32, #tpu.memory_space<vmem>>
    %dma_start3A_22 = tpu.memref_slice %arg3[%add3A_14] : memref<165888xi32, #tpu.memory_space<hbm>> -> memref<96xi32, #tpu.memory_space<hbm>>
    tpu.enqueue_dma source(%dma_start3A_22 : memref<96xi32, #tpu.memory_space<hbm>>) target(%dma_start3A_21 : memref<96xi32, #tpu.memory_space<vmem>>) target_semaphore(%arg14 : memref<!tpu.dma_semaphore, #tpu.memory_space<semaphore_mem>>)
    %dma_start3A_23 = arith.constant 0 : i32
    %dma_start3A_24 = arith.constant 0 : i32
    %dma_start3A_25 = tpu.memref_slice %arg12[%dma_start3A_23, %dma_start3A_24] : memref<2x96xf32, #tpu.memory_space<vmem>> -> memref<1x96xf32, #tpu.memory_space<vmem>>
    %dma_start3A_26 = tpu.memref_squeeze %dma_start3A_25 : memref<1x96xf32, #tpu.memory_space<vmem>> -> memref<96xf32, #tpu.memory_space<vmem>>
    %dma_start3A_27 = tpu.memref_slice %arg5[%add3A_14] : memref<165888xf32, #tpu.memory_space<hbm>> -> memref<96xf32, #tpu.memory_space<hbm>>
    %dma_start3A_28 = arith.constant 0 : i32
    %dma_start3A_29 = tpu.memref_slice %arg12[%dma_start3A_23, %dma_start3A_28] : memref<2x96xf32, #tpu.memory_space<vmem>> -> memref<1x96xf32, #tpu.memory_space<vmem>>
    %dma_start3A_30 = tpu.memref_squeeze %dma_start3A_29 : memref<1x96xf32, #tpu.memory_space<vmem>> -> memref<96xf32, #tpu.memory_space<vmem>>
    %dma_start3A_31 = tpu.memref_slice %arg5[%add3A_14] : memref<165888xf32, #tpu.memory_space<hbm>> -> memref<96xf32, #tpu.memory_space<hbm>>
    tpu.enqueue_dma source(%dma_start3A_31 : memref<96xf32, #tpu.memory_space<hbm>>) target(%dma_start3A_30 : memref<96xf32, #tpu.memory_space<vmem>>) target_semaphore(%arg14 : memref<!tpu.dma_semaphore, #tpu.memory_space<semaphore_mem>>)
    %dma_start3A_32 = arith.constant 0 : i32
    %dma_start3A_33 = tpu.memref_slice %arg4[%add3A_14, %dma_start3A_32] : memref<165888x128xf32, #tpu.memory_space<hbm>> -> memref<96x128xf32, #tpu.memory_space<hbm>>
    %dma_start3A_34 = arith.constant 0 : i32
    %dma_start3A_35 = tpu.memref_slice %arg4[%add3A_14, %dma_start3A_34] : memref<165888x128xf32, #tpu.memory_space<hbm>> -> memref<96x128xf32, #tpu.memory_space<hbm>>
    tpu.enqueue_dma source(%dma_start3A_35 : memref<96x128xf32, #tpu.memory_space<hbm>>) target(%arg10 : memref<96x128xf32, #tpu.memory_space<vmem>>) target_semaphore(%arg14 : memref<!tpu.dma_semaphore, #tpu.memory_space<semaphore_mem>>)
    %scan3A_36 = arith.constant 0 : i32
    %scan3A_37 = arith.constant 0 : i32
    %scan3A_38 = arith.constant 27 : i32
    %scan3A_39 = arith.addi %scan3A_37, %scan3A_38 : i32
    %scan3A_40 = arith.constant 1 : i32
    %scan3A_41 = scf.for %scan3A_64 = %scan3A_37 to %scan3A_39 step %scan3A_40 iter_args(%scan3A_65 = %scan3A_36) -> (i32)  : i32 {
      %mul3A_66 = arith.constant 2 : i32
      %mul3A_67 = arith.muli %mul3A_66, %scan3A_64 : i32
      %add3A_68 = arith.constant 0 : i32
      %add3A_69 = arith.addi %mul3A_67, %add3A_68 : i32
      %mul3A_70 = arith.constant 96 : i32
      %mul3A_71 = arith.muli %add3A_69, %mul3A_70 : i32
      %add3A_72 = arith.addi %mul3A_2, %mul3A_71 : i32
      %dma_wait3A_73 = arith.constant 0 : i32
      %dma_wait3A_74 = arith.constant 0 : i32
      %dma_wait3A_75 = tpu.memref_slice %arg9[%dma_wait3A_73, %dma_wait3A_74] : memref<2x96xi32, #tpu.memory_space<vmem>> -> memref<1x96xi32, #tpu.memory_space<vmem>>
      %dma_wait3A_76 = tpu.memref_squeeze %dma_wait3A_75 : memref<1x96xi32, #tpu.memory_space<vmem>> -> memref<96xi32, #tpu.memory_space<vmem>>
      %dma_wait3A_77 = tpu.memref_slice %arg3[%add3A_72] : memref<165888xi32, #tpu.memory_space<hbm>> -> memref<96xi32, #tpu.memory_space<hbm>>
      %dma_wait3A_78 = arith.constant 0 : i32
      %dma_wait3A_79 = tpu.memref_slice %arg9[%dma_wait3A_73, %dma_wait3A_78] : memref<2x96xi32, #tpu.memory_space<vmem>> -> memref<1x96xi32, #tpu.memory_space<vmem>>
      %dma_wait3A_80 = tpu.memref_squeeze %dma_wait3A_79 : memref<1x96xi32, #tpu.memory_space<vmem>> -> memref<96xi32, #tpu.memory_space<vmem>>
      %dma_wait3A_81 = tpu.memref_slice %arg3[%add3A_72] : memref<165888xi32, #tpu.memory_space<hbm>> -> memref<96xi32, #tpu.memory_space<hbm>>
      tpu.wait_dma2 semaphore(%arg14 : memref<!tpu.dma_semaphore, #tpu.memory_space<semaphore_mem>>) src(%dma_wait3A_81 : memref<96xi32, #tpu.memory_space<hbm>>) dst(%dma_wait3A_80 : memref<96xi32, #tpu.memory_space<vmem>>)
      %dma_wait3A_82 = arith.constant 0 : i32
      %dma_wait3A_83 = arith.constant 0 : i32
      %dma_wait3A_84 = tpu.memref_slice %arg12[%dma_wait3A_82, %dma_wait3A_83] : memref<2x96xf32, #tpu.memory_space<vmem>> -> memref<1x96xf32, #tpu.memory_space<vmem>>
      %dma_wait3A_85 = tpu.memref_squeeze %dma_wait3A_84 : memref<1x96xf32, #tpu.memory_space<vmem>> -> memref<96xf32, #tpu.memory_space<vmem>>
      %dma_wait3A_86 = tpu.memref_slice %arg5[%add3A_72] : memref<165888xf32, #tpu.memory_space<hbm>> -> memref<96xf32, #tpu.memory_space<hbm>>
      %dma_wait3A_87 = arith.constant 0 : i32
      %dma_wait3A_88 = tpu.memref_slice %arg12[%dma_wait3A_82, %dma_wait3A_87] : memref<2x96xf32, #tpu.memory_space<vmem>> -> memref<1x96xf32, #tpu.memory_space<vmem>>
      %dma_wait3A_89 = tpu.memref_squeeze %dma_wait3A_88 : memref<1x96xf32, #tpu.memory_space<vmem>> -> memref<96xf32, #tpu.memory_space<vmem>>
      %dma_wait3A_90 = tpu.memref_slice %arg5[%add3A_72] : memref<165888xf32, #tpu.memory_space<hbm>> -> memref<96xf32, #tpu.memory_space<hbm>>
      tpu.wait_dma2 semaphore(%arg14 : memref<!tpu.dma_semaphore, #tpu.memory_space<semaphore_mem>>) src(%dma_wait3A_90 : memref<96xf32, #tpu.memory_space<hbm>>) dst(%dma_wait3A_89 : memref<96xf32, #tpu.memory_space<vmem>>)
      %dma_wait3A_91 = arith.constant 0 : i32
      %dma_wait3A_92 = tpu.memref_slice %arg4[%add3A_72, %dma_wait3A_91] : memref<165888x128xf32, #tpu.memory_space<hbm>> -> memref<96x128xf32, #tpu.memory_space<hbm>>
      %dma_wait3A_93 = arith.constant 0 : i32
      %dma_wait3A_94 = tpu.memref_slice %arg4[%add3A_72, %dma_wait3A_93] : memref<165888x128xf32, #tpu.memory_space<hbm>> -> memref<96x128xf32, #tpu.memory_space<hbm>>
      tpu.wait_dma2 semaphore(%arg14 : memref<!tpu.dma_semaphore, #tpu.memory_space<semaphore_mem>>) src(%dma_wait3A_94 : memref<96x128xf32, #tpu.memory_space<hbm>>) dst(%arg10 : memref<96x128xf32, #tpu.memory_space<vmem>>)
      %add3A_95 = arith.constant 1 : i32
      %add3A_96 = arith.addi %add3A_69, %add3A_95 : i32
      %lt3A = arith.constant 54 : i32
      %lt3A_97 = arith.cmpi slt, %add3A_96, %lt3A : i32
      %convert_element_type3A = arith.extui %lt3A_97 : i1 to i32
      %cond3A = arith.constant 0 : i32
      %cond3A_98 = arith.cmpi ne, %convert_element_type3A, %cond3A : i32
      scf.if %cond3A_98 {
        %ge3A = arith.constant 1 : i32
        %ge3A_164 = arith.cmpi sge, %add3A_69, %ge3A : i32
        %convert_element_type3A_165 = arith.extui %ge3A_164 : i1 to i32
        %cond3A_166 = arith.constant 0 : i32
        %cond3A_167 = arith.cmpi ne, %convert_element_type3A_165, %cond3A_166 : i32
        scf.if %cond3A_167 {
          %dma_wait3A_195 = arith.constant 1 : i32
          %dma_wait3A_196 = arith.constant 0 : i32
          %dma_wait3A_197 = tpu.memref_slice %arg9[%dma_wait3A_195, %dma_wait3A_196] : memref<2x96xi32, #tpu.memory_space<vmem>> -> memref<1x96xi32, #tpu.memory_space<vmem>>
          %dma_wait3A_198 = tpu.memref_squeeze %dma_wait3A_197 : memref<1x96xi32, #tpu.memory_space<vmem>> -> memref<96xi32, #tpu.memory_space<vmem>>
          %dma_wait3A_199 = arith.constant 0 : i32
          %dma_wait3A_200 = arith.constant 0 : i32
          %dma_wait3A_201 = tpu.memref_slice %arg8[%dma_wait3A_199, %dma_wait3A_200] : memref<10240x128xf32, #tpu.memory_space<vmem_shared>> -> memref<10240x128xf32, #tpu.memory_space<vmem_shared>>
          tpu.wait_indirect_dma semaphore(%arg17 : memref<!tpu.dma_semaphore, #tpu.memory_space<semaphore_mem>>) src(%arg11 : memref<96x128xf32, #tpu.memory_space<vmem>>) dst(%dma_wait3A_201 : memref<10240x128xf32, #tpu.memory_space<vmem_shared>>)
        } else {
        }
        %add3A_168 = arith.constant 1 : i32
        %add3A_169 = arith.addi %add3A_69, %add3A_168 : i32
        %mul3A_170 = arith.constant 96 : i32
        %mul3A_171 = arith.muli %add3A_169, %mul3A_170 : i32
        %add3A_172 = arith.addi %mul3A_2, %mul3A_171 : i32
        %dma_start3A_173 = arith.constant 1 : i32
        %dma_start3A_174 = arith.constant 0 : i32
        %dma_start3A_175 = tpu.memref_slice %arg9[%dma_start3A_173, %dma_start3A_174] : memref<2x96xi32, #tpu.memory_space<vmem>> -> memref<1x96xi32, #tpu.memory_space<vmem>>
        %dma_start3A_176 = tpu.memref_squeeze %dma_start3A_175 : memref<1x96xi32, #tpu.memory_space<vmem>> -> memref<96xi32, #tpu.memory_space<vmem>>
        %dma_start3A_177 = tpu.memref_slice %arg3[%add3A_172] : memref<165888xi32, #tpu.memory_space<hbm>> -> memref<96xi32, #tpu.memory_space<hbm>>
        %dma_start3A_178 = arith.constant 0 : i32
        %dma_start3A_179 = tpu.memref_slice %arg9[%dma_start3A_173, %dma_start3A_178] : memref<2x96xi32, #tpu.memory_space<vmem>> -> memref<1x96xi32, #tpu.memory_space<vmem>>
        %dma_start3A_180 = tpu.memref_squeeze %dma_start3A_179 : memref<1x96xi32, #tpu.memory_space<vmem>> -> memref<96xi32, #tpu.memory_space<vmem>>
        %dma_start3A_181 = tpu.memref_slice %arg3[%add3A_172] : memref<165888xi32, #tpu.memory_space<hbm>> -> memref<96xi32, #tpu.memory_space<hbm>>
        tpu.enqueue_dma source(%dma_start3A_181 : memref<96xi32, #tpu.memory_space<hbm>>) target(%dma_start3A_180 : memref<96xi32, #tpu.memory_space<vmem>>) target_semaphore(%arg15 : memref<!tpu.dma_semaphore, #tpu.memory_space<semaphore_mem>>)
        %dma_start3A_182 = arith.constant 1 : i32
        %dma_start3A_183 = arith.constant 0 : i32
        %dma_start3A_184 = tpu.memref_slice %arg12[%dma_start3A_182, %dma_start3A_183] : memref<2x96xf32, #tpu.memory_space<vmem>> -> memref<1x96xf32, #tpu.memory_space<vmem>>
        %dma_start3A_185 = tpu.memref_squeeze %dma_start3A_184 : memref<1x96xf32, #tpu.memory_space<vmem>> -> memref<96xf32, #tpu.memory_space<vmem>>
        %dma_start3A_186 = tpu.memref_slice %arg5[%add3A_172] : memref<165888xf32, #tpu.memory_space<hbm>> -> memref<96xf32, #tpu.memory_space<hbm>>
        %dma_start3A_187 = arith.constant 0 : i32
        %dma_start3A_188 = tpu.memref_slice %arg12[%dma_start3A_182, %dma_start3A_187] : memref<2x96xf32, #tpu.memory_space<vmem>> -> memref<1x96xf32, #tpu.memory_space<vmem>>
        %dma_start3A_189 = tpu.memref_squeeze %dma_start3A_188 : memref<1x96xf32, #tpu.memory_space<vmem>> -> memref<96xf32, #tpu.memory_space<vmem>>
        %dma_start3A_190 = tpu.memref_slice %arg5[%add3A_172] : memref<165888xf32, #tpu.memory_space<hbm>> -> memref<96xf32, #tpu.memory_space<hbm>>
        tpu.enqueue_dma source(%dma_start3A_190 : memref<96xf32, #tpu.memory_space<hbm>>) target(%dma_start3A_189 : memref<96xf32, #tpu.memory_space<vmem>>) target_semaphore(%arg15 : memref<!tpu.dma_semaphore, #tpu.memory_space<semaphore_mem>>)
        %dma_start3A_191 = arith.constant 0 : i32
        %dma_start3A_192 = tpu.memref_slice %arg4[%add3A_172, %dma_start3A_191] : memref<165888x128xf32, #tpu.memory_space<hbm>> -> memref<96x128xf32, #tpu.memory_space<hbm>>
        %dma_start3A_193 = arith.constant 0 : i32
        %dma_start3A_194 = tpu.memref_slice %arg4[%add3A_172, %dma_start3A_193] : memref<165888x128xf32, #tpu.memory_space<hbm>> -> memref<96x128xf32, #tpu.memory_space<hbm>>
        tpu.enqueue_dma source(%dma_start3A_194 : memref<96x128xf32, #tpu.memory_space<hbm>>) target(%arg11 : memref<96x128xf32, #tpu.memory_space<vmem>>) target_semaphore(%arg15 : memref<!tpu.dma_semaphore, #tpu.memory_space<semaphore_mem>>)
      } else {
      }
      %dma_start3A_99 = arith.constant 0 : i32
      %dma_start3A_100 = arith.constant 0 : i32
      %dma_start3A_101 = tpu.memref_slice %arg9[%dma_start3A_99, %dma_start3A_100] : memref<2x96xi32, #tpu.memory_space<vmem>> -> memref<1x96xi32, #tpu.memory_space<vmem>>
      %dma_start3A_102 = tpu.memref_squeeze %dma_start3A_101 : memref<1x96xi32, #tpu.memory_space<vmem>> -> memref<96xi32, #tpu.memory_space<vmem>>
      %dma_start3A_103 = arith.constant 0 : i32
      %dma_start3A_104 = arith.constant 0 : i32
      %dma_start3A_105 = tpu.memref_slice %arg8[%dma_start3A_103, %dma_start3A_104] : memref<10240x128xf32, #tpu.memory_space<vmem_shared>> -> memref<10240x128xf32, #tpu.memory_space<vmem_shared>>
      tpu.enqueue_indirect_dma source(%arg10 : memref<96x128xf32, #tpu.memory_space<vmem>>) target(%dma_start3A_105 : memref<10240x128xf32, #tpu.memory_space<vmem_shared>>) offsets(%dma_start3A_102 : memref<96xi32, #tpu.memory_space<vmem>>) semaphore(%arg16 : memref<!tpu.dma_semaphore, #tpu.memory_space<semaphore_mem>>) {add = true}
      %scan3A_106 = arith.constant 0 : i32
      %scan3A_107 = arith.constant 0 : i32
      %scan3A_108 = arith.constant 6 : i32
      %scan3A_109 = arith.addi %scan3A_107, %scan3A_108 : i32
      %scan3A_110 = arith.constant 1 : i32
      %scan3A_111 = scf.for %scan3A_164 = %scan3A_107 to %scan3A_109 step %scan3A_110 iter_args(%scan3A_165 = %scan3A_106) -> (i32)  : i32 {
        %mul3A_166 = arith.constant 16 : i32
        %mul3A_167 = arith.muli %scan3A_164, %mul3A_166 : i32
        %get3A = arith.constant 0 : i32
        %get3A_168 = arith.index_cast %get3A : i32 to index
        %get3A_169 = arith.index_cast %mul3A_167 : i32 to index
        %get3A_170 = tpu.vector_load %arg9[%get3A_168, %get3A_169] {strides = array<i32>} : memref<2x96xi32, #tpu.memory_space<vmem>>, vector<16xi32>,
        %mul3A_171 = arith.constant 16 : i32
        %mul3A_172 = arith.muli %scan3A_164, %mul3A_171 : i32
        %get3A_173 = arith.constant 0 : i32
        %get3A_174 = arith.index_cast %get3A_173 : i32 to index
        %get3A_175 = arith.index_cast %mul3A_172 : i32 to index
        %get3A_176 = tpu.vector_load %arg12[%get3A_174, %get3A_175] {strides = array<i32>} : memref<2x96xf32, #tpu.memory_space<vmem>>, vector<16xf32>,
        tpu.vector_store_idx %arg13[%get3A_170], %get3A_176 {add = true} : memref<10240xf32, #tpu.memory_space<vmem>>[vector<16xi32>], vector<16xf32>,
        %scan3A_177 = arith.constant 0 : i32
        scf.yield %scan3A_177 : i32
      }
      %scan3A_112 = arith.constant 6 : i32
      %mul3A_113 = arith.constant 2 : i32
      %mul3A_114 = arith.muli %mul3A_113, %scan3A_64 : i32
      %add3A_115 = arith.constant 1 : i32
      %add3A_116 = arith.addi %mul3A_114, %add3A_115 : i32
      %mul3A_117 = arith.constant 96 : i32
      %mul3A_118 = arith.muli %add3A_116, %mul3A_117 : i32
      %add3A_119 = arith.addi %mul3A_2, %mul3A_118 : i32
      %dma_wait3A_120 = arith.constant 1 : i32
      %dma_wait3A_121 = arith.constant 0 : i32
      %dma_wait3A_122 = tpu.memref_slice %arg9[%dma_wait3A_120, %dma_wait3A_121] : memref<2x96xi32, #tpu.memory_space<vmem>> -> memref<1x96xi32, #tpu.memory_space<vmem>>
      %dma_wait3A_123 = tpu.memref_squeeze %dma_wait3A_122 : memref<1x96xi32, #tpu.memory_space<vmem>> -> memref<96xi32, #tpu.memory_space<vmem>>
      %dma_wait3A_124 = tpu.memref_slice %arg3[%add3A_119] : memref<165888xi32, #tpu.memory_space<hbm>> -> memref<96xi32, #tpu.memory_space<hbm>>
      %dma_wait3A_125 = arith.constant 0 : i32
      %dma_wait3A_126 = tpu.memref_slice %arg9[%dma_wait3A_120, %dma_wait3A_125] : memref<2x96xi32, #tpu.memory_space<vmem>> -> memref<1x96xi32, #tpu.memory_space<vmem>>
      %dma_wait3A_127 = tpu.memref_squeeze %dma_wait3A_126 : memref<1x96xi32, #tpu.memory_space<vmem>> -> memref<96xi32, #tpu.memory_space<vmem>>
      %dma_wait3A_128 = tpu.memref_slice %arg3[%add3A_119] : memref<165888xi32, #tpu.memory_space<hbm>> -> memref<96xi32, #tpu.memory_space<hbm>>
      tpu.wait_dma2 semaphore(%arg15 : memref<!tpu.dma_semaphore, #tpu.memory_space<semaphore_mem>>) src(%dma_wait3A_128 : memref<96xi32, #tpu.memory_space<hbm>>) dst(%dma_wait3A_127 : memref<96xi32, #tpu.memory_space<vmem>>)
      %dma_wait3A_129 = arith.constant 1 : i32
      %dma_wait3A_130 = arith.constant 0 : i32
      %dma_wait3A_131 = tpu.memref_slice %arg12[%dma_wait3A_129, %dma_wait3A_130] : memref<2x96xf32, #tpu.memory_space<vmem>> -> memref<1x96xf32, #tpu.memory_space<vmem>>
      %dma_wait3A_132 = tpu.memref_squeeze %dma_wait3A_131 : memref<1x96xf32, #tpu.memory_space<vmem>> -> memref<96xf32, #tpu.memory_space<vmem>>
      %dma_wait3A_133 = tpu.memref_slice %arg5[%add3A_119] : memref<165888xf32, #tpu.memory_space<hbm>> -> memref<96xf32, #tpu.memory_space<hbm>>
      %dma_wait3A_134 = arith.constant 0 : i32
      %dma_wait3A_135 = tpu.memref_slice %arg12[%dma_wait3A_129, %dma_wait3A_134] : memref<2x96xf32, #tpu.memory_space<vmem>> -> memref<1x96xf32, #tpu.memory_space<vmem>>
      %dma_wait3A_136 = tpu.memref_squeeze %dma_wait3A_135 : memref<1x96xf32, #tpu.memory_space<vmem>> -> memref<96xf32, #tpu.memory_space<vmem>>
      %dma_wait3A_137 = tpu.memref_slice %arg5[%add3A_119] : memref<165888xf32, #tpu.memory_space<hbm>> -> memref<96xf32, #tpu.memory_space<hbm>>
      tpu.wait_dma2 semaphore(%arg15 : memref<!tpu.dma_semaphore, #tpu.memory_space<semaphore_mem>>) src(%dma_wait3A_137 : memref<96xf32, #tpu.memory_space<hbm>>) dst(%dma_wait3A_136 : memref<96xf32, #tpu.memory_space<vmem>>)
      %dma_wait3A_138 = arith.constant 0 : i32
      %dma_wait3A_139 = tpu.memref_slice %arg4[%add3A_119, %dma_wait3A_138] : memref<165888x128xf32, #tpu.memory_space<hbm>> -> memref<96x128xf32, #tpu.memory_space<hbm>>
      %dma_wait3A_140 = arith.constant 0 : i32
      %dma_wait3A_141 = tpu.memref_slice %arg4[%add3A_119, %dma_wait3A_140] : memref<165888x128xf32, #tpu.memory_space<hbm>> -> memref<96x128xf32, #tpu.memory_space<hbm>>
      tpu.wait_dma2 semaphore(%arg15 : memref<!tpu.dma_semaphore, #tpu.memory_space<semaphore_mem>>) src(%dma_wait3A_141 : memref<96x128xf32, #tpu.memory_space<hbm>>) dst(%arg11 : memref<96x128xf32, #tpu.memory_space<vmem>>)
      %add3A_142 = arith.constant 1 : i32
      %add3A_143 = arith.addi %add3A_116, %add3A_142 : i32
      %lt3A_144 = arith.constant 54 : i32
      %lt3A_145 = arith.cmpi slt, %add3A_143, %lt3A_144 : i32
      %convert_element_type3A_146 = arith.extui %lt3A_145 : i1 to i32
      %cond3A_147 = arith.constant 0 : i32
      %cond3A_148 = arith.cmpi ne, %convert_element_type3A_146, %cond3A_147 : i32
      scf.if %cond3A_148 {
        %ge3A = arith.constant 1 : i32
        %ge3A_164 = arith.cmpi sge, %add3A_116, %ge3A : i32
        %convert_element_type3A_165 = arith.extui %ge3A_164 : i1 to i32
        %cond3A_166 = arith.constant 0 : i32
        %cond3A_167 = arith.cmpi ne, %convert_element_type3A_165, %cond3A_166 : i32
        scf.if %cond3A_167 {
          %dma_wait3A_195 = arith.constant 0 : i32
          %dma_wait3A_196 = arith.constant 0 : i32
          %dma_wait3A_197 = tpu.memref_slice %arg9[%dma_wait3A_195, %dma_wait3A_196] : memref<2x96xi32, #tpu.memory_space<vmem>> -> memref<1x96xi32, #tpu.memory_space<vmem>>
          %dma_wait3A_198 = tpu.memref_squeeze %dma_wait3A_197 : memref<1x96xi32, #tpu.memory_space<vmem>> -> memref<96xi32, #tpu.memory_space<vmem>>
          %dma_wait3A_199 = arith.constant 0 : i32
          %dma_wait3A_200 = arith.constant 0 : i32
          %dma_wait3A_201 = tpu.memref_slice %arg8[%dma_wait3A_199, %dma_wait3A_200] : memref<10240x128xf32, #tpu.memory_space<vmem_shared>> -> memref<10240x128xf32, #tpu.memory_space<vmem_shared>>
          tpu.wait_indirect_dma semaphore(%arg16 : memref<!tpu.dma_semaphore, #tpu.memory_space<semaphore_mem>>) src(%arg10 : memref<96x128xf32, #tpu.memory_space<vmem>>) dst(%dma_wait3A_201 : memref<10240x128xf32, #tpu.memory_space<vmem_shared>>)
        } else {
        }
        %add3A_168 = arith.constant 1 : i32
        %add3A_169 = arith.addi %add3A_116, %add3A_168 : i32
        %mul3A_170 = arith.constant 96 : i32
        %mul3A_171 = arith.muli %add3A_169, %mul3A_170 : i32
        %add3A_172 = arith.addi %mul3A_2, %mul3A_171 : i32
        %dma_start3A_173 = arith.constant 0 : i32
        %dma_start3A_174 = arith.constant 0 : i32
        %dma_start3A_175 = tpu.memref_slice %arg9[%dma_start3A_173, %dma_start3A_174] : memref<2x96xi32, #tpu.memory_space<vmem>> -> memref<1x96xi32, #tpu.memory_space<vmem>>
        %dma_start3A_176 = tpu.memref_squeeze %dma_start3A_175 : memref<1x96xi32, #tpu.memory_space<vmem>> -> memref<96xi32, #tpu.memory_space<vmem>>
        %dma_start3A_177 = tpu.memref_slice %arg3[%add3A_172] : memref<165888xi32, #tpu.memory_space<hbm>> -> memref<96xi32, #tpu.memory_space<hbm>>
        %dma_start3A_178 = arith.constant 0 : i32
        %dma_start3A_179 = tpu.memref_slice %arg9[%dma_start3A_173, %dma_start3A_178] : memref<2x96xi32, #tpu.memory_space<vmem>> -> memref<1x96xi32, #tpu.memory_space<vmem>>
        %dma_start3A_180 = tpu.memref_squeeze %dma_start3A_179 : memref<1x96xi32, #tpu.memory_space<vmem>> -> memref<96xi32, #tpu.memory_space<vmem>>
        %dma_start3A_181 = tpu.memref_slice %arg3[%add3A_172] : memref<165888xi32, #tpu.memory_space<hbm>> -> memref<96xi32, #tpu.memory_space<hbm>>
        tpu.enqueue_dma source(%dma_start3A_181 : memref<96xi32, #tpu.memory_space<hbm>>) target(%dma_start3A_180 : memref<96xi32, #tpu.memory_space<vmem>>) target_semaphore(%arg14 : memref<!tpu.dma_semaphore, #tpu.memory_space<semaphore_mem>>)
        %dma_start3A_182 = arith.constant 0 : i32
        %dma_start3A_183 = arith.constant 0 : i32
        %dma_start3A_184 = tpu.memref_slice %arg12[%dma_start3A_182, %dma_start3A_183] : memref<2x96xf32, #tpu.memory_space<vmem>> -> memref<1x96xf32, #tpu.memory_space<vmem>>
        %dma_start3A_185 = tpu.memref_squeeze %dma_start3A_184 : memref<1x96xf32, #tpu.memory_space<vmem>> -> memref<96xf32, #tpu.memory_space<vmem>>
        %dma_start3A_186 = tpu.memref_slice %arg5[%add3A_172] : memref<165888xf32, #tpu.memory_space<hbm>> -> memref<96xf32, #tpu.memory_space<hbm>>
        %dma_start3A_187 = arith.constant 0 : i32
        %dma_start3A_188 = tpu.memref_slice %arg12[%dma_start3A_182, %dma_start3A_187] : memref<2x96xf32, #tpu.memory_space<vmem>> -> memref<1x96xf32, #tpu.memory_space<vmem>>
        %dma_start3A_189 = tpu.memref_squeeze %dma_start3A_188 : memref<1x96xf32, #tpu.memory_space<vmem>> -> memref<96xf32, #tpu.memory_space<vmem>>
        %dma_start3A_190 = tpu.memref_slice %arg5[%add3A_172] : memref<165888xf32, #tpu.memory_space<hbm>> -> memref<96xf32, #tpu.memory_space<hbm>>
        tpu.enqueue_dma source(%dma_start3A_190 : memref<96xf32, #tpu.memory_space<hbm>>) target(%dma_start3A_189 : memref<96xf32, #tpu.memory_space<vmem>>) target_semaphore(%arg14 : memref<!tpu.dma_semaphore, #tpu.memory_space<semaphore_mem>>)
        %dma_start3A_191 = arith.constant 0 : i32
        %dma_start3A_192 = tpu.memref_slice %arg4[%add3A_172, %dma_start3A_191] : memref<165888x128xf32, #tpu.memory_space<hbm>> -> memref<96x128xf32, #tpu.memory_space<hbm>>
        %dma_start3A_193 = arith.constant 0 : i32
        %dma_start3A_194 = tpu.memref_slice %arg4[%add3A_172, %dma_start3A_193] : memref<165888x128xf32, #tpu.memory_space<hbm>> -> memref<96x128xf32, #tpu.memory_space<hbm>>
        tpu.enqueue_dma source(%dma_start3A_194 : memref<96x128xf32, #tpu.memory_space<hbm>>) target(%arg10 : memref<96x128xf32, #tpu.memory_space<vmem>>) target_semaphore(%arg14 : memref<!tpu.dma_semaphore, #tpu.memory_space<semaphore_mem>>)
      } else {
      }
      %dma_start3A_149 = arith.constant 1 : i32
      %dma_start3A_150 = arith.constant 0 : i32
      %dma_start3A_151 = tpu.memref_slice %arg9[%dma_start3A_149, %dma_start3A_150] : memref<2x96xi32, #tpu.memory_space<vmem>> -> memref<1x96xi32, #tpu.memory_space<vmem>>
      %dma_start3A_152 = tpu.memref_squeeze %dma_start3A_151 : memref<1x96xi32, #tpu.memory_space<vmem>> -> memref<96xi32, #tpu.memory_space<vmem>>
      %dma_start3A_153 = arith.constant 0 : i32
      %dma_start3A_154 = arith.constant 0 : i32
      %dma_start3A_155 = tpu.memref_slice %arg8[%dma_start3A_153, %dma_start3A_154] : memref<10240x128xf32, #tpu.memory_space<vmem_shared>> -> memref<10240x128xf32, #tpu.memory_space<vmem_shared>>
      tpu.enqueue_indirect_dma source(%arg11 : memref<96x128xf32, #tpu.memory_space<vmem>>) target(%dma_start3A_155 : memref<10240x128xf32, #tpu.memory_space<vmem_shared>>) offsets(%dma_start3A_152 : memref<96xi32, #tpu.memory_space<vmem>>) semaphore(%arg17 : memref<!tpu.dma_semaphore, #tpu.memory_space<semaphore_mem>>) {add = true}
      %scan3A_156 = arith.constant 0 : i32
      %scan3A_157 = arith.constant 0 : i32
      %scan3A_158 = arith.constant 6 : i32
      %scan3A_159 = arith.addi %scan3A_157, %scan3A_158 : i32
      %scan3A_160 = arith.constant 1 : i32
      %scan3A_161 = scf.for %scan3A_164 = %scan3A_157 to %scan3A_159 step %scan3A_160 iter_args(%scan3A_165 = %scan3A_156) -> (i32)  : i32 {
        %mul3A_166 = arith.constant 16 : i32
        %mul3A_167 = arith.muli %scan3A_164, %mul3A_166 : i32
        %get3A = arith.constant 1 : i32
        %get3A_168 = arith.index_cast %get3A : i32 to index
        %get3A_169 = arith.index_cast %mul3A_167 : i32 to index
        %get3A_170 = tpu.vector_load %arg9[%get3A_168, %get3A_169] {strides = array<i32>} : memref<2x96xi32, #tpu.memory_space<vmem>>, vector<16xi32>,
        %mul3A_171 = arith.constant 16 : i32
        %mul3A_172 = arith.muli %scan3A_164, %mul3A_171 : i32
        %get3A_173 = arith.constant 1 : i32
        %get3A_174 = arith.index_cast %get3A_173 : i32 to index
        %get3A_175 = arith.index_cast %mul3A_172 : i32 to index
        %get3A_176 = tpu.vector_load %arg12[%get3A_174, %get3A_175] {strides = array<i32>} : memref<2x96xf32, #tpu.memory_space<vmem>>, vector<16xf32>,
        tpu.vector_store_idx %arg13[%get3A_170], %get3A_176 {add = true} : memref<10240xf32, #tpu.memory_space<vmem>>[vector<16xi32>], vector<16xf32>,
        %scan3A_177 = arith.constant 0 : i32
        scf.yield %scan3A_177 : i32
      }
      %scan3A_162 = arith.constant 6 : i32
      %scan3A_163 = arith.constant 0 : i32
      scf.yield %scan3A_163 : i32
    }
    %scan3A_42 = arith.constant 27 : i32
    %dma_wait3A = arith.constant 0 : i32
    %dma_wait3A_43 = arith.constant 0 : i32
    %dma_wait3A_44 = tpu.memref_slice %arg9[%dma_wait3A, %dma_wait3A_43] : memref<2x96xi32, #tpu.memory_space<vmem>> -> memref<1x96xi32, #tpu.memory_space<vmem>>
    %dma_wait3A_45 = tpu.memref_squeeze %dma_wait3A_44 : memref<1x96xi32, #tpu.memory_space<vmem>> -> memref<96xi32, #tpu.memory_space<vmem>>
    %dma_wait3A_46 = arith.constant 0 : i32
    %dma_wait3A_47 = arith.constant 0 : i32
    %dma_wait3A_48 = tpu.memref_slice %arg8[%dma_wait3A_46, %dma_wait3A_47] : memref<10240x128xf32, #tpu.memory_space<vmem_shared>> -> memref<10240x128xf32, #tpu.memory_space<vmem_shared>>
    tpu.wait_indirect_dma semaphore(%arg16 : memref<!tpu.dma_semaphore, #tpu.memory_space<semaphore_mem>>) src(%arg10 : memref<96x128xf32, #tpu.memory_space<vmem>>) dst(%dma_wait3A_48 : memref<10240x128xf32, #tpu.memory_space<vmem_shared>>)
    %dma_wait3A_49 = arith.constant 1 : i32
    %dma_wait3A_50 = arith.constant 0 : i32
    %dma_wait3A_51 = tpu.memref_slice %arg9[%dma_wait3A_49, %dma_wait3A_50] : memref<2x96xi32, #tpu.memory_space<vmem>> -> memref<1x96xi32, #tpu.memory_space<vmem>>
    %dma_wait3A_52 = tpu.memref_squeeze %dma_wait3A_51 : memref<1x96xi32, #tpu.memory_space<vmem>> -> memref<96xi32, #tpu.memory_space<vmem>>
    %dma_wait3A_53 = arith.constant 0 : i32
    %dma_wait3A_54 = arith.constant 0 : i32
    %dma_wait3A_55 = tpu.memref_slice %arg8[%dma_wait3A_53, %dma_wait3A_54] : memref<10240x128xf32, #tpu.memory_space<vmem_shared>> -> memref<10240x128xf32, #tpu.memory_space<vmem_shared>>
    tpu.wait_indirect_dma semaphore(%arg17 : memref<!tpu.dma_semaphore, #tpu.memory_space<semaphore_mem>>) src(%arg11 : memref<96x128xf32, #tpu.memory_space<vmem>>) dst(%dma_wait3A_55 : memref<10240x128xf32, #tpu.memory_space<vmem_shared>>)
    %barrier3A_56 = arith.constant 0 : index
    tpu.barrier barrier_id(%barrier3A_56)
    %mul3A_57 = arith.constant 640 : i32
    %mul3A_58 = arith.muli %arg1, %mul3A_57 : i32
    %mul3A_59 = arith.constant 10240 : i32
    %mul3A_60 = arith.muli %arg0, %mul3A_59 : i32
    %mul3A_61 = arith.constant 640 : i32
    %mul3A_62 = arith.muli %arg1, %mul3A_61 : i32
    %add3A_63 = arith.addi %mul3A_60, %mul3A_62 : i32
    "tpu.region"() ({
      %run_scoped3A = tpu.sem_alloc : memref<!tpu.dma_semaphore, #tpu.memory_space<semaphore_mem>>
      %dma_start3A_64 = arith.constant 0 : i32
      %dma_start3A_65 = tpu.memref_slice %arg6[%add3A_63, %dma_start3A_64] : memref<20480x128xf32, #tpu.memory_space<hbm>> -> memref<640x128xf32, #tpu.memory_space<hbm>>
      %dma_start3A_66 = arith.constant 0 : i32
      %dma_start3A_67 = tpu.memref_slice %arg8[%mul3A_58, %dma_start3A_66] : memref<10240x128xf32, #tpu.memory_space<vmem_shared>> -> memref<640x128xf32, #tpu.memory_space<vmem_shared>>
      tpu.enqueue_dma source(%dma_start3A_67 : memref<640x128xf32, #tpu.memory_space<vmem_shared>>) target(%dma_start3A_65 : memref<640x128xf32, #tpu.memory_space<hbm>>) target_semaphore(%run_scoped3A : memref<!tpu.dma_semaphore, #tpu.memory_space<semaphore_mem>>)
      %dma_wait3A_68 = arith.constant 0 : i32
      %dma_wait3A_69 = tpu.memref_slice %arg6[%add3A_63, %dma_wait3A_68] : memref<20480x128xf32, #tpu.memory_space<hbm>> -> memref<640x128xf32, #tpu.memory_space<hbm>>
      %dma_wait3A_70 = arith.constant 0 : i32
      %dma_wait3A_71 = tpu.memref_slice %arg8[%mul3A_58, %dma_wait3A_70] : memref<10240x128xf32, #tpu.memory_space<vmem_shared>> -> memref<640x128xf32, #tpu.memory_space<vmem_shared>>
      tpu.wait_dma2 semaphore(%run_scoped3A : memref<!tpu.dma_semaphore, #tpu.memory_space<semaphore_mem>>) src(%dma_wait3A_71 : memref<640x128xf32, #tpu.memory_space<vmem_shared>>) dst(%dma_wait3A_69 : memref<640x128xf32, #tpu.memory_space<hbm>>)
      tpu.yield
    }) : () -> ()
    "tpu.region"() ({
      %run_scoped3A = tpu.sem_alloc : memref<!tpu.dma_semaphore, #tpu.memory_space<semaphore_mem>>
      %dma_start3A_64 = arith.constant 0 : i32
      %dma_start3A_65 = tpu.memref_slice %arg7[%add3A, %dma_start3A_64] : memref<32x10240xf32, #tpu.memory_space<hbm>> -> memref<1x10240xf32, #tpu.memory_space<hbm>>
      %dma_start3A_66 = tpu.memref_squeeze %dma_start3A_65 : memref<1x10240xf32, #tpu.memory_space<hbm>> -> memref<10240xf32, #tpu.memory_space<hbm>>
      %dma_start3A_67 = arith.constant 0 : i32
      %dma_start3A_68 = tpu.memref_slice %arg7[%add3A, %dma_start3A_67] : memref<32x10240xf32, #tpu.memory_space<hbm>> -> memref<1x10240xf32, #tpu.memory_space<hbm>>
      %dma_start3A_69 = tpu.memref_squeeze %dma_start3A_68 : memref<1x10240xf32, #tpu.memory_space<hbm>> -> memref<10240xf32, #tpu.memory_space<hbm>>
      tpu.enqueue_dma source(%arg13 : memref<10240xf32, #tpu.memory_space<vmem>>) target(%dma_start3A_69 : memref<10240xf32, #tpu.memory_space<hbm>>) target_semaphore(%run_scoped3A : memref<!tpu.dma_semaphore, #tpu.memory_space<semaphore_mem>>)
      %dma_wait3A_70 = arith.constant 0 : i32
      %dma_wait3A_71 = tpu.memref_slice %arg7[%add3A, %dma_wait3A_70] : memref<32x10240xf32, #tpu.memory_space<hbm>> -> memref<1x10240xf32, #tpu.memory_space<hbm>>
      %dma_wait3A_72 = tpu.memref_squeeze %dma_wait3A_71 : memref<1x10240xf32, #tpu.memory_space<hbm>> -> memref<10240xf32, #tpu.memory_space<hbm>>
      %dma_wait3A_73 = arith.constant 0 : i32
      %dma_wait3A_74 = tpu.memref_slice %arg7[%add3A, %dma_wait3A_73] : memref<32x10240xf32, #tpu.memory_space<hbm>> -> memref<1x10240xf32, #tpu.memory_space<hbm>>
      %dma_wait3A_75 = tpu.memref_squeeze %dma_wait3A_74 : memref<1x10240xf32, #tpu.memory_space<hbm>> -> memref<10240xf32, #tpu.memory_space<hbm>>
      tpu.wait_dma2 semaphore(%run_scoped3A : memref<!tpu.dma_semaphore, #tpu.memory_space<semaphore_mem>>) src(%arg13 : memref<10240xf32, #tpu.memory_space<vmem>>) dst(%dma_wait3A_75 : memref<10240xf32, #tpu.memory_space<hbm>>)
      tpu.yield
    }) : () -> ()
    return
  }
}

#map = affine_map<(d0, d1) -> (0, 0)>
#map1 = affine_map<(d0, d1) -> (0)>
module attributes {stable_mosaic.version = 14 : i64} {
  func.func @_gather_body(%arg0: i32, %arg1: i32, %arg2: memref<10240x64xf32, #tpu.memory_space<hbm>>, %arg3: memref<331776xi32, #tpu.memory_space<hbm>>, %arg4: memref<331776x64xf32, #tpu.memory_space<hbm>>, %arg5: memref<10240x64xf32, #tpu.memory_space<vmem_shared>>, %arg6: memref<10368xi32, #tpu.memory_space<vmem>>, %arg7: memref<432x64xf32, #tpu.memory_space<vmem>>, %arg8: memref<432x64xf32, #tpu.memory_space<vmem>>, %arg9: memref<!tpu.dma_semaphore, #tpu.memory_space<semaphore_mem>>, %arg10: memref<!tpu.dma_semaphore, #tpu.memory_space<semaphore_mem>>, %arg11: memref<!tpu.dma_semaphore, #tpu.memory_space<semaphore_mem>>, %arg12: memref<!tpu.dma_semaphore, #tpu.memory_space<semaphore_mem>>) attributes {dimension_semantics = [#tpu.dimension_semantics<core_parallel>, #tpu.dimension_semantics<subcore_parallel>], iteration_bounds = array<i64: 2, 16>, scalar_prefetch = 0 : i64, scratch_operands = 8 : i64, tpu.core_type = #tpu.core_type<sc_vector_subcore>, window_params = [{transform_indices = #map}, {transform_indices = #map1}, {transform_indices = #map}]} {
    %mul3A = arith.constant 2 : i32
    %mul3A_0 = arith.muli %arg1, %mul3A : i32
    %add3A = arith.addi %mul3A_0, %arg0 : i32
    %mul3A_1 = arith.constant 10368 : i32
    %mul3A_2 = arith.muli %add3A, %mul3A_1 : i32
    %mul3A_3 = arith.constant 640 : i32
    %mul3A_4 = arith.muli %arg1, %mul3A_3 : i32
    %mul3A_5 = arith.constant 640 : i32
    %mul3A_6 = arith.muli %arg1, %mul3A_5 : i32
    "tpu.region"() ({
      %run_scoped3A = tpu.sem_alloc : memref<!tpu.dma_semaphore, #tpu.memory_space<semaphore_mem>>
      %dma_start3A_28 = arith.constant 0 : i32
      %dma_start3A_29 = tpu.memref_slice %arg5[%mul3A_6, %dma_start3A_28] : memref<10240x64xf32, #tpu.memory_space<vmem_shared>> -> memref<640x64xf32, #tpu.memory_space<vmem_shared>>
      %dma_start3A_30 = arith.constant 0 : i32
      %dma_start3A_31 = tpu.memref_slice %arg2[%mul3A_4, %dma_start3A_30] : memref<10240x64xf32, #tpu.memory_space<hbm>> -> memref<640x64xf32, #tpu.memory_space<hbm>>
      tpu.enqueue_dma source(%dma_start3A_31 : memref<640x64xf32, #tpu.memory_space<hbm>>) target(%dma_start3A_29 : memref<640x64xf32, #tpu.memory_space<vmem_shared>>) target_semaphore(%run_scoped3A : memref<!tpu.dma_semaphore, #tpu.memory_space<semaphore_mem>>)
      %dma_wait3A_32 = arith.constant 0 : i32
      %dma_wait3A_33 = tpu.memref_slice %arg5[%mul3A_6, %dma_wait3A_32] : memref<10240x64xf32, #tpu.memory_space<vmem_shared>> -> memref<640x64xf32, #tpu.memory_space<vmem_shared>>
      %dma_wait3A_34 = arith.constant 0 : i32
      %dma_wait3A_35 = tpu.memref_slice %arg2[%mul3A_4, %dma_wait3A_34] : memref<10240x64xf32, #tpu.memory_space<hbm>> -> memref<640x64xf32, #tpu.memory_space<hbm>>
      tpu.wait_dma2 semaphore(%run_scoped3A : memref<!tpu.dma_semaphore, #tpu.memory_space<semaphore_mem>>) src(%dma_wait3A_35 : memref<640x64xf32, #tpu.memory_space<hbm>>) dst(%dma_wait3A_33 : memref<640x64xf32, #tpu.memory_space<vmem_shared>>)
      tpu.yield
    }) : () -> ()
    "tpu.region"() ({
      %run_scoped3A = tpu.sem_alloc : memref<!tpu.dma_semaphore, #tpu.memory_space<semaphore_mem>>
      %dma_start3A_28 = tpu.memref_slice %arg3[%mul3A_2] : memref<331776xi32, #tpu.memory_space<hbm>> -> memref<10368xi32, #tpu.memory_space<hbm>>
      %dma_start3A_29 = tpu.memref_slice %arg3[%mul3A_2] : memref<331776xi32, #tpu.memory_space<hbm>> -> memref<10368xi32, #tpu.memory_space<hbm>>
      tpu.enqueue_dma source(%dma_start3A_29 : memref<10368xi32, #tpu.memory_space<hbm>>) target(%arg6 : memref<10368xi32, #tpu.memory_space<vmem>>) target_semaphore(%run_scoped3A : memref<!tpu.dma_semaphore, #tpu.memory_space<semaphore_mem>>)
      %dma_wait3A_30 = tpu.memref_slice %arg3[%mul3A_2] : memref<331776xi32, #tpu.memory_space<hbm>> -> memref<10368xi32, #tpu.memory_space<hbm>>
      %dma_wait3A_31 = tpu.memref_slice %arg3[%mul3A_2] : memref<331776xi32, #tpu.memory_space<hbm>> -> memref<10368xi32, #tpu.memory_space<hbm>>
      tpu.wait_dma2 semaphore(%run_scoped3A : memref<!tpu.dma_semaphore, #tpu.memory_space<semaphore_mem>>) src(%dma_wait3A_31 : memref<10368xi32, #tpu.memory_space<hbm>>) dst(%arg6 : memref<10368xi32, #tpu.memory_space<vmem>>)
      tpu.yield
    }) : () -> ()
    %barrier3A = arith.constant 0 : index
    tpu.barrier barrier_id(%barrier3A)
    %dma_start3A = arith.constant 0 : i32
    %dma_start3A_7 = tpu.memref_slice %arg6[%dma_start3A] : memref<10368xi32, #tpu.memory_space<vmem>> -> memref<432xi32, #tpu.memory_space<vmem>>
    %dma_start3A_8 = arith.constant 0 : i32
    %dma_start3A_9 = arith.constant 0 : i32
    %dma_start3A_10 = tpu.memref_slice %arg5[%dma_start3A_8, %dma_start3A_9] : memref<10240x64xf32, #tpu.memory_space<vmem_shared>> -> memref<10240x64xf32, #tpu.memory_space<vmem_shared>>
    tpu.enqueue_indirect_dma source(%dma_start3A_10 : memref<10240x64xf32, #tpu.memory_space<vmem_shared>>) target(%arg7 : memref<432x64xf32, #tpu.memory_space<vmem>>) offsets(%dma_start3A_7 : memref<432xi32, #tpu.memory_space<vmem>>) semaphore(%arg9 : memref<!tpu.dma_semaphore, #tpu.memory_space<semaphore_mem>>)
    %scan3A = arith.constant 0 : i32
    %scan3A_11 = arith.constant 0 : i32
    %scan3A_12 = arith.constant 12 : i32
    %scan3A_13 = arith.addi %scan3A_11, %scan3A_12 : i32
    %scan3A_14 = arith.constant 1 : i32
    %scan3A_15 = scf.for %scan3A_28 = %scan3A_11 to %scan3A_13 step %scan3A_14 iter_args(%scan3A_29 = %scan3A) -> (i32)  : i32 {
      %mul3A_30 = arith.constant 2 : i32
      %mul3A_31 = arith.muli %mul3A_30, %scan3A_28 : i32
      %add3A_32 = arith.constant 0 : i32
      %add3A_33 = arith.addi %mul3A_31, %add3A_32 : i32
      %add3A_34 = arith.constant 1 : i32
      %add3A_35 = arith.addi %add3A_33, %add3A_34 : i32
      %lt3A = arith.constant 24 : i32
      %lt3A_36 = arith.cmpi slt, %add3A_35, %lt3A : i32
      %convert_element_type3A = arith.extui %lt3A_36 : i1 to i32
      %cond3A = arith.constant 0 : i32
      %cond3A_37 = arith.cmpi ne, %convert_element_type3A, %cond3A : i32
      scf.if %cond3A_37 {
        %ge3A = arith.constant 1 : i32
        %ge3A_76 = arith.cmpi sge, %add3A_33, %ge3A : i32
        %convert_element_type3A_77 = arith.extui %ge3A_76 : i1 to i32
        %cond3A_78 = arith.constant 0 : i32
        %cond3A_79 = arith.cmpi ne, %convert_element_type3A_77, %cond3A_78 : i32
        scf.if %cond3A_79 {
          %sub3A = arith.constant 1 : i32
          %sub3A_88 = arith.subi %add3A_33, %sub3A : i32
          %mul3A_89 = arith.constant 432 : i32
          %mul3A_90 = arith.muli %sub3A_88, %mul3A_89 : i32
          %add3A_91 = arith.addi %mul3A_2, %mul3A_90 : i32
          %dma_wait3A_92 = arith.constant 0 : i32
          %dma_wait3A_93 = tpu.memref_slice %arg4[%add3A_91, %dma_wait3A_92] : memref<331776x64xf32, #tpu.memory_space<hbm>> -> memref<432x64xf32, #tpu.memory_space<hbm>>
          %dma_wait3A_94 = arith.constant 0 : i32
          %dma_wait3A_95 = tpu.memref_slice %arg4[%add3A_91, %dma_wait3A_94] : memref<331776x64xf32, #tpu.memory_space<hbm>> -> memref<432x64xf32, #tpu.memory_space<hbm>>
          tpu.wait_dma2 semaphore(%arg12 : memref<!tpu.dma_semaphore, #tpu.memory_space<semaphore_mem>>) src(%arg8 : memref<432x64xf32, #tpu.memory_space<vmem>>) dst(%dma_wait3A_95 : memref<432x64xf32, #tpu.memory_space<hbm>>)
        } else {
        }
        %add3A_80 = arith.constant 1 : i32
        %add3A_81 = arith.addi %add3A_33, %add3A_80 : i32
        %mul3A_82 = arith.constant 432 : i32
        %mul3A_83 = arith.muli %add3A_81, %mul3A_82 : i32
        %dma_start3A_84 = tpu.memref_slice %arg6[%mul3A_83] : memref<10368xi32, #tpu.memory_space<vmem>> -> memref<432xi32, #tpu.memory_space<vmem>>
        %dma_start3A_85 = arith.constant 0 : i32
        %dma_start3A_86 = arith.constant 0 : i32
        %dma_start3A_87 = tpu.memref_slice %arg5[%dma_start3A_85, %dma_start3A_86] : memref<10240x64xf32, #tpu.memory_space<vmem_shared>> -> memref<10240x64xf32, #tpu.memory_space<vmem_shared>>
        tpu.enqueue_indirect_dma source(%dma_start3A_87 : memref<10240x64xf32, #tpu.memory_space<vmem_shared>>) target(%arg8 : memref<432x64xf32, #tpu.memory_space<vmem>>) offsets(%dma_start3A_84 : memref<432xi32, #tpu.memory_space<vmem>>) semaphore(%arg10 : memref<!tpu.dma_semaphore, #tpu.memory_space<semaphore_mem>>)
      } else {
      }
      %mul3A_38 = arith.constant 432 : i32
      %mul3A_39 = arith.muli %add3A_33, %mul3A_38 : i32
      %dma_wait3A_40 = tpu.memref_slice %arg6[%mul3A_39] : memref<10368xi32, #tpu.memory_space<vmem>> -> memref<432xi32, #tpu.memory_space<vmem>>
      %dma_wait3A_41 = arith.constant 0 : i32
      %dma_wait3A_42 = arith.constant 0 : i32
      %dma_wait3A_43 = tpu.memref_slice %arg5[%dma_wait3A_41, %dma_wait3A_42] : memref<10240x64xf32, #tpu.memory_space<vmem_shared>> -> memref<10240x64xf32, #tpu.memory_space<vmem_shared>>
      tpu.wait_indirect_dma semaphore(%arg9 : memref<!tpu.dma_semaphore, #tpu.memory_space<semaphore_mem>>) src(%dma_wait3A_43 : memref<10240x64xf32, #tpu.memory_space<vmem_shared>>) dst(%arg7 : memref<432x64xf32, #tpu.memory_space<vmem>>)
      %mul3A_44 = arith.constant 432 : i32
      %mul3A_45 = arith.muli %add3A_33, %mul3A_44 : i32
      %add3A_46 = arith.addi %mul3A_2, %mul3A_45 : i32
      %dma_start3A_47 = arith.constant 0 : i32
      %dma_start3A_48 = tpu.memref_slice %arg4[%add3A_46, %dma_start3A_47] : memref<331776x64xf32, #tpu.memory_space<hbm>> -> memref<432x64xf32, #tpu.memory_space<hbm>>
      %dma_start3A_49 = arith.constant 0 : i32
      %dma_start3A_50 = tpu.memref_slice %arg4[%add3A_46, %dma_start3A_49] : memref<331776x64xf32, #tpu.memory_space<hbm>> -> memref<432x64xf32, #tpu.memory_space<hbm>>
      tpu.enqueue_dma source(%arg7 : memref<432x64xf32, #tpu.memory_space<vmem>>) target(%dma_start3A_50 : memref<432x64xf32, #tpu.memory_space<hbm>>) target_semaphore(%arg11 : memref<!tpu.dma_semaphore, #tpu.memory_space<semaphore_mem>>)
      %mul3A_51 = arith.constant 2 : i32
      %mul3A_52 = arith.muli %mul3A_51, %scan3A_28 : i32
      %add3A_53 = arith.constant 1 : i32
      %add3A_54 = arith.addi %mul3A_52, %add3A_53 : i32
      %add3A_55 = arith.constant 1 : i32
      %add3A_56 = arith.addi %add3A_54, %add3A_55 : i32
      %lt3A_57 = arith.constant 24 : i32
      %lt3A_58 = arith.cmpi slt, %add3A_56, %lt3A_57 : i32
      %convert_element_type3A_59 = arith.extui %lt3A_58 : i1 to i32
      %cond3A_60 = arith.constant 0 : i32
      %cond3A_61 = arith.cmpi ne, %convert_element_type3A_59, %cond3A_60 : i32
      scf.if %cond3A_61 {
        %ge3A = arith.constant 1 : i32
        %ge3A_76 = arith.cmpi sge, %add3A_54, %ge3A : i32
        %convert_element_type3A_77 = arith.extui %ge3A_76 : i1 to i32
        %cond3A_78 = arith.constant 0 : i32
        %cond3A_79 = arith.cmpi ne, %convert_element_type3A_77, %cond3A_78 : i32
        scf.if %cond3A_79 {
          %sub3A = arith.constant 1 : i32
          %sub3A_88 = arith.subi %add3A_54, %sub3A : i32
          %mul3A_89 = arith.constant 432 : i32
          %mul3A_90 = arith.muli %sub3A_88, %mul3A_89 : i32
          %add3A_91 = arith.addi %mul3A_2, %mul3A_90 : i32
          %dma_wait3A_92 = arith.constant 0 : i32
          %dma_wait3A_93 = tpu.memref_slice %arg4[%add3A_91, %dma_wait3A_92] : memref<331776x64xf32, #tpu.memory_space<hbm>> -> memref<432x64xf32, #tpu.memory_space<hbm>>
          %dma_wait3A_94 = arith.constant 0 : i32
          %dma_wait3A_95 = tpu.memref_slice %arg4[%add3A_91, %dma_wait3A_94] : memref<331776x64xf32, #tpu.memory_space<hbm>> -> memref<432x64xf32, #tpu.memory_space<hbm>>
          tpu.wait_dma2 semaphore(%arg11 : memref<!tpu.dma_semaphore, #tpu.memory_space<semaphore_mem>>) src(%arg7 : memref<432x64xf32, #tpu.memory_space<vmem>>) dst(%dma_wait3A_95 : memref<432x64xf32, #tpu.memory_space<hbm>>)
        } else {
        }
        %add3A_80 = arith.constant 1 : i32
        %add3A_81 = arith.addi %add3A_54, %add3A_80 : i32
        %mul3A_82 = arith.constant 432 : i32
        %mul3A_83 = arith.muli %add3A_81, %mul3A_82 : i32
        %dma_start3A_84 = tpu.memref_slice %arg6[%mul3A_83] : memref<10368xi32, #tpu.memory_space<vmem>> -> memref<432xi32, #tpu.memory_space<vmem>>
        %dma_start3A_85 = arith.constant 0 : i32
        %dma_start3A_86 = arith.constant 0 : i32
        %dma_start3A_87 = tpu.memref_slice %arg5[%dma_start3A_85, %dma_start3A_86] : memref<10240x64xf32, #tpu.memory_space<vmem_shared>> -> memref<10240x64xf32, #tpu.memory_space<vmem_shared>>
        tpu.enqueue_indirect_dma source(%dma_start3A_87 : memref<10240x64xf32, #tpu.memory_space<vmem_shared>>) target(%arg7 : memref<432x64xf32, #tpu.memory_space<vmem>>) offsets(%dma_start3A_84 : memref<432xi32, #tpu.memory_space<vmem>>) semaphore(%arg9 : memref<!tpu.dma_semaphore, #tpu.memory_space<semaphore_mem>>)
      } else {
      }
      %mul3A_62 = arith.constant 432 : i32
      %mul3A_63 = arith.muli %add3A_54, %mul3A_62 : i32
      %dma_wait3A_64 = tpu.memref_slice %arg6[%mul3A_63] : memref<10368xi32, #tpu.memory_space<vmem>> -> memref<432xi32, #tpu.memory_space<vmem>>
      %dma_wait3A_65 = arith.constant 0 : i32
      %dma_wait3A_66 = arith.constant 0 : i32
      %dma_wait3A_67 = tpu.memref_slice %arg5[%dma_wait3A_65, %dma_wait3A_66] : memref<10240x64xf32, #tpu.memory_space<vmem_shared>> -> memref<10240x64xf32, #tpu.memory_space<vmem_shared>>
      tpu.wait_indirect_dma semaphore(%arg10 : memref<!tpu.dma_semaphore, #tpu.memory_space<semaphore_mem>>) src(%dma_wait3A_67 : memref<10240x64xf32, #tpu.memory_space<vmem_shared>>) dst(%arg8 : memref<432x64xf32, #tpu.memory_space<vmem>>)
      %mul3A_68 = arith.constant 432 : i32
      %mul3A_69 = arith.muli %add3A_54, %mul3A_68 : i32
      %add3A_70 = arith.addi %mul3A_2, %mul3A_69 : i32
      %dma_start3A_71 = arith.constant 0 : i32
      %dma_start3A_72 = tpu.memref_slice %arg4[%add3A_70, %dma_start3A_71] : memref<331776x64xf32, #tpu.memory_space<hbm>> -> memref<432x64xf32, #tpu.memory_space<hbm>>
      %dma_start3A_73 = arith.constant 0 : i32
      %dma_start3A_74 = tpu.memref_slice %arg4[%add3A_70, %dma_start3A_73] : memref<331776x64xf32, #tpu.memory_space<hbm>> -> memref<432x64xf32, #tpu.memory_space<hbm>>
      tpu.enqueue_dma source(%arg8 : memref<432x64xf32, #tpu.memory_space<vmem>>) target(%dma_start3A_74 : memref<432x64xf32, #tpu.memory_space<hbm>>) target_semaphore(%arg12 : memref<!tpu.dma_semaphore, #tpu.memory_space<semaphore_mem>>)
      %scan3A_75 = arith.constant 0 : i32
      scf.yield %scan3A_75 : i32
    }
    %scan3A_16 = arith.constant 12 : i32
    %add3A_17 = arith.constant 9504 : i32
    %add3A_18 = arith.addi %mul3A_2, %add3A_17 : i32
    %dma_wait3A = arith.constant 0 : i32
    %dma_wait3A_19 = tpu.memref_slice %arg4[%add3A_18, %dma_wait3A] : memref<331776x64xf32, #tpu.memory_space<hbm>> -> memref<432x64xf32, #tpu.memory_space<hbm>>
    %dma_wait3A_20 = arith.constant 0 : i32
    %dma_wait3A_21 = tpu.memref_slice %arg4[%add3A_18, %dma_wait3A_20] : memref<331776x64xf32, #tpu.memory_space<hbm>> -> memref<432x64xf32, #tpu.memory_space<hbm>>
    tpu.wait_dma2 semaphore(%arg11 : memref<!tpu.dma_semaphore, #tpu.memory_space<semaphore_mem>>) src(%arg7 : memref<432x64xf32, #tpu.memory_space<vmem>>) dst(%dma_wait3A_21 : memref<432x64xf32, #tpu.memory_space<hbm>>)
    %add3A_22 = arith.constant 9936 : i32
    %add3A_23 = arith.addi %mul3A_2, %add3A_22 : i32
    %dma_wait3A_24 = arith.constant 0 : i32
    %dma_wait3A_25 = tpu.memref_slice %arg4[%add3A_23, %dma_wait3A_24] : memref<331776x64xf32, #tpu.memory_space<hbm>> -> memref<432x64xf32, #tpu.memory_space<hbm>>
    %dma_wait3A_26 = arith.constant 0 : i32
    %dma_wait3A_27 = tpu.memref_slice %arg4[%add3A_23, %dma_wait3A_26] : memref<331776x64xf32, #tpu.memory_space<hbm>> -> memref<432x64xf32, #tpu.memory_space<hbm>>
    tpu.wait_dma2 semaphore(%arg12 : memref<!tpu.dma_semaphore, #tpu.memory_space<semaphore_mem>>) src(%arg8 : memref<432x64xf32, #tpu.memory_space<vmem>>) dst(%dma_wait3A_27 : memref<432x64xf32, #tpu.memory_space<hbm>>)
    return
  }
}

module attributes {stable_mosaic.version = 14 : i64} {
  func.func @_mlp_body(%arg0: i32, %arg1: memref<2048x64xf32, #tpu.memory_space<vmem>>, %arg2: memref<2048x64xf32, #tpu.memory_space<vmem>>, %arg3: memref<2048x16xf32, #tpu.memory_space<vmem>>, %arg4: memref<2048x1xf32, #tpu.memory_space<vmem>>, %arg5: memref<256x128xf32, #tpu.memory_space<vmem>>, %arg6: memref<1x128xf32, #tpu.memory_space<vmem>>, %arg7: memref<256x128xf32, #tpu.memory_space<vmem>>, %arg8: memref<1x128xf32, #tpu.memory_space<vmem>>, %arg9: memref<16x128xf32, #tpu.memory_space<vmem>>, %arg10: memref<16x128xf32, #tpu.memory_space<vmem>>, %arg11: memref<128x64xf32, #tpu.memory_space<vmem>>, %arg12: memref<1x64xf32, #tpu.memory_space<vmem>>, %arg13: memref<1x64xf32, #tpu.memory_space<vmem>>, %arg14: memref<1x1xf32, #tpu.memory_space<vmem>>, %arg15: memref<2048x128xf32, #tpu.memory_space<vmem>>, %arg16: memref<2048x1xf32, #tpu.memory_space<vmem>>) attributes {dimension_semantics = [#tpu.dimension_semantics<arbitrary>], iteration_bounds = array<i64: 81>, scalar_prefetch = 0 : i64, scratch_operands = 0 : i64, tpu.core_type = #tpu.core_type<tc>, window_params = [{transform_indices = @transform_0, window_bounds = array<i64: 2048, 64>}, {transform_indices = @transform_1, window_bounds = array<i64: 2048, 64>}, {transform_indices = @transform_2, window_bounds = array<i64: 2048, 16>}, {transform_indices = @transform_3, window_bounds = array<i64: 2048, 1>}, {pipeline_mode = #tpu.pipeline_mode<synchronous>, transform_indices = @transform_4, window_bounds = array<i64: 256, 128>}, {pipeline_mode = #tpu.pipeline_mode<synchronous>, transform_indices = @transform_5, window_bounds = array<i64: 1, 128>}, {pipeline_mode = #tpu.pipeline_mode<synchronous>, transform_indices = @transform_6, window_bounds = array<i64: 256, 128>}, {pipeline_mode = #tpu.pipeline_mode<synchronous>, transform_indices = @transform_7, window_bounds = array<i64: 1, 128>}, {pipeline_mode = #tpu.pipeline_mode<synchronous>, transform_indices = @transform_8, window_bounds = array<i64: 16, 128>}, {pipeline_mode = #tpu.pipeline_mode<synchronous>, transform_indices = @transform_9, window_bounds = array<i64: 16, 128>}, {pipeline_mode = #tpu.pipeline_mode<synchronous>, transform_indices = @transform_10, window_bounds = array<i64: 128, 64>}, {pipeline_mode = #tpu.pipeline_mode<synchronous>, transform_indices = @transform_11, window_bounds = array<i64: 1, 64>}, {pipeline_mode = #tpu.pipeline_mode<synchronous>, transform_indices = @transform_12, window_bounds = array<i64: 1, 64>}, {pipeline_mode = #tpu.pipeline_mode<synchronous>, transform_indices = @transform_13, window_bounds = array<i64: 1, 1>}, {transform_indices = @transform_14, window_bounds = array<i64: 2048, 128>}, {transform_indices = @transform_15, window_bounds = array<i64: 2048, 1>}]} {
    %get3A = arith.constant 0 : index
    %get3A_0 = arith.constant 0 : index
    %get3A_1 = vector.load %arg1[%get3A, %get3A_0] : memref<2048x64xf32, #tpu.memory_space<vmem>>, vector<512x64xf32>
    %bitcast_convert_type3A = tpu.bitcast %get3A_1 : vector<512x64xf32> -> vector<512x64xi32>
    %shift_left3A = arith.constant 16 : i32
    %shift_left3A_2 = vector.broadcast %shift_left3A : i32 to vector<512x64xi32>
    %shift_left3A_3 = arith.shli %bitcast_convert_type3A, %shift_left3A_2 : vector<512x64xi32>
    %bitcast_convert_type3A_4 = tpu.bitcast %shift_left3A_3 : vector<512x64xi32> -> vector<512x64xf32>
    %and3A = arith.constant -65536 : i32
    %and3A_5 = vector.broadcast %and3A : i32 to vector<512x64xi32>
    %and3A_6 = arith.andi %bitcast_convert_type3A, %and3A_5 : vector<512x64xi32>
    %bitcast_convert_type3A_7 = tpu.bitcast %and3A_6 : vector<512x64xi32> -> vector<512x64xf32>
    %get3A_8 = arith.constant 0 : index
    %get3A_9 = arith.constant 0 : index
    %get3A_10 = vector.load %arg2[%get3A_8, %get3A_9] : memref<2048x64xf32, #tpu.memory_space<vmem>>, vector<512x64xf32>
    %bitcast_convert_type3A_11 = tpu.bitcast %get3A_10 : vector<512x64xf32> -> vector<512x64xi32>
    %shift_left3A_12 = arith.constant 16 : i32
    %shift_left3A_13 = vector.broadcast %shift_left3A_12 : i32 to vector<512x64xi32>
    %shift_left3A_14 = arith.shli %bitcast_convert_type3A_11, %shift_left3A_13 : vector<512x64xi32>
    %bitcast_convert_type3A_15 = tpu.bitcast %shift_left3A_14 : vector<512x64xi32> -> vector<512x64xf32>
    %and3A_16 = arith.constant -65536 : i32
    %and3A_17 = vector.broadcast %and3A_16 : i32 to vector<512x64xi32>
    %and3A_18 = arith.andi %bitcast_convert_type3A_11, %and3A_17 : vector<512x64xi32>
    %bitcast_convert_type3A_19 = tpu.bitcast %and3A_18 : vector<512x64xi32> -> vector<512x64xf32>
    %concatenate3A = tpu.concatenate %bitcast_convert_type3A_4, %bitcast_convert_type3A_7 in 1 : vector<512x64xf32>, vector<512x64xf32> -> vector<512x128xf32>
    %concatenate3A_20 = tpu.concatenate %bitcast_convert_type3A_15, %bitcast_convert_type3A_19 in 1 : vector<512x64xf32>, vector<512x64xf32> -> vector<512x128xf32>
    %get3A_21 = arith.constant 0 : index
    %get3A_22 = arith.constant 0 : index
    %get3A_23 = vector.load %arg3[%get3A_21, %get3A_22] : memref<2048x16xf32, #tpu.memory_space<vmem>>, vector<512x16xf32>
    %get3A_24 = arith.constant 0 : index
    %get3A_25 = arith.constant 0 : index
    %get3A_26 = vector.load %arg5[%get3A_24, %get3A_25] : memref<256x128xf32, #tpu.memory_space<vmem>>, vector<256x128xf32>
    %get3A_27 = arith.constant 0 : index
    %get3A_28 = arith.constant 0 : index
    %get3A_29 = vector.load %arg9[%get3A_27, %get3A_28] : memref<16x128xf32, #tpu.memory_space<vmem>>, vector<16x128xf32>
    %slice3A = vector.extract_strided_slice %get3A_26 {offsets = [0, 0], sizes = [128, 128], strides = [1, 1]} : vector<256x128xf32> to vector<128x128xf32>
    %dot_general3A = arith.constant dense<0.000000e+00> : vector<512x128xf32>
    %dot_general3A_30 = tpu.matmul %concatenate3A, %slice3A, %dot_general3A {dimension_numbers = #tpu.dot_dimension_numbers<[1], [0], [0], [1], [0, 0, 1, 1], [], []>, transpose_lhs_hint = false} : vector<512x128xf32>, vector<128x128xf32>, vector<512x128xf32> -> vector<512x128xf32>
    %slice3A_31 = vector.extract_strided_slice %get3A_26 {offsets = [128, 0], sizes = [128, 128], strides = [1, 1]} : vector<256x128xf32> to vector<128x128xf32>
    %dot_general3A_32 = arith.constant dense<0.000000e+00> : vector<512x128xf32>
    %dot_general3A_33 = tpu.matmul %concatenate3A_20, %slice3A_31, %dot_general3A_32 {dimension_numbers = #tpu.dot_dimension_numbers<[1], [0], [0], [1], [0, 0, 1, 1], [], []>, transpose_lhs_hint = false} : vector<512x128xf32>, vector<128x128xf32>, vector<512x128xf32> -> vector<512x128xf32>
    %add3A = arith.addf %dot_general3A_30, %dot_general3A_33 : vector<512x128xf32>
    %dot_general3A_34 = arith.constant dense<0.000000e+00> : vector<512x128xf32>
    %dot_general3A_35 = tpu.matmul %get3A_23, %get3A_29, %dot_general3A_34 {dimension_numbers = #tpu.dot_dimension_numbers<[1], [0], [0], [1], [0, 0, 1, 1], [], []>, transpose_lhs_hint = false} : vector<512x16xf32>, vector<16x128xf32>, vector<512x128xf32> -> vector<512x128xf32>
    %add3A_36 = arith.addf %add3A, %dot_general3A_35 : vector<512x128xf32>
    %get3A_37 = arith.constant 0 : index
    %get3A_38 = arith.constant 0 : index
    %get3A_39 = vector.load %arg6[%get3A_37, %get3A_38] : memref<1x128xf32, #tpu.memory_space<vmem>>, vector<1x128xf32>
    %add3A_40 = vector.broadcast %get3A_39 : vector<1x128xf32> to vector<512x128xf32>
    %add3A_41 = arith.addf %add3A_36, %add3A_40 : vector<512x128xf32>
    %get3A_42 = arith.constant 0 : index
    %get3A_43 = arith.constant 0 : index
    %get3A_44 = vector.load %arg7[%get3A_42, %get3A_43] : memref<256x128xf32, #tpu.memory_space<vmem>>, vector<256x128xf32>
    %get3A_45 = arith.constant 0 : index
    %get3A_46 = arith.constant 0 : index
    %get3A_47 = vector.load %arg10[%get3A_45, %get3A_46] : memref<16x128xf32, #tpu.memory_space<vmem>>, vector<16x128xf32>
    %slice3A_48 = vector.extract_strided_slice %get3A_44 {offsets = [0, 0], sizes = [128, 128], strides = [1, 1]} : vector<256x128xf32> to vector<128x128xf32>
    %dot_general3A_49 = arith.constant dense<0.000000e+00> : vector<512x128xf32>
    %dot_general3A_50 = tpu.matmul %concatenate3A, %slice3A_48, %dot_general3A_49 {dimension_numbers = #tpu.dot_dimension_numbers<[1], [0], [0], [1], [0, 0, 1, 1], [], []>, transpose_lhs_hint = false} : vector<512x128xf32>, vector<128x128xf32>, vector<512x128xf32> -> vector<512x128xf32>
    %slice3A_51 = vector.extract_strided_slice %get3A_44 {offsets = [128, 0], sizes = [128, 128], strides = [1, 1]} : vector<256x128xf32> to vector<128x128xf32>
    %dot_general3A_52 = arith.constant dense<0.000000e+00> : vector<512x128xf32>
    %dot_general3A_53 = tpu.matmul %concatenate3A_20, %slice3A_51, %dot_general3A_52 {dimension_numbers = #tpu.dot_dimension_numbers<[1], [0], [0], [1], [0, 0, 1, 1], [], []>, transpose_lhs_hint = false} : vector<512x128xf32>, vector<128x128xf32>, vector<512x128xf32> -> vector<512x128xf32>
    %add3A_54 = arith.addf %dot_general3A_50, %dot_general3A_53 : vector<512x128xf32>
    %dot_general3A_55 = arith.constant dense<0.000000e+00> : vector<512x128xf32>
    %dot_general3A_56 = tpu.matmul %get3A_23, %get3A_47, %dot_general3A_55 {dimension_numbers = #tpu.dot_dimension_numbers<[1], [0], [0], [1], [0, 0, 1, 1], [], []>, transpose_lhs_hint = false} : vector<512x16xf32>, vector<16x128xf32>, vector<512x128xf32> -> vector<512x128xf32>
    %add3A_57 = arith.addf %add3A_54, %dot_general3A_56 : vector<512x128xf32>
    %get3A_58 = arith.constant 0 : index
    %get3A_59 = arith.constant 0 : index
    %get3A_60 = vector.load %arg8[%get3A_58, %get3A_59] : memref<1x128xf32, #tpu.memory_space<vmem>>, vector<1x128xf32>
    %add3A_61 = vector.broadcast %get3A_60 : vector<1x128xf32> to vector<512x128xf32>
    %add3A_62 = arith.addf %add3A_57, %add3A_61 : vector<512x128xf32>
    %max3A = arith.constant 0.000000e+00 : f32
    %max3A_63 = vector.broadcast %max3A : f32 to vector<512x128xf32>
    %max3A_64 = arith.maximumf %add3A_62, %max3A_63 : vector<512x128xf32>
    %broadcast_in_dim3A = arith.constant 7.812500e-03 : f32
    %broadcast_in_dim3A_65 = vector.broadcast %broadcast_in_dim3A : f32 to vector<128x128xf32>
    %dot_general3A_66 = arith.constant dense<0.000000e+00> : vector<512x128xf32>
    %dot_general3A_67 = tpu.matmul %max3A_64, %broadcast_in_dim3A_65, %dot_general3A_66 {dimension_numbers = #tpu.dot_dimension_numbers<[1], [0], [0], [1], [0, 0, 1, 1], [], []>, transpose_lhs_hint = false} : vector<512x128xf32>, vector<128x128xf32>, vector<512x128xf32> -> vector<512x128xf32>
    %mul3A = arith.mulf %max3A_64, %max3A_64 : vector<512x128xf32>
    %dot_general3A_68 = arith.constant dense<0.000000e+00> : vector<512x128xf32>
    %dot_general3A_69 = tpu.matmul %mul3A, %broadcast_in_dim3A_65, %dot_general3A_68 {dimension_numbers = #tpu.dot_dimension_numbers<[1], [0], [0], [1], [0, 0, 1, 1], [], []>, transpose_lhs_hint = false} : vector<512x128xf32>, vector<128x128xf32>, vector<512x128xf32> -> vector<512x128xf32>
    %mul3A_70 = arith.mulf %dot_general3A_67, %dot_general3A_67 : vector<512x128xf32>
    %sub3A = arith.subf %dot_general3A_69, %mul3A_70 : vector<512x128xf32>
    %add3A_71 = arith.constant 9.99999997E-7 : f32
    %add3A_72 = vector.broadcast %add3A_71 : f32 to vector<512x128xf32>
    %add3A_73 = arith.addf %sub3A, %add3A_72 : vector<512x128xf32>
    %rsqrt3A = math.rsqrt %add3A_73 : vector<512x128xf32>
    %mul3A_74 = arith.mulf %max3A_64, %rsqrt3A : vector<512x128xf32>
    %mul3A_75 = arith.mulf %dot_general3A_67, %rsqrt3A : vector<512x128xf32>
    %sub3A_76 = arith.subf %mul3A_74, %mul3A_75 : vector<512x128xf32>
    %get3A_77 = arith.constant 0 : index
    %get3A_78 = arith.constant 0 : index
    %get3A_79 = vector.load %arg11[%get3A_77, %get3A_78] : memref<128x64xf32, #tpu.memory_space<vmem>>, vector<128x64xf32>
    %dot_general3A_80 = arith.constant dense<0.000000e+00> : vector<512x64xf32>
    %dot_general3A_81 = tpu.matmul %sub3A_76, %get3A_79, %dot_general3A_80 {dimension_numbers = #tpu.dot_dimension_numbers<[1], [0], [0], [1], [0, 0, 1, 1], [], []>, transpose_lhs_hint = false} : vector<512x128xf32>, vector<128x64xf32>, vector<512x64xf32> -> vector<512x64xf32>
    %get3A_82 = arith.constant 0 : index
    %get3A_83 = arith.constant 0 : index
    %get3A_84 = vector.load %arg12[%get3A_82, %get3A_83] : memref<1x64xf32, #tpu.memory_space<vmem>>, vector<1x64xf32>
    %add3A_85 = vector.broadcast %get3A_84 : vector<1x64xf32> to vector<512x64xf32>
    %add3A_86 = arith.addf %dot_general3A_81, %add3A_85 : vector<512x64xf32>
    %max3A_87 = arith.constant 0.000000e+00 : f32
    %max3A_88 = vector.broadcast %max3A_87 : f32 to vector<512x64xf32>
    %max3A_89 = arith.maximumf %add3A_86, %max3A_88 : vector<512x64xf32>
    %reduce_sum3A = arith.constant dense<0.000000e+00> : vector<512xf32>
    %reduce_sum3A_90 = vector.multi_reduction <add>, %max3A_89, %reduce_sum3A [1] : vector<512x64xf32> to vector<512xf32>
    %broadcast_in_dim3A_91 = vector.shape_cast %reduce_sum3A_90 : vector<512xf32> to vector<512x1xf32>
    %div3A = arith.constant 6.400000e+01 : f32
    %div3A_92 = vector.broadcast %div3A : f32 to vector<512x1xf32>
    %div3A_93 = arith.divf %broadcast_in_dim3A_91, %div3A_92 : vector<512x1xf32>
    %mul3A_94 = arith.mulf %max3A_89, %max3A_89 : vector<512x64xf32>
    %reduce_sum3A_95 = arith.constant dense<0.000000e+00> : vector<512xf32>
    %reduce_sum3A_96 = vector.multi_reduction <add>, %mul3A_94, %reduce_sum3A_95 [1] : vector<512x64xf32> to vector<512xf32>
    %broadcast_in_dim3A_97 = vector.shape_cast %reduce_sum3A_96 : vector<512xf32> to vector<512x1xf32>
    %div3A_98 = arith.constant 6.400000e+01 : f32
    %div3A_99 = vector.broadcast %div3A_98 : f32 to vector<512x1xf32>
    %div3A_100 = arith.divf %broadcast_in_dim3A_97, %div3A_99 : vector<512x1xf32>
    %mul3A_101 = arith.mulf %div3A_93, %div3A_93 : vector<512x1xf32>
    %sub3A_102 = arith.subf %div3A_100, %mul3A_101 : vector<512x1xf32>
    %add3A_103 = arith.constant 9.99999997E-7 : f32
    %add3A_104 = vector.broadcast %add3A_103 : f32 to vector<512x1xf32>
    %add3A_105 = arith.addf %sub3A_102, %add3A_104 : vector<512x1xf32>
    %rsqrt3A_106 = math.rsqrt %add3A_105 : vector<512x1xf32>
    %mul3A_107 = vector.broadcast %rsqrt3A_106 : vector<512x1xf32> to vector<512x64xf32>
    %mul3A_108 = arith.mulf %max3A_89, %mul3A_107 : vector<512x64xf32>
    %mul3A_109 = arith.mulf %div3A_93, %rsqrt3A_106 : vector<512x1xf32>
    %sub3A_110 = vector.broadcast %mul3A_109 : vector<512x1xf32> to vector<512x64xf32>
    %sub3A_111 = arith.subf %mul3A_108, %sub3A_110 : vector<512x64xf32>
    %get3A_112 = arith.constant 0 : index
    %get3A_113 = arith.constant 0 : index
    %get3A_114 = vector.load %arg13[%get3A_112, %get3A_113] : memref<1x64xf32, #tpu.memory_space<vmem>>, vector<1x64xf32>
    %mul3A_115 = vector.broadcast %get3A_114 : vector<1x64xf32> to vector<512x64xf32>
    %mul3A_116 = arith.mulf %sub3A_111, %mul3A_115 : vector<512x64xf32>
    %reduce_sum3A_117 = arith.constant dense<0.000000e+00> : vector<512xf32>
    %reduce_sum3A_118 = vector.multi_reduction <add>, %mul3A_116, %reduce_sum3A_117 [1] : vector<512x64xf32> to vector<512xf32>
    %broadcast_in_dim3A_119 = vector.shape_cast %reduce_sum3A_118 : vector<512xf32> to vector<512x1xf32>
    %get3A_120 = arith.constant 0 : index
    %get3A_121 = arith.constant 0 : index
    %get3A_122 = vector.load %arg14[%get3A_120, %get3A_121] : memref<1x1xf32, #tpu.memory_space<vmem>>, vector<1x1xf32>
    %add3A_123 = vector.broadcast %get3A_122 : vector<1x1xf32> to vector<512x1xf32>
    %add3A_124 = arith.addf %broadcast_in_dim3A_119, %add3A_123 : vector<512x1xf32>
    %max3A_125 = arith.constant 0.000000e+00 : f32
    %max3A_126 = vector.broadcast %max3A_125 : f32 to vector<512x1xf32>
    %max3A_127 = arith.maximumf %add3A_124, %max3A_126 : vector<512x1xf32>
    %exp3A = math.exp %max3A_127 : vector<512x1xf32>
    %get3A_128 = arith.constant 0 : index
    %get3A_129 = arith.constant 0 : index
    %get3A_130 = vector.load %arg4[%get3A_128, %get3A_129] : memref<2048x1xf32, #tpu.memory_space<vmem>>, vector<512x1xf32>
    %mul3A_131 = arith.mulf %exp3A, %get3A_130 : vector<512x1xf32>
    %mul3A_132 = vector.broadcast %mul3A_131 : vector<512x1xf32> to vector<512x128xf32>
    %mul3A_133 = arith.mulf %add3A_41, %mul3A_132 : vector<512x128xf32>
    %swap3A = arith.constant 0 : index
    %swap3A_134 = arith.constant 0 : index
    %swap3A_135 = vector.load %arg15[%swap3A, %swap3A_134] : memref<2048x128xf32, #tpu.memory_space<vmem>>, vector<512x128xf32>
    tpu.vector_store %arg15[%swap3A, %swap3A_134], %mul3A_133 {strides = array<i32>} : memref<2048x128xf32, #tpu.memory_space<vmem>>, vector<512x128xf32>,
    %swap3A_136 = arith.constant 0 : index
    %swap3A_137 = arith.constant 0 : index
    %swap3A_138 = vector.load %arg16[%swap3A_136, %swap3A_137] : memref<2048x1xf32, #tpu.memory_space<vmem>>, vector<512x1xf32>
    tpu.vector_store %arg16[%swap3A_136, %swap3A_137], %mul3A_131 {strides = array<i32>} : memref<2048x1xf32, #tpu.memory_space<vmem>>, vector<512x1xf32>,
    %get3A_139 = arith.constant 512 : index
    %get3A_140 = arith.constant 0 : index
    %get3A_141 = vector.load %arg1[%get3A_139, %get3A_140] : memref<2048x64xf32, #tpu.memory_space<vmem>>, vector<512x64xf32>
    %bitcast_convert_type3A_142 = tpu.bitcast %get3A_141 : vector<512x64xf32> -> vector<512x64xi32>
    %shift_left3A_143 = arith.constant 16 : i32
    %shift_left3A_144 = vector.broadcast %shift_left3A_143 : i32 to vector<512x64xi32>
    %shift_left3A_145 = arith.shli %bitcast_convert_type3A_142, %shift_left3A_144 : vector<512x64xi32>
    %bitcast_convert_type3A_146 = tpu.bitcast %shift_left3A_145 : vector<512x64xi32> -> vector<512x64xf32>
    %and3A_147 = arith.constant -65536 : i32
    %and3A_148 = vector.broadcast %and3A_147 : i32 to vector<512x64xi32>
    %and3A_149 = arith.andi %bitcast_convert_type3A_142, %and3A_148 : vector<512x64xi32>
    %bitcast_convert_type3A_150 = tpu.bitcast %and3A_149 : vector<512x64xi32> -> vector<512x64xf32>
    %get3A_151 = arith.constant 512 : index
    %get3A_152 = arith.constant 0 : index
    %get3A_153 = vector.load %arg2[%get3A_151, %get3A_152] : memref<2048x64xf32, #tpu.memory_space<vmem>>, vector<512x64xf32>
    %bitcast_convert_type3A_154 = tpu.bitcast %get3A_153 : vector<512x64xf32> -> vector<512x64xi32>
    %shift_left3A_155 = arith.constant 16 : i32
    %shift_left3A_156 = vector.broadcast %shift_left3A_155 : i32 to vector<512x64xi32>
    %shift_left3A_157 = arith.shli %bitcast_convert_type3A_154, %shift_left3A_156 : vector<512x64xi32>
    %bitcast_convert_type3A_158 = tpu.bitcast %shift_left3A_157 : vector<512x64xi32> -> vector<512x64xf32>
    %and3A_159 = arith.constant -65536 : i32
    %and3A_160 = vector.broadcast %and3A_159 : i32 to vector<512x64xi32>
    %and3A_161 = arith.andi %bitcast_convert_type3A_154, %and3A_160 : vector<512x64xi32>
    %bitcast_convert_type3A_162 = tpu.bitcast %and3A_161 : vector<512x64xi32> -> vector<512x64xf32>
    %concatenate3A_163 = tpu.concatenate %bitcast_convert_type3A_146, %bitcast_convert_type3A_150 in 1 : vector<512x64xf32>, vector<512x64xf32> -> vector<512x128xf32>
    %concatenate3A_164 = tpu.concatenate %bitcast_convert_type3A_158, %bitcast_convert_type3A_162 in 1 : vector<512x64xf32>, vector<512x64xf32> -> vector<512x128xf32>
    %get3A_165 = arith.constant 512 : index
    %get3A_166 = arith.constant 0 : index
    %get3A_167 = vector.load %arg3[%get3A_165, %get3A_166] : memref<2048x16xf32, #tpu.memory_space<vmem>>, vector<512x16xf32>
    %get3A_168 = arith.constant 0 : index
    %get3A_169 = arith.constant 0 : index
    %get3A_170 = vector.load %arg5[%get3A_168, %get3A_169] : memref<256x128xf32, #tpu.memory_space<vmem>>, vector<256x128xf32>
    %get3A_171 = arith.constant 0 : index
    %get3A_172 = arith.constant 0 : index
    %get3A_173 = vector.load %arg9[%get3A_171, %get3A_172] : memref<16x128xf32, #tpu.memory_space<vmem>>, vector<16x128xf32>
    %slice3A_174 = vector.extract_strided_slice %get3A_170 {offsets = [0, 0], sizes = [128, 128], strides = [1, 1]} : vector<256x128xf32> to vector<128x128xf32>
    %dot_general3A_175 = arith.constant dense<0.000000e+00> : vector<512x128xf32>
    %dot_general3A_176 = tpu.matmul %concatenate3A_163, %slice3A_174, %dot_general3A_175 {dimension_numbers = #tpu.dot_dimension_numbers<[1], [0], [0], [1], [0, 0, 1, 1], [], []>, transpose_lhs_hint = false} : vector<512x128xf32>, vector<128x128xf32>, vector<512x128xf32> -> vector<512x128xf32>
    %slice3A_177 = vector.extract_strided_slice %get3A_170 {offsets = [128, 0], sizes = [128, 128], strides = [1, 1]} : vector<256x128xf32> to vector<128x128xf32>
    %dot_general3A_178 = arith.constant dense<0.000000e+00> : vector<512x128xf32>
    %dot_general3A_179 = tpu.matmul %concatenate3A_164, %slice3A_177, %dot_general3A_178 {dimension_numbers = #tpu.dot_dimension_numbers<[1], [0], [0], [1], [0, 0, 1, 1], [], []>, transpose_lhs_hint = false} : vector<512x128xf32>, vector<128x128xf32>, vector<512x128xf32> -> vector<512x128xf32>
    %add3A_180 = arith.addf %dot_general3A_176, %dot_general3A_179 : vector<512x128xf32>
    %dot_general3A_181 = arith.constant dense<0.000000e+00> : vector<512x128xf32>
    %dot_general3A_182 = tpu.matmul %get3A_167, %get3A_173, %dot_general3A_181 {dimension_numbers = #tpu.dot_dimension_numbers<[1], [0], [0], [1], [0, 0, 1, 1], [], []>, transpose_lhs_hint = false} : vector<512x16xf32>, vector<16x128xf32>, vector<512x128xf32> -> vector<512x128xf32>
    %add3A_183 = arith.addf %add3A_180, %dot_general3A_182 : vector<512x128xf32>
    %get3A_184 = arith.constant 0 : index
    %get3A_185 = arith.constant 0 : index
    %get3A_186 = vector.load %arg6[%get3A_184, %get3A_185] : memref<1x128xf32, #tpu.memory_space<vmem>>, vector<1x128xf32>
    %add3A_187 = vector.broadcast %get3A_186 : vector<1x128xf32> to vector<512x128xf32>
    %add3A_188 = arith.addf %add3A_183, %add3A_187 : vector<512x128xf32>
    %get3A_189 = arith.constant 0 : index
    %get3A_190 = arith.constant 0 : index
    %get3A_191 = vector.load %arg7[%get3A_189, %get3A_190] : memref<256x128xf32, #tpu.memory_space<vmem>>, vector<256x128xf32>
    %get3A_192 = arith.constant 0 : index
    %get3A_193 = arith.constant 0 : index
    %get3A_194 = vector.load %arg10[%get3A_192, %get3A_193] : memref<16x128xf32, #tpu.memory_space<vmem>>, vector<16x128xf32>
    %slice3A_195 = vector.extract_strided_slice %get3A_191 {offsets = [0, 0], sizes = [128, 128], strides = [1, 1]} : vector<256x128xf32> to vector<128x128xf32>
    %dot_general3A_196 = arith.constant dense<0.000000e+00> : vector<512x128xf32>
    %dot_general3A_197 = tpu.matmul %concatenate3A_163, %slice3A_195, %dot_general3A_196 {dimension_numbers = #tpu.dot_dimension_numbers<[1], [0], [0], [1], [0, 0, 1, 1], [], []>, transpose_lhs_hint = false} : vector<512x128xf32>, vector<128x128xf32>, vector<512x128xf32> -> vector<512x128xf32>
    %slice3A_198 = vector.extract_strided_slice %get3A_191 {offsets = [128, 0], sizes = [128, 128], strides = [1, 1]} : vector<256x128xf32> to vector<128x128xf32>
    %dot_general3A_199 = arith.constant dense<0.000000e+00> : vector<512x128xf32>
    %dot_general3A_200 = tpu.matmul %concatenate3A_164, %slice3A_198, %dot_general3A_199 {dimension_numbers = #tpu.dot_dimension_numbers<[1], [0], [0], [1], [0, 0, 1, 1], [], []>, transpose_lhs_hint = false} : vector<512x128xf32>, vector<128x128xf32>, vector<512x128xf32> -> vector<512x128xf32>
    %add3A_201 = arith.addf %dot_general3A_197, %dot_general3A_200 : vector<512x128xf32>
    %dot_general3A_202 = arith.constant dense<0.000000e+00> : vector<512x128xf32>
    %dot_general3A_203 = tpu.matmul %get3A_167, %get3A_194, %dot_general3A_202 {dimension_numbers = #tpu.dot_dimension_numbers<[1], [0], [0], [1], [0, 0, 1, 1], [], []>, transpose_lhs_hint = false} : vector<512x16xf32>, vector<16x128xf32>, vector<512x128xf32> -> vector<512x128xf32>
    %add3A_204 = arith.addf %add3A_201, %dot_general3A_203 : vector<512x128xf32>
    %get3A_205 = arith.constant 0 : index
    %get3A_206 = arith.constant 0 : index
    %get3A_207 = vector.load %arg8[%get3A_205, %get3A_206] : memref<1x128xf32, #tpu.memory_space<vmem>>, vector<1x128xf32>
    %add3A_208 = vector.broadcast %get3A_207 : vector<1x128xf32> to vector<512x128xf32>
    %add3A_209 = arith.addf %add3A_204, %add3A_208 : vector<512x128xf32>
    %max3A_210 = arith.constant 0.000000e+00 : f32
    %max3A_211 = vector.broadcast %max3A_210 : f32 to vector<512x128xf32>
    %max3A_212 = arith.maximumf %add3A_209, %max3A_211 : vector<512x128xf32>
    %broadcast_in_dim3A_213 = arith.constant 7.812500e-03 : f32
    %broadcast_in_dim3A_214 = vector.broadcast %broadcast_in_dim3A_213 : f32 to vector<128x128xf32>
    %dot_general3A_215 = arith.constant dense<0.000000e+00> : vector<512x128xf32>
    %dot_general3A_216 = tpu.matmul %max3A_212, %broadcast_in_dim3A_214, %dot_general3A_215 {dimension_numbers = #tpu.dot_dimension_numbers<[1], [0], [0], [1], [0, 0, 1, 1], [], []>, transpose_lhs_hint = false} : vector<512x128xf32>, vector<128x128xf32>, vector<512x128xf32> -> vector<512x128xf32>
    %mul3A_217 = arith.mulf %max3A_212, %max3A_212 : vector<512x128xf32>
    %dot_general3A_218 = arith.constant dense<0.000000e+00> : vector<512x128xf32>
    %dot_general3A_219 = tpu.matmul %mul3A_217, %broadcast_in_dim3A_214, %dot_general3A_218 {dimension_numbers = #tpu.dot_dimension_numbers<[1], [0], [0], [1], [0, 0, 1, 1], [], []>, transpose_lhs_hint = false} : vector<512x128xf32>, vector<128x128xf32>, vector<512x128xf32> -> vector<512x128xf32>
    %mul3A_220 = arith.mulf %dot_general3A_216, %dot_general3A_216 : vector<512x128xf32>
    %sub3A_221 = arith.subf %dot_general3A_219, %mul3A_220 : vector<512x128xf32>
    %add3A_222 = arith.constant 9.99999997E-7 : f32
    %add3A_223 = vector.broadcast %add3A_222 : f32 to vector<512x128xf32>
    %add3A_224 = arith.addf %sub3A_221, %add3A_223 : vector<512x128xf32>
    %rsqrt3A_225 = math.rsqrt %add3A_224 : vector<512x128xf32>
    %mul3A_226 = arith.mulf %max3A_212, %rsqrt3A_225 : vector<512x128xf32>
    %mul3A_227 = arith.mulf %dot_general3A_216, %rsqrt3A_225 : vector<512x128xf32>
    %sub3A_228 = arith.subf %mul3A_226, %mul3A_227 : vector<512x128xf32>
    %get3A_229 = arith.constant 0 : index
    %get3A_230 = arith.constant 0 : index
    %get3A_231 = vector.load %arg11[%get3A_229, %get3A_230] : memref<128x64xf32, #tpu.memory_space<vmem>>, vector<128x64xf32>
    %dot_general3A_232 = arith.constant dense<0.000000e+00> : vector<512x64xf32>
    %dot_general3A_233 = tpu.matmul %sub3A_228, %get3A_231, %dot_general3A_232 {dimension_numbers = #tpu.dot_dimension_numbers<[1], [0], [0], [1], [0, 0, 1, 1], [], []>, transpose_lhs_hint = false} : vector<512x128xf32>, vector<128x64xf32>, vector<512x64xf32> -> vector<512x64xf32>
    %get3A_234 = arith.constant 0 : index
    %get3A_235 = arith.constant 0 : index
    %get3A_236 = vector.load %arg12[%get3A_234, %get3A_235] : memref<1x64xf32, #tpu.memory_space<vmem>>, vector<1x64xf32>
    %add3A_237 = vector.broadcast %get3A_236 : vector<1x64xf32> to vector<512x64xf32>
    %add3A_238 = arith.addf %dot_general3A_233, %add3A_237 : vector<512x64xf32>
    %max3A_239 = arith.constant 0.000000e+00 : f32
    %max3A_240 = vector.broadcast %max3A_239 : f32 to vector<512x64xf32>
    %max3A_241 = arith.maximumf %add3A_238, %max3A_240 : vector<512x64xf32>
    %reduce_sum3A_242 = arith.constant dense<0.000000e+00> : vector<512xf32>
    %reduce_sum3A_243 = vector.multi_reduction <add>, %max3A_241, %reduce_sum3A_242 [1] : vector<512x64xf32> to vector<512xf32>
    %broadcast_in_dim3A_244 = vector.shape_cast %reduce_sum3A_243 : vector<512xf32> to vector<512x1xf32>
    %div3A_245 = arith.constant 6.400000e+01 : f32
    %div3A_246 = vector.broadcast %div3A_245 : f32 to vector<512x1xf32>
    %div3A_247 = arith.divf %broadcast_in_dim3A_244, %div3A_246 : vector<512x1xf32>
    %mul3A_248 = arith.mulf %max3A_241, %max3A_241 : vector<512x64xf32>
    %reduce_sum3A_249 = arith.constant dense<0.000000e+00> : vector<512xf32>
    %reduce_sum3A_250 = vector.multi_reduction <add>, %mul3A_248, %reduce_sum3A_249 [1] : vector<512x64xf32> to vector<512xf32>
    %broadcast_in_dim3A_251 = vector.shape_cast %reduce_sum3A_250 : vector<512xf32> to vector<512x1xf32>
    %div3A_252 = arith.constant 6.400000e+01 : f32
    %div3A_253 = vector.broadcast %div3A_252 : f32 to vector<512x1xf32>
    %div3A_254 = arith.divf %broadcast_in_dim3A_251, %div3A_253 : vector<512x1xf32>
    %mul3A_255 = arith.mulf %div3A_247, %div3A_247 : vector<512x1xf32>
    %sub3A_256 = arith.subf %div3A_254, %mul3A_255 : vector<512x1xf32>
    %add3A_257 = arith.constant 9.99999997E-7 : f32
    %add3A_258 = vector.broadcast %add3A_257 : f32 to vector<512x1xf32>
    %add3A_259 = arith.addf %sub3A_256, %add3A_258 : vector<512x1xf32>
    %rsqrt3A_260 = math.rsqrt %add3A_259 : vector<512x1xf32>
    %mul3A_261 = vector.broadcast %rsqrt3A_260 : vector<512x1xf32> to vector<512x64xf32>
    %mul3A_262 = arith.mulf %max3A_241, %mul3A_261 : vector<512x64xf32>
    %mul3A_263 = arith.mulf %div3A_247, %rsqrt3A_260 : vector<512x1xf32>
    %sub3A_264 = vector.broadcast %mul3A_263 : vector<512x1xf32> to vector<512x64xf32>
    %sub3A_265 = arith.subf %mul3A_262, %sub3A_264 : vector<512x64xf32>
    %get3A_266 = arith.constant 0 : index
    %get3A_267 = arith.constant 0 : index
    %get3A_268 = vector.load %arg13[%get3A_266, %get3A_267] : memref<1x64xf32, #tpu.memory_space<vmem>>, vector<1x64xf32>
    %mul3A_269 = vector.broadcast %get3A_268 : vector<1x64xf32> to vector<512x64xf32>
    %mul3A_270 = arith.mulf %sub3A_265, %mul3A_269 : vector<512x64xf32>
    %reduce_sum3A_271 = arith.constant dense<0.000000e+00> : vector<512xf32>
    %reduce_sum3A_272 = vector.multi_reduction <add>, %mul3A_270, %reduce_sum3A_271 [1] : vector<512x64xf32> to vector<512xf32>
    %broadcast_in_dim3A_273 = vector.shape_cast %reduce_sum3A_272 : vector<512xf32> to vector<512x1xf32>
    %get3A_274 = arith.constant 0 : index
    %get3A_275 = arith.constant 0 : index
    %get3A_276 = vector.load %arg14[%get3A_274, %get3A_275] : memref<1x1xf32, #tpu.memory_space<vmem>>, vector<1x1xf32>
    %add3A_277 = vector.broadcast %get3A_276 : vector<1x1xf32> to vector<512x1xf32>
    %add3A_278 = arith.addf %broadcast_in_dim3A_273, %add3A_277 : vector<512x1xf32>
    %max3A_279 = arith.constant 0.000000e+00 : f32
    %max3A_280 = vector.broadcast %max3A_279 : f32 to vector<512x1xf32>
    %max3A_281 = arith.maximumf %add3A_278, %max3A_280 : vector<512x1xf32>
    %exp3A_282 = math.exp %max3A_281 : vector<512x1xf32>
    %get3A_283 = arith.constant 512 : index
    %get3A_284 = arith.constant 0 : index
    %get3A_285 = vector.load %arg4[%get3A_283, %get3A_284] : memref<2048x1xf32, #tpu.memory_space<vmem>>, vector<512x1xf32>
    %mul3A_286 = arith.mulf %exp3A_282, %get3A_285 : vector<512x1xf32>
    %mul3A_287 = vector.broadcast %mul3A_286 : vector<512x1xf32> to vector<512x128xf32>
    %mul3A_288 = arith.mulf %add3A_188, %mul3A_287 : vector<512x128xf32>
    %swap3A_289 = arith.constant 512 : index
    %swap3A_290 = arith.constant 0 : index
    %swap3A_291 = vector.load %arg15[%swap3A_289, %swap3A_290] : memref<2048x128xf32, #tpu.memory_space<vmem>>, vector<512x128xf32>
    tpu.vector_store %arg15[%swap3A_289, %swap3A_290], %mul3A_288 {strides = array<i32>} : memref<2048x128xf32, #tpu.memory_space<vmem>>, vector<512x128xf32>,
    %swap3A_292 = arith.constant 512 : index
    %swap3A_293 = arith.constant 0 : index
    %swap3A_294 = vector.load %arg16[%swap3A_292, %swap3A_293] : memref<2048x1xf32, #tpu.memory_space<vmem>>, vector<512x1xf32>
    tpu.vector_store %arg16[%swap3A_292, %swap3A_293], %mul3A_286 {strides = array<i32>} : memref<2048x1xf32, #tpu.memory_space<vmem>>, vector<512x1xf32>,
    %get3A_295 = arith.constant 1024 : index
    %get3A_296 = arith.constant 0 : index
    %get3A_297 = vector.load %arg1[%get3A_295, %get3A_296] : memref<2048x64xf32, #tpu.memory_space<vmem>>, vector<512x64xf32>
    %bitcast_convert_type3A_298 = tpu.bitcast %get3A_297 : vector<512x64xf32> -> vector<512x64xi32>
    %shift_left3A_299 = arith.constant 16 : i32
    %shift_left3A_300 = vector.broadcast %shift_left3A_299 : i32 to vector<512x64xi32>
    %shift_left3A_301 = arith.shli %bitcast_convert_type3A_298, %shift_left3A_300 : vector<512x64xi32>
    %bitcast_convert_type3A_302 = tpu.bitcast %shift_left3A_301 : vector<512x64xi32> -> vector<512x64xf32>
    %and3A_303 = arith.constant -65536 : i32
    %and3A_304 = vector.broadcast %and3A_303 : i32 to vector<512x64xi32>
    %and3A_305 = arith.andi %bitcast_convert_type3A_298, %and3A_304 : vector<512x64xi32>
    %bitcast_convert_type3A_306 = tpu.bitcast %and3A_305 : vector<512x64xi32> -> vector<512x64xf32>
    %get3A_307 = arith.constant 1024 : index
    %get3A_308 = arith.constant 0 : index
    %get3A_309 = vector.load %arg2[%get3A_307, %get3A_308] : memref<2048x64xf32, #tpu.memory_space<vmem>>, vector<512x64xf32>
    %bitcast_convert_type3A_310 = tpu.bitcast %get3A_309 : vector<512x64xf32> -> vector<512x64xi32>
    %shift_left3A_311 = arith.constant 16 : i32
    %shift_left3A_312 = vector.broadcast %shift_left3A_311 : i32 to vector<512x64xi32>
    %shift_left3A_313 = arith.shli %bitcast_convert_type3A_310, %shift_left3A_312 : vector<512x64xi32>
    %bitcast_convert_type3A_314 = tpu.bitcast %shift_left3A_313 : vector<512x64xi32> -> vector<512x64xf32>
    %and3A_315 = arith.constant -65536 : i32
    %and3A_316 = vector.broadcast %and3A_315 : i32 to vector<512x64xi32>
    %and3A_317 = arith.andi %bitcast_convert_type3A_310, %and3A_316 : vector<512x64xi32>
    %bitcast_convert_type3A_318 = tpu.bitcast %and3A_317 : vector<512x64xi32> -> vector<512x64xf32>
    %concatenate3A_319 = tpu.concatenate %bitcast_convert_type3A_302, %bitcast_convert_type3A_306 in 1 : vector<512x64xf32>, vector<512x64xf32> -> vector<512x128xf32>
    %concatenate3A_320 = tpu.concatenate %bitcast_convert_type3A_314, %bitcast_convert_type3A_318 in 1 : vector<512x64xf32>, vector<512x64xf32> -> vector<512x128xf32>
    %get3A_321 = arith.constant 1024 : index
    %get3A_322 = arith.constant 0 : index
    %get3A_323 = vector.load %arg3[%get3A_321, %get3A_322] : memref<2048x16xf32, #tpu.memory_space<vmem>>, vector<512x16xf32>
    %get3A_324 = arith.constant 0 : index
    %get3A_325 = arith.constant 0 : index
    %get3A_326 = vector.load %arg5[%get3A_324, %get3A_325] : memref<256x128xf32, #tpu.memory_space<vmem>>, vector<256x128xf32>
    %get3A_327 = arith.constant 0 : index
    %get3A_328 = arith.constant 0 : index
    %get3A_329 = vector.load %arg9[%get3A_327, %get3A_328] : memref<16x128xf32, #tpu.memory_space<vmem>>, vector<16x128xf32>
    %slice3A_330 = vector.extract_strided_slice %get3A_326 {offsets = [0, 0], sizes = [128, 128], strides = [1, 1]} : vector<256x128xf32> to vector<128x128xf32>
    %dot_general3A_331 = arith.constant dense<0.000000e+00> : vector<512x128xf32>
    %dot_general3A_332 = tpu.matmul %concatenate3A_319, %slice3A_330, %dot_general3A_331 {dimension_numbers = #tpu.dot_dimension_numbers<[1], [0], [0], [1], [0, 0, 1, 1], [], []>, transpose_lhs_hint = false} : vector<512x128xf32>, vector<128x128xf32>, vector<512x128xf32> -> vector<512x128xf32>
    %slice3A_333 = vector.extract_strided_slice %get3A_326 {offsets = [128, 0], sizes = [128, 128], strides = [1, 1]} : vector<256x128xf32> to vector<128x128xf32>
    %dot_general3A_334 = arith.constant dense<0.000000e+00> : vector<512x128xf32>
    %dot_general3A_335 = tpu.matmul %concatenate3A_320, %slice3A_333, %dot_general3A_334 {dimension_numbers = #tpu.dot_dimension_numbers<[1], [0], [0], [1], [0, 0, 1, 1], [], []>, transpose_lhs_hint = false} : vector<512x128xf32>, vector<128x128xf32>, vector<512x128xf32> -> vector<512x128xf32>
    %add3A_336 = arith.addf %dot_general3A_332, %dot_general3A_335 : vector<512x128xf32>
    %dot_general3A_337 = arith.constant dense<0.000000e+00> : vector<512x128xf32>
    %dot_general3A_338 = tpu.matmul %get3A_323, %get3A_329, %dot_general3A_337 {dimension_numbers = #tpu.dot_dimension_numbers<[1], [0], [0], [1], [0, 0, 1, 1], [], []>, transpose_lhs_hint = false} : vector<512x16xf32>, vector<16x128xf32>, vector<512x128xf32> -> vector<512x128xf32>
    %add3A_339 = arith.addf %add3A_336, %dot_general3A_338 : vector<512x128xf32>
    %get3A_340 = arith.constant 0 : index
    %get3A_341 = arith.constant 0 : index
    %get3A_342 = vector.load %arg6[%get3A_340, %get3A_341] : memref<1x128xf32, #tpu.memory_space<vmem>>, vector<1x128xf32>
    %add3A_343 = vector.broadcast %get3A_342 : vector<1x128xf32> to vector<512x128xf32>
    %add3A_344 = arith.addf %add3A_339, %add3A_343 : vector<512x128xf32>
    %get3A_345 = arith.constant 0 : index
    %get3A_346 = arith.constant 0 : index
    %get3A_347 = vector.load %arg7[%get3A_345, %get3A_346] : memref<256x128xf32, #tpu.memory_space<vmem>>, vector<256x128xf32>
    %get3A_348 = arith.constant 0 : index
    %get3A_349 = arith.constant 0 : index
    %get3A_350 = vector.load %arg10[%get3A_348, %get3A_349] : memref<16x128xf32, #tpu.memory_space<vmem>>, vector<16x128xf32>
    %slice3A_351 = vector.extract_strided_slice %get3A_347 {offsets = [0, 0], sizes = [128, 128], strides = [1, 1]} : vector<256x128xf32> to vector<128x128xf32>
    %dot_general3A_352 = arith.constant dense<0.000000e+00> : vector<512x128xf32>
    %dot_general3A_353 = tpu.matmul %concatenate3A_319, %slice3A_351, %dot_general3A_352 {dimension_numbers = #tpu.dot_dimension_numbers<[1], [0], [0], [1], [0, 0, 1, 1], [], []>, transpose_lhs_hint = false} : vector<512x128xf32>, vector<128x128xf32>, vector<512x128xf32> -> vector<512x128xf32>
    %slice3A_354 = vector.extract_strided_slice %get3A_347 {offsets = [128, 0], sizes = [128, 128], strides = [1, 1]} : vector<256x128xf32> to vector<128x128xf32>
    %dot_general3A_355 = arith.constant dense<0.000000e+00> : vector<512x128xf32>
    %dot_general3A_356 = tpu.matmul %concatenate3A_320, %slice3A_354, %dot_general3A_355 {dimension_numbers = #tpu.dot_dimension_numbers<[1], [0], [0], [1], [0, 0, 1, 1], [], []>, transpose_lhs_hint = false} : vector<512x128xf32>, vector<128x128xf32>, vector<512x128xf32> -> vector<512x128xf32>
    %add3A_357 = arith.addf %dot_general3A_353, %dot_general3A_356 : vector<512x128xf32>
    %dot_general3A_358 = arith.constant dense<0.000000e+00> : vector<512x128xf32>
    %dot_general3A_359 = tpu.matmul %get3A_323, %get3A_350, %dot_general3A_358 {dimension_numbers = #tpu.dot_dimension_numbers<[1], [0], [0], [1], [0, 0, 1, 1], [], []>, transpose_lhs_hint = false} : vector<512x16xf32>, vector<16x128xf32>, vector<512x128xf32> -> vector<512x128xf32>
    %add3A_360 = arith.addf %add3A_357, %dot_general3A_359 : vector<512x128xf32>
    %get3A_361 = arith.constant 0 : index
    %get3A_362 = arith.constant 0 : index
    %get3A_363 = vector.load %arg8[%get3A_361, %get3A_362] : memref<1x128xf32, #tpu.memory_space<vmem>>, vector<1x128xf32>
    %add3A_364 = vector.broadcast %get3A_363 : vector<1x128xf32> to vector<512x128xf32>
    %add3A_365 = arith.addf %add3A_360, %add3A_364 : vector<512x128xf32>
    %max3A_366 = arith.constant 0.000000e+00 : f32
    %max3A_367 = vector.broadcast %max3A_366 : f32 to vector<512x128xf32>
    %max3A_368 = arith.maximumf %add3A_365, %max3A_367 : vector<512x128xf32>
    %broadcast_in_dim3A_369 = arith.constant 7.812500e-03 : f32
    %broadcast_in_dim3A_370 = vector.broadcast %broadcast_in_dim3A_369 : f32 to vector<128x128xf32>
    %dot_general3A_371 = arith.constant dense<0.000000e+00> : vector<512x128xf32>
    %dot_general3A_372 = tpu.matmul %max3A_368, %broadcast_in_dim3A_370, %dot_general3A_371 {dimension_numbers = #tpu.dot_dimension_numbers<[1], [0], [0], [1], [0, 0, 1, 1], [], []>, transpose_lhs_hint = false} : vector<512x128xf32>, vector<128x128xf32>, vector<512x128xf32> -> vector<512x128xf32>
    %mul3A_373 = arith.mulf %max3A_368, %max3A_368 : vector<512x128xf32>
    %dot_general3A_374 = arith.constant dense<0.000000e+00> : vector<512x128xf32>
    %dot_general3A_375 = tpu.matmul %mul3A_373, %broadcast_in_dim3A_370, %dot_general3A_374 {dimension_numbers = #tpu.dot_dimension_numbers<[1], [0], [0], [1], [0, 0, 1, 1], [], []>, transpose_lhs_hint = false} : vector<512x128xf32>, vector<128x128xf32>, vector<512x128xf32> -> vector<512x128xf32>
    %mul3A_376 = arith.mulf %dot_general3A_372, %dot_general3A_372 : vector<512x128xf32>
    %sub3A_377 = arith.subf %dot_general3A_375, %mul3A_376 : vector<512x128xf32>
    %add3A_378 = arith.constant 9.99999997E-7 : f32
    %add3A_379 = vector.broadcast %add3A_378 : f32 to vector<512x128xf32>
    %add3A_380 = arith.addf %sub3A_377, %add3A_379 : vector<512x128xf32>
    %rsqrt3A_381 = math.rsqrt %add3A_380 : vector<512x128xf32>
    %mul3A_382 = arith.mulf %max3A_368, %rsqrt3A_381 : vector<512x128xf32>
    %mul3A_383 = arith.mulf %dot_general3A_372, %rsqrt3A_381 : vector<512x128xf32>
    %sub3A_384 = arith.subf %mul3A_382, %mul3A_383 : vector<512x128xf32>
    %get3A_385 = arith.constant 0 : index
    %get3A_386 = arith.constant 0 : index
    %get3A_387 = vector.load %arg11[%get3A_385, %get3A_386] : memref<128x64xf32, #tpu.memory_space<vmem>>, vector<128x64xf32>
    %dot_general3A_388 = arith.constant dense<0.000000e+00> : vector<512x64xf32>
    %dot_general3A_389 = tpu.matmul %sub3A_384, %get3A_387, %dot_general3A_388 {dimension_numbers = #tpu.dot_dimension_numbers<[1], [0], [0], [1], [0, 0, 1, 1], [], []>, transpose_lhs_hint = false} : vector<512x128xf32>, vector<128x64xf32>, vector<512x64xf32> -> vector<512x64xf32>
    %get3A_390 = arith.constant 0 : index
    %get3A_391 = arith.constant 0 : index
    %get3A_392 = vector.load %arg12[%get3A_390, %get3A_391] : memref<1x64xf32, #tpu.memory_space<vmem>>, vector<1x64xf32>
    %add3A_393 = vector.broadcast %get3A_392 : vector<1x64xf32> to vector<512x64xf32>
    %add3A_394 = arith.addf %dot_general3A_389, %add3A_393 : vector<512x64xf32>
    %max3A_395 = arith.constant 0.000000e+00 : f32
    %max3A_396 = vector.broadcast %max3A_395 : f32 to vector<512x64xf32>
    %max3A_397 = arith.maximumf %add3A_394, %max3A_396 : vector<512x64xf32>
    %reduce_sum3A_398 = arith.constant dense<0.000000e+00> : vector<512xf32>
    %reduce_sum3A_399 = vector.multi_reduction <add>, %max3A_397, %reduce_sum3A_398 [1] : vector<512x64xf32> to vector<512xf32>
    %broadcast_in_dim3A_400 = vector.shape_cast %reduce_sum3A_399 : vector<512xf32> to vector<512x1xf32>
    %div3A_401 = arith.constant 6.400000e+01 : f32
    %div3A_402 = vector.broadcast %div3A_401 : f32 to vector<512x1xf32>
    %div3A_403 = arith.divf %broadcast_in_dim3A_400, %div3A_402 : vector<512x1xf32>
    %mul3A_404 = arith.mulf %max3A_397, %max3A_397 : vector<512x64xf32>
    %reduce_sum3A_405 = arith.constant dense<0.000000e+00> : vector<512xf32>
    %reduce_sum3A_406 = vector.multi_reduction <add>, %mul3A_404, %reduce_sum3A_405 [1] : vector<512x64xf32> to vector<512xf32>
    %broadcast_in_dim3A_407 = vector.shape_cast %reduce_sum3A_406 : vector<512xf32> to vector<512x1xf32>
    %div3A_408 = arith.constant 6.400000e+01 : f32
    %div3A_409 = vector.broadcast %div3A_408 : f32 to vector<512x1xf32>
    %div3A_410 = arith.divf %broadcast_in_dim3A_407, %div3A_409 : vector<512x1xf32>
    %mul3A_411 = arith.mulf %div3A_403, %div3A_403 : vector<512x1xf32>
    %sub3A_412 = arith.subf %div3A_410, %mul3A_411 : vector<512x1xf32>
    %add3A_413 = arith.constant 9.99999997E-7 : f32
    %add3A_414 = vector.broadcast %add3A_413 : f32 to vector<512x1xf32>
    %add3A_415 = arith.addf %sub3A_412, %add3A_414 : vector<512x1xf32>
    %rsqrt3A_416 = math.rsqrt %add3A_415 : vector<512x1xf32>
    %mul3A_417 = vector.broadcast %rsqrt3A_416 : vector<512x1xf32> to vector<512x64xf32>
    %mul3A_418 = arith.mulf %max3A_397, %mul3A_417 : vector<512x64xf32>
    %mul3A_419 = arith.mulf %div3A_403, %rsqrt3A_416 : vector<512x1xf32>
    %sub3A_420 = vector.broadcast %mul3A_419 : vector<512x1xf32> to vector<512x64xf32>
    %sub3A_421 = arith.subf %mul3A_418, %sub3A_420 : vector<512x64xf32>
    %get3A_422 = arith.constant 0 : index
    %get3A_423 = arith.constant 0 : index
    %get3A_424 = vector.load %arg13[%get3A_422, %get3A_423] : memref<1x64xf32, #tpu.memory_space<vmem>>, vector<1x64xf32>
    %mul3A_425 = vector.broadcast %get3A_424 : vector<1x64xf32> to vector<512x64xf32>
    %mul3A_426 = arith.mulf %sub3A_421, %mul3A_425 : vector<512x64xf32>
    %reduce_sum3A_427 = arith.constant dense<0.000000e+00> : vector<512xf32>
    %reduce_sum3A_428 = vector.multi_reduction <add>, %mul3A_426, %reduce_sum3A_427 [1] : vector<512x64xf32> to vector<512xf32>
    %broadcast_in_dim3A_429 = vector.shape_cast %reduce_sum3A_428 : vector<512xf32> to vector<512x1xf32>
    %get3A_430 = arith.constant 0 : index
    %get3A_431 = arith.constant 0 : index
    %get3A_432 = vector.load %arg14[%get3A_430, %get3A_431] : memref<1x1xf32, #tpu.memory_space<vmem>>, vector<1x1xf32>
    %add3A_433 = vector.broadcast %get3A_432 : vector<1x1xf32> to vector<512x1xf32>
    %add3A_434 = arith.addf %broadcast_in_dim3A_429, %add3A_433 : vector<512x1xf32>
    %max3A_435 = arith.constant 0.000000e+00 : f32
    %max3A_436 = vector.broadcast %max3A_435 : f32 to vector<512x1xf32>
    %max3A_437 = arith.maximumf %add3A_434, %max3A_436 : vector<512x1xf32>
    %exp3A_438 = math.exp %max3A_437 : vector<512x1xf32>
    %get3A_439 = arith.constant 1024 : index
    %get3A_440 = arith.constant 0 : index
    %get3A_441 = vector.load %arg4[%get3A_439, %get3A_440] : memref<2048x1xf32, #tpu.memory_space<vmem>>, vector<512x1xf32>
    %mul3A_442 = arith.mulf %exp3A_438, %get3A_441 : vector<512x1xf32>
    %mul3A_443 = vector.broadcast %mul3A_442 : vector<512x1xf32> to vector<512x128xf32>
    %mul3A_444 = arith.mulf %add3A_344, %mul3A_443 : vector<512x128xf32>
    %swap3A_445 = arith.constant 1024 : index
    %swap3A_446 = arith.constant 0 : index
    %swap3A_447 = vector.load %arg15[%swap3A_445, %swap3A_446] : memref<2048x128xf32, #tpu.memory_space<vmem>>, vector<512x128xf32>
    tpu.vector_store %arg15[%swap3A_445, %swap3A_446], %mul3A_444 {strides = array<i32>} : memref<2048x128xf32, #tpu.memory_space<vmem>>, vector<512x128xf32>,
    %swap3A_448 = arith.constant 1024 : index
    %swap3A_449 = arith.constant 0 : index
    %swap3A_450 = vector.load %arg16[%swap3A_448, %swap3A_449] : memref<2048x1xf32, #tpu.memory_space<vmem>>, vector<512x1xf32>
    tpu.vector_store %arg16[%swap3A_448, %swap3A_449], %mul3A_442 {strides = array<i32>} : memref<2048x1xf32, #tpu.memory_space<vmem>>, vector<512x1xf32>,
    %get3A_451 = arith.constant 1536 : index
    %get3A_452 = arith.constant 0 : index
    %get3A_453 = vector.load %arg1[%get3A_451, %get3A_452] : memref<2048x64xf32, #tpu.memory_space<vmem>>, vector<512x64xf32>
    %bitcast_convert_type3A_454 = tpu.bitcast %get3A_453 : vector<512x64xf32> -> vector<512x64xi32>
    %shift_left3A_455 = arith.constant 16 : i32
    %shift_left3A_456 = vector.broadcast %shift_left3A_455 : i32 to vector<512x64xi32>
    %shift_left3A_457 = arith.shli %bitcast_convert_type3A_454, %shift_left3A_456 : vector<512x64xi32>
    %bitcast_convert_type3A_458 = tpu.bitcast %shift_left3A_457 : vector<512x64xi32> -> vector<512x64xf32>
    %and3A_459 = arith.constant -65536 : i32
    %and3A_460 = vector.broadcast %and3A_459 : i32 to vector<512x64xi32>
    %and3A_461 = arith.andi %bitcast_convert_type3A_454, %and3A_460 : vector<512x64xi32>
    %bitcast_convert_type3A_462 = tpu.bitcast %and3A_461 : vector<512x64xi32> -> vector<512x64xf32>
    %get3A_463 = arith.constant 1536 : index
    %get3A_464 = arith.constant 0 : index
    %get3A_465 = vector.load %arg2[%get3A_463, %get3A_464] : memref<2048x64xf32, #tpu.memory_space<vmem>>, vector<512x64xf32>
    %bitcast_convert_type3A_466 = tpu.bitcast %get3A_465 : vector<512x64xf32> -> vector<512x64xi32>
    %shift_left3A_467 = arith.constant 16 : i32
    %shift_left3A_468 = vector.broadcast %shift_left3A_467 : i32 to vector<512x64xi32>
    %shift_left3A_469 = arith.shli %bitcast_convert_type3A_466, %shift_left3A_468 : vector<512x64xi32>
    %bitcast_convert_type3A_470 = tpu.bitcast %shift_left3A_469 : vector<512x64xi32> -> vector<512x64xf32>
    %and3A_471 = arith.constant -65536 : i32
    %and3A_472 = vector.broadcast %and3A_471 : i32 to vector<512x64xi32>
    %and3A_473 = arith.andi %bitcast_convert_type3A_466, %and3A_472 : vector<512x64xi32>
    %bitcast_convert_type3A_474 = tpu.bitcast %and3A_473 : vector<512x64xi32> -> vector<512x64xf32>
    %concatenate3A_475 = tpu.concatenate %bitcast_convert_type3A_458, %bitcast_convert_type3A_462 in 1 : vector<512x64xf32>, vector<512x64xf32> -> vector<512x128xf32>
    %concatenate3A_476 = tpu.concatenate %bitcast_convert_type3A_470, %bitcast_convert_type3A_474 in 1 : vector<512x64xf32>, vector<512x64xf32> -> vector<512x128xf32>
    %get3A_477 = arith.constant 1536 : index
    %get3A_478 = arith.constant 0 : index
    %get3A_479 = vector.load %arg3[%get3A_477, %get3A_478] : memref<2048x16xf32, #tpu.memory_space<vmem>>, vector<512x16xf32>
    %get3A_480 = arith.constant 0 : index
    %get3A_481 = arith.constant 0 : index
    %get3A_482 = vector.load %arg5[%get3A_480, %get3A_481] : memref<256x128xf32, #tpu.memory_space<vmem>>, vector<256x128xf32>
    %get3A_483 = arith.constant 0 : index
    %get3A_484 = arith.constant 0 : index
    %get3A_485 = vector.load %arg9[%get3A_483, %get3A_484] : memref<16x128xf32, #tpu.memory_space<vmem>>, vector<16x128xf32>
    %slice3A_486 = vector.extract_strided_slice %get3A_482 {offsets = [0, 0], sizes = [128, 128], strides = [1, 1]} : vector<256x128xf32> to vector<128x128xf32>
    %dot_general3A_487 = arith.constant dense<0.000000e+00> : vector<512x128xf32>
    %dot_general3A_488 = tpu.matmul %concatenate3A_475, %slice3A_486, %dot_general3A_487 {dimension_numbers = #tpu.dot_dimension_numbers<[1], [0], [0], [1], [0, 0, 1, 1], [], []>, transpose_lhs_hint = false} : vector<512x128xf32>, vector<128x128xf32>, vector<512x128xf32> -> vector<512x128xf32>
    %slice3A_489 = vector.extract_strided_slice %get3A_482 {offsets = [128, 0], sizes = [128, 128], strides = [1, 1]} : vector<256x128xf32> to vector<128x128xf32>
    %dot_general3A_490 = arith.constant dense<0.000000e+00> : vector<512x128xf32>
    %dot_general3A_491 = tpu.matmul %concatenate3A_476, %slice3A_489, %dot_general3A_490 {dimension_numbers = #tpu.dot_dimension_numbers<[1], [0], [0], [1], [0, 0, 1, 1], [], []>, transpose_lhs_hint = false} : vector<512x128xf32>, vector<128x128xf32>, vector<512x128xf32> -> vector<512x128xf32>
    %add3A_492 = arith.addf %dot_general3A_488, %dot_general3A_491 : vector<512x128xf32>
    %dot_general3A_493 = arith.constant dense<0.000000e+00> : vector<512x128xf32>
    %dot_general3A_494 = tpu.matmul %get3A_479, %get3A_485, %dot_general3A_493 {dimension_numbers = #tpu.dot_dimension_numbers<[1], [0], [0], [1], [0, 0, 1, 1], [], []>, transpose_lhs_hint = false} : vector<512x16xf32>, vector<16x128xf32>, vector<512x128xf32> -> vector<512x128xf32>
    %add3A_495 = arith.addf %add3A_492, %dot_general3A_494 : vector<512x128xf32>
    %get3A_496 = arith.constant 0 : index
    %get3A_497 = arith.constant 0 : index
    %get3A_498 = vector.load %arg6[%get3A_496, %get3A_497] : memref<1x128xf32, #tpu.memory_space<vmem>>, vector<1x128xf32>
    %add3A_499 = vector.broadcast %get3A_498 : vector<1x128xf32> to vector<512x128xf32>
    %add3A_500 = arith.addf %add3A_495, %add3A_499 : vector<512x128xf32>
    %get3A_501 = arith.constant 0 : index
    %get3A_502 = arith.constant 0 : index
    %get3A_503 = vector.load %arg7[%get3A_501, %get3A_502] : memref<256x128xf32, #tpu.memory_space<vmem>>, vector<256x128xf32>
    %get3A_504 = arith.constant 0 : index
    %get3A_505 = arith.constant 0 : index
    %get3A_506 = vector.load %arg10[%get3A_504, %get3A_505] : memref<16x128xf32, #tpu.memory_space<vmem>>, vector<16x128xf32>
    %slice3A_507 = vector.extract_strided_slice %get3A_503 {offsets = [0, 0], sizes = [128, 128], strides = [1, 1]} : vector<256x128xf32> to vector<128x128xf32>
    %dot_general3A_508 = arith.constant dense<0.000000e+00> : vector<512x128xf32>
    %dot_general3A_509 = tpu.matmul %concatenate3A_475, %slice3A_507, %dot_general3A_508 {dimension_numbers = #tpu.dot_dimension_numbers<[1], [0], [0], [1], [0, 0, 1, 1], [], []>, transpose_lhs_hint = false} : vector<512x128xf32>, vector<128x128xf32>, vector<512x128xf32> -> vector<512x128xf32>
    %slice3A_510 = vector.extract_strided_slice %get3A_503 {offsets = [128, 0], sizes = [128, 128], strides = [1, 1]} : vector<256x128xf32> to vector<128x128xf32>
    %dot_general3A_511 = arith.constant dense<0.000000e+00> : vector<512x128xf32>
    %dot_general3A_512 = tpu.matmul %concatenate3A_476, %slice3A_510, %dot_general3A_511 {dimension_numbers = #tpu.dot_dimension_numbers<[1], [0], [0], [1], [0, 0, 1, 1], [], []>, transpose_lhs_hint = false} : vector<512x128xf32>, vector<128x128xf32>, vector<512x128xf32> -> vector<512x128xf32>
    %add3A_513 = arith.addf %dot_general3A_509, %dot_general3A_512 : vector<512x128xf32>
    %dot_general3A_514 = arith.constant dense<0.000000e+00> : vector<512x128xf32>
    %dot_general3A_515 = tpu.matmul %get3A_479, %get3A_506, %dot_general3A_514 {dimension_numbers = #tpu.dot_dimension_numbers<[1], [0], [0], [1], [0, 0, 1, 1], [], []>, transpose_lhs_hint = false} : vector<512x16xf32>, vector<16x128xf32>, vector<512x128xf32> -> vector<512x128xf32>
    %add3A_516 = arith.addf %add3A_513, %dot_general3A_515 : vector<512x128xf32>
    %get3A_517 = arith.constant 0 : index
    %get3A_518 = arith.constant 0 : index
    %get3A_519 = vector.load %arg8[%get3A_517, %get3A_518] : memref<1x128xf32, #tpu.memory_space<vmem>>, vector<1x128xf32>
    %add3A_520 = vector.broadcast %get3A_519 : vector<1x128xf32> to vector<512x128xf32>
    %add3A_521 = arith.addf %add3A_516, %add3A_520 : vector<512x128xf32>
    %max3A_522 = arith.constant 0.000000e+00 : f32
    %max3A_523 = vector.broadcast %max3A_522 : f32 to vector<512x128xf32>
    %max3A_524 = arith.maximumf %add3A_521, %max3A_523 : vector<512x128xf32>
    %broadcast_in_dim3A_525 = arith.constant 7.812500e-03 : f32
    %broadcast_in_dim3A_526 = vector.broadcast %broadcast_in_dim3A_525 : f32 to vector<128x128xf32>
    %dot_general3A_527 = arith.constant dense<0.000000e+00> : vector<512x128xf32>
    %dot_general3A_528 = tpu.matmul %max3A_524, %broadcast_in_dim3A_526, %dot_general3A_527 {dimension_numbers = #tpu.dot_dimension_numbers<[1], [0], [0], [1], [0, 0, 1, 1], [], []>, transpose_lhs_hint = false} : vector<512x128xf32>, vector<128x128xf32>, vector<512x128xf32> -> vector<512x128xf32>
    %mul3A_529 = arith.mulf %max3A_524, %max3A_524 : vector<512x128xf32>
    %dot_general3A_530 = arith.constant dense<0.000000e+00> : vector<512x128xf32>
    %dot_general3A_531 = tpu.matmul %mul3A_529, %broadcast_in_dim3A_526, %dot_general3A_530 {dimension_numbers = #tpu.dot_dimension_numbers<[1], [0], [0], [1], [0, 0, 1, 1], [], []>, transpose_lhs_hint = false} : vector<512x128xf32>, vector<128x128xf32>, vector<512x128xf32> -> vector<512x128xf32>
    %mul3A_532 = arith.mulf %dot_general3A_528, %dot_general3A_528 : vector<512x128xf32>
    %sub3A_533 = arith.subf %dot_general3A_531, %mul3A_532 : vector<512x128xf32>
    %add3A_534 = arith.constant 9.99999997E-7 : f32
    %add3A_535 = vector.broadcast %add3A_534 : f32 to vector<512x128xf32>
    %add3A_536 = arith.addf %sub3A_533, %add3A_535 : vector<512x128xf32>
    %rsqrt3A_537 = math.rsqrt %add3A_536 : vector<512x128xf32>
    %mul3A_538 = arith.mulf %max3A_524, %rsqrt3A_537 : vector<512x128xf32>
    %mul3A_539 = arith.mulf %dot_general3A_528, %rsqrt3A_537 : vector<512x128xf32>
    %sub3A_540 = arith.subf %mul3A_538, %mul3A_539 : vector<512x128xf32>
    %get3A_541 = arith.constant 0 : index
    %get3A_542 = arith.constant 0 : index
    %get3A_543 = vector.load %arg11[%get3A_541, %get3A_542] : memref<128x64xf32, #tpu.memory_space<vmem>>, vector<128x64xf32>
    %dot_general3A_544 = arith.constant dense<0.000000e+00> : vector<512x64xf32>
    %dot_general3A_545 = tpu.matmul %sub3A_540, %get3A_543, %dot_general3A_544 {dimension_numbers = #tpu.dot_dimension_numbers<[1], [0], [0], [1], [0, 0, 1, 1], [], []>, transpose_lhs_hint = false} : vector<512x128xf32>, vector<128x64xf32>, vector<512x64xf32> -> vector<512x64xf32>
    %get3A_546 = arith.constant 0 : index
    %get3A_547 = arith.constant 0 : index
    %get3A_548 = vector.load %arg12[%get3A_546, %get3A_547] : memref<1x64xf32, #tpu.memory_space<vmem>>, vector<1x64xf32>
    %add3A_549 = vector.broadcast %get3A_548 : vector<1x64xf32> to vector<512x64xf32>
    %add3A_550 = arith.addf %dot_general3A_545, %add3A_549 : vector<512x64xf32>
    %max3A_551 = arith.constant 0.000000e+00 : f32
    %max3A_552 = vector.broadcast %max3A_551 : f32 to vector<512x64xf32>
    %max3A_553 = arith.maximumf %add3A_550, %max3A_552 : vector<512x64xf32>
    %reduce_sum3A_554 = arith.constant dense<0.000000e+00> : vector<512xf32>
    %reduce_sum3A_555 = vector.multi_reduction <add>, %max3A_553, %reduce_sum3A_554 [1] : vector<512x64xf32> to vector<512xf32>
    %broadcast_in_dim3A_556 = vector.shape_cast %reduce_sum3A_555 : vector<512xf32> to vector<512x1xf32>
    %div3A_557 = arith.constant 6.400000e+01 : f32
    %div3A_558 = vector.broadcast %div3A_557 : f32 to vector<512x1xf32>
    %div3A_559 = arith.divf %broadcast_in_dim3A_556, %div3A_558 : vector<512x1xf32>
    %mul3A_560 = arith.mulf %max3A_553, %max3A_553 : vector<512x64xf32>
    %reduce_sum3A_561 = arith.constant dense<0.000000e+00> : vector<512xf32>
    %reduce_sum3A_562 = vector.multi_reduction <add>, %mul3A_560, %reduce_sum3A_561 [1] : vector<512x64xf32> to vector<512xf32>
    %broadcast_in_dim3A_563 = vector.shape_cast %reduce_sum3A_562 : vector<512xf32> to vector<512x1xf32>
    %div3A_564 = arith.constant 6.400000e+01 : f32
    %div3A_565 = vector.broadcast %div3A_564 : f32 to vector<512x1xf32>
    %div3A_566 = arith.divf %broadcast_in_dim3A_563, %div3A_565 : vector<512x1xf32>
    %mul3A_567 = arith.mulf %div3A_559, %div3A_559 : vector<512x1xf32>
    %sub3A_568 = arith.subf %div3A_566, %mul3A_567 : vector<512x1xf32>
    %add3A_569 = arith.constant 9.99999997E-7 : f32
    %add3A_570 = vector.broadcast %add3A_569 : f32 to vector<512x1xf32>
    %add3A_571 = arith.addf %sub3A_568, %add3A_570 : vector<512x1xf32>
    %rsqrt3A_572 = math.rsqrt %add3A_571 : vector<512x1xf32>
    %mul3A_573 = vector.broadcast %rsqrt3A_572 : vector<512x1xf32> to vector<512x64xf32>
    %mul3A_574 = arith.mulf %max3A_553, %mul3A_573 : vector<512x64xf32>
    %mul3A_575 = arith.mulf %div3A_559, %rsqrt3A_572 : vector<512x1xf32>
    %sub3A_576 = vector.broadcast %mul3A_575 : vector<512x1xf32> to vector<512x64xf32>
    %sub3A_577 = arith.subf %mul3A_574, %sub3A_576 : vector<512x64xf32>
    %get3A_578 = arith.constant 0 : index
    %get3A_579 = arith.constant 0 : index
    %get3A_580 = vector.load %arg13[%get3A_578, %get3A_579] : memref<1x64xf32, #tpu.memory_space<vmem>>, vector<1x64xf32>
    %mul3A_581 = vector.broadcast %get3A_580 : vector<1x64xf32> to vector<512x64xf32>
    %mul3A_582 = arith.mulf %sub3A_577, %mul3A_581 : vector<512x64xf32>
    %reduce_sum3A_583 = arith.constant dense<0.000000e+00> : vector<512xf32>
    %reduce_sum3A_584 = vector.multi_reduction <add>, %mul3A_582, %reduce_sum3A_583 [1] : vector<512x64xf32> to vector<512xf32>
    %broadcast_in_dim3A_585 = vector.shape_cast %reduce_sum3A_584 : vector<512xf32> to vector<512x1xf32>
    %get3A_586 = arith.constant 0 : index
    %get3A_587 = arith.constant 0 : index
    %get3A_588 = vector.load %arg14[%get3A_586, %get3A_587] : memref<1x1xf32, #tpu.memory_space<vmem>>, vector<1x1xf32>
    %add3A_589 = vector.broadcast %get3A_588 : vector<1x1xf32> to vector<512x1xf32>
    %add3A_590 = arith.addf %broadcast_in_dim3A_585, %add3A_589 : vector<512x1xf32>
    %max3A_591 = arith.constant 0.000000e+00 : f32
    %max3A_592 = vector.broadcast %max3A_591 : f32 to vector<512x1xf32>
    %max3A_593 = arith.maximumf %add3A_590, %max3A_592 : vector<512x1xf32>
    %exp3A_594 = math.exp %max3A_593 : vector<512x1xf32>
    %get3A_595 = arith.constant 1536 : index
    %get3A_596 = arith.constant 0 : index
    %get3A_597 = vector.load %arg4[%get3A_595, %get3A_596] : memref<2048x1xf32, #tpu.memory_space<vmem>>, vector<512x1xf32>
    %mul3A_598 = arith.mulf %exp3A_594, %get3A_597 : vector<512x1xf32>
    %mul3A_599 = vector.broadcast %mul3A_598 : vector<512x1xf32> to vector<512x128xf32>
    %mul3A_600 = arith.mulf %add3A_500, %mul3A_599 : vector<512x128xf32>
    %swap3A_601 = arith.constant 1536 : index
    %swap3A_602 = arith.constant 0 : index
    %swap3A_603 = vector.load %arg15[%swap3A_601, %swap3A_602] : memref<2048x128xf32, #tpu.memory_space<vmem>>, vector<512x128xf32>
    tpu.vector_store %arg15[%swap3A_601, %swap3A_602], %mul3A_600 {strides = array<i32>} : memref<2048x128xf32, #tpu.memory_space<vmem>>, vector<512x128xf32>,
    %swap3A_604 = arith.constant 1536 : index
    %swap3A_605 = arith.constant 0 : index
    %swap3A_606 = vector.load %arg16[%swap3A_604, %swap3A_605] : memref<2048x1xf32, #tpu.memory_space<vmem>>, vector<512x1xf32>
    tpu.vector_store %arg16[%swap3A_604, %swap3A_605], %mul3A_598 {strides = array<i32>} : memref<2048x1xf32, #tpu.memory_space<vmem>>, vector<512x1xf32>,
    return
  }
  func.func @transform_0(%arg0: i32) -> (i32, i32) {
    %c0_i32 = arith.constant 0 : i32
    %c0_i32_0 = arith.constant 0 : i32
    return %arg0, %c0_i32 : i32, i32
  }
  func.func @transform_1(%arg0: i32) -> (i32, i32) {
    %add3A = arith.constant 81 : i32
    %add3A_0 = arith.addi %arg0, %add3A : i32
    %c0_i32 = arith.constant 0 : i32
    %c0_i32_1 = arith.constant 0 : i32
    return %add3A_0, %c0_i32 : i32, i32
  }
  func.func @transform_2(%arg0: i32) -> (i32, i32) {
    %c0_i32 = arith.constant 0 : i32
    %c0_i32_0 = arith.constant 0 : i32
    return %arg0, %c0_i32 : i32, i32
  }
  func.func @transform_3(%arg0: i32) -> (i32, i32) {
    %c0_i32 = arith.constant 0 : i32
    %c0_i32_0 = arith.constant 0 : i32
    return %arg0, %c0_i32 : i32, i32
  }
  func.func @transform_4(%arg0: i32) -> (i32, i32) {
    %c0_i32 = arith.constant 0 : i32
    %c0_i32_0 = arith.constant 0 : i32
    %c0_i32_1 = arith.constant 0 : i32
    return %c0_i32, %c0_i32_0 : i32, i32
  }
  func.func @transform_5(%arg0: i32) -> (i32, i32) {
    %c0_i32 = arith.constant 0 : i32
    %c0_i32_0 = arith.constant 0 : i32
    %c0_i32_1 = arith.constant 0 : i32
    return %c0_i32, %c0_i32_0 : i32, i32
  }
  func.func @transform_6(%arg0: i32) -> (i32, i32) {
    %c0_i32 = arith.constant 0 : i32
    %c0_i32_0 = arith.constant 0 : i32
    %c0_i32_1 = arith.constant 0 : i32
    return %c0_i32, %c0_i32_0 : i32, i32
  }
  func.func @transform_7(%arg0: i32) -> (i32, i32) {
    %c0_i32 = arith.constant 0 : i32
    %c0_i32_0 = arith.constant 0 : i32
    %c0_i32_1 = arith.constant 0 : i32
    return %c0_i32, %c0_i32_0 : i32, i32
  }
  func.func @transform_8(%arg0: i32) -> (i32, i32) {
    %c0_i32 = arith.constant 0 : i32
    %c0_i32_0 = arith.constant 0 : i32
    %c0_i32_1 = arith.constant 0 : i32
    return %c0_i32, %c0_i32_0 : i32, i32
  }
  func.func @transform_9(%arg0: i32) -> (i32, i32) {
    %c0_i32 = arith.constant 0 : i32
    %c0_i32_0 = arith.constant 0 : i32
    %c0_i32_1 = arith.constant 0 : i32
    return %c0_i32, %c0_i32_0 : i32, i32
  }
  func.func @transform_10(%arg0: i32) -> (i32, i32) {
    %c0_i32 = arith.constant 0 : i32
    %c0_i32_0 = arith.constant 0 : i32
    %c0_i32_1 = arith.constant 0 : i32
    return %c0_i32, %c0_i32_0 : i32, i32
  }
  func.func @transform_11(%arg0: i32) -> (i32, i32) {
    %c0_i32 = arith.constant 0 : i32
    %c0_i32_0 = arith.constant 0 : i32
    %c0_i32_1 = arith.constant 0 : i32
    return %c0_i32, %c0_i32_0 : i32, i32
  }
  func.func @transform_12(%arg0: i32) -> (i32, i32) {
    %c0_i32 = arith.constant 0 : i32
    %c0_i32_0 = arith.constant 0 : i32
    %c0_i32_1 = arith.constant 0 : i32
    return %c0_i32, %c0_i32_0 : i32, i32
  }
  func.func @transform_13(%arg0: i32) -> (i32, i32) {
    %c0_i32 = arith.constant 0 : i32
    %c0_i32_0 = arith.constant 0 : i32
    %c0_i32_1 = arith.constant 0 : i32
    return %c0_i32, %c0_i32_0 : i32, i32
  }
  func.func @transform_14(%arg0: i32) -> (i32, i32) {
    %c0_i32 = arith.constant 0 : i32
    %c0_i32_0 = arith.constant 0 : i32
    return %arg0, %c0_i32 : i32, i32
  }
  func.func @transform_15(%arg0: i32) -> (i32, i32) {
    %c0_i32 = arith.constant 0 : i32
    %c0_i32_0 = arith.constant 0 : i32
    return %arg0, %c0_i32 : i32, i32
  }
}

module attributes {stable_mosaic.version = 14 : i64} {
  func.func @_fin_body(%arg0: i32, %arg1: memref<1280x128xf32, #tpu.memory_space<vmem>>, %arg2: memref<1280x128xf32, #tpu.memory_space<vmem>>, %arg3: memref<1280x128xf32, #tpu.memory_space<vmem>>, %arg4: memref<1280x128xf32, #tpu.memory_space<vmem>>, %arg5: memref<32x1280xf32, #tpu.memory_space<vmem>>, %arg6: memref<32x1280xf32, #tpu.memory_space<vmem>>, %arg7: memref<1280x128xf32, #tpu.memory_space<vmem>>) attributes {dimension_semantics = [#tpu.dimension_semantics<arbitrary>], iteration_bounds = array<i64: 8>, scalar_prefetch = 0 : i64, scratch_operands = 0 : i64, tpu.core_type = #tpu.core_type<tc>, window_params = [{transform_indices = @transform_0, window_bounds = array<i64: 1280, 128>}, {transform_indices = @transform_1, window_bounds = array<i64: 1280, 128>}, {transform_indices = @transform_2, window_bounds = array<i64: 1280, 128>}, {transform_indices = @transform_3, window_bounds = array<i64: 1280, 128>}, {transform_indices = @transform_4, window_bounds = array<i64: 32, 1280>}, {transform_indices = @transform_5, window_bounds = array<i64: 32, 1280>}, {transform_indices = @transform_6, window_bounds = array<i64: 1280, 128>}]} {
    %get3A = arith.constant 0 : index
    %get3A_0 = arith.constant 0 : index
    %get3A_1 = vector.load %arg1[%get3A, %get3A_0] : memref<1280x128xf32, #tpu.memory_space<vmem>>, vector<1280x128xf32>
    %get3A_2 = arith.constant 0 : index
    %get3A_3 = arith.constant 0 : index
    %get3A_4 = vector.load %arg2[%get3A_2, %get3A_3] : memref<1280x128xf32, #tpu.memory_space<vmem>>, vector<1280x128xf32>
    %add3A = arith.addf %get3A_1, %get3A_4 : vector<1280x128xf32>
    %get3A_5 = arith.constant 0 : index
    %get3A_6 = arith.constant 0 : index
    %get3A_7 = vector.load %arg3[%get3A_5, %get3A_6] : memref<1280x128xf32, #tpu.memory_space<vmem>>, vector<1280x128xf32>
    %get3A_8 = arith.constant 0 : index
    %get3A_9 = arith.constant 0 : index
    %get3A_10 = vector.load %arg4[%get3A_8, %get3A_9] : memref<1280x128xf32, #tpu.memory_space<vmem>>, vector<1280x128xf32>
    %add3A_11 = arith.addf %get3A_7, %get3A_10 : vector<1280x128xf32>
    %add3A_12 = arith.addf %add3A, %add3A_11 : vector<1280x128xf32>
    %broadcast_in_dim3A = arith.constant 1.000000e+00 : f32
    %broadcast_in_dim3A_13 = vector.broadcast %broadcast_in_dim3A : f32 to vector<32x1xf32>
    %get3A_14 = arith.constant 0 : index
    %get3A_15 = arith.constant 0 : index
    %get3A_16 = vector.load %arg5[%get3A_14, %get3A_15] : memref<32x1280xf32, #tpu.memory_space<vmem>>, vector<32x1280xf32>
    %dot_general3A = arith.constant dense<0.000000e+00> : vector<1280x1xf32>
    %dot_general3A_17 = tpu.matmul %get3A_16, %broadcast_in_dim3A_13, %dot_general3A {dimension_numbers = #tpu.dot_dimension_numbers<[0], [0], [1], [1], [0, 1, 1, 1], [], []>, transpose_lhs_hint = false} : vector<32x1280xf32>, vector<32x1xf32>, vector<1280x1xf32> -> vector<1280x1xf32>
    %get3A_18 = arith.constant 0 : index
    %get3A_19 = arith.constant 0 : index
    %get3A_20 = vector.load %arg6[%get3A_18, %get3A_19] : memref<32x1280xf32, #tpu.memory_space<vmem>>, vector<32x1280xf32>
    %dot_general3A_21 = arith.constant dense<0.000000e+00> : vector<1280x1xf32>
    %dot_general3A_22 = tpu.matmul %get3A_20, %broadcast_in_dim3A_13, %dot_general3A_21 {dimension_numbers = #tpu.dot_dimension_numbers<[0], [0], [1], [1], [0, 1, 1, 1], [], []>, transpose_lhs_hint = false} : vector<32x1280xf32>, vector<32x1xf32>, vector<1280x1xf32> -> vector<1280x1xf32>
    %add3A_23 = arith.addf %dot_general3A_17, %dot_general3A_22 : vector<1280x1xf32>
    %max3A = arith.constant 1.000000e-30 : f32
    %max3A_24 = vector.broadcast %max3A : f32 to vector<1280x1xf32>
    %max3A_25 = arith.maximumf %add3A_23, %max3A_24 : vector<1280x1xf32>
    %div3A = vector.broadcast %max3A_25 : vector<1280x1xf32> to vector<1280x128xf32>
    %div3A_26 = arith.divf %add3A_12, %div3A : vector<1280x128xf32>
    %ge3A = arith.constant 0.000000e+00 : f32
    %ge3A_27 = vector.broadcast %ge3A : f32 to vector<1280x128xf32>
    %ge3A_28 = arith.cmpf oge, %div3A_26, %ge3A_27 : vector<1280x128xf32>
    %mul3A = arith.constant 0.00999999977 : f32
    %mul3A_29 = vector.broadcast %mul3A : f32 to vector<1280x128xf32>
    %mul3A_30 = arith.mulf %mul3A_29, %div3A_26 : vector<1280x128xf32>
    %select_n3A = arith.select %ge3A_28, %div3A_26, %mul3A_30 : vector<1280x128xi1>, vector<1280x128xf32>
    %swap3A = arith.constant 0 : index
    %swap3A_31 = arith.constant 0 : index
    %swap3A_32 = vector.load %arg7[%swap3A, %swap3A_31] : memref<1280x128xf32, #tpu.memory_space<vmem>>, vector<1280x128xf32>
    tpu.vector_store %arg7[%swap3A, %swap3A_31], %select_n3A {strides = array<i32>} : memref<1280x128xf32, #tpu.memory_space<vmem>>, vector<1280x128xf32>,
    return
  }
  func.func @transform_0(%arg0: i32) -> (i32, i32) {
    %c0_i32 = arith.constant 0 : i32
    %c0_i32_0 = arith.constant 0 : i32
    return %arg0, %c0_i32 : i32, i32
  }
  func.func @transform_1(%arg0: i32) -> (i32, i32) {
    %add3A = arith.constant 8 : i32
    %add3A_0 = arith.addi %arg0, %add3A : i32
    %c0_i32 = arith.constant 0 : i32
    %c0_i32_1 = arith.constant 0 : i32
    return %add3A_0, %c0_i32 : i32, i32
  }
  func.func @transform_2(%arg0: i32) -> (i32, i32) {
    %c0_i32 = arith.constant 0 : i32
    %c0_i32_0 = arith.constant 0 : i32
    return %arg0, %c0_i32 : i32, i32
  }
  func.func @transform_3(%arg0: i32) -> (i32, i32) {
    %add3A = arith.constant 8 : i32
    %add3A_0 = arith.addi %arg0, %add3A : i32
    %c0_i32 = arith.constant 0 : i32
    %c0_i32_1 = arith.constant 0 : i32
    return %add3A_0, %c0_i32 : i32, i32
  }
  func.func @transform_4(%arg0: i32) -> (i32, i32) {
    %c0_i32 = arith.constant 0 : i32
    %c0_i32_0 = arith.constant 0 : i32
    return %c0_i32, %arg0 : i32, i32
  }
  func.func @transform_5(%arg0: i32) -> (i32, i32) {
    %c0_i32 = arith.constant 0 : i32
    %c0_i32_0 = arith.constant 0 : i32
    return %c0_i32, %arg0 : i32, i32
  }
  func.func @transform_6(%arg0: i32) -> (i32, i32) {
    %c0_i32 = arith.constant 0 : i32
    %c0_i32_0 = arith.constant 0 : i32
    return %arg0, %c0_i32 : i32, i32
  }
}

</mosaic_0001>

<sc_bundles>
// kernel: kernel.12.cloned.1.call-start
scs
__scs_entry_jumppad:
0x0: {  	(pc) =	sbr.rel $0x88, $3  }
0x1: {  	(tag) =	ssettag $0x0;
	lr =	simm.s32 $0x1  }
0x2: {  	[smem:$0x3F91] =	sst lr;
	_ =	strace $0xD0000000  }
0x3: {  	_ = 	snop  }
0x4: {  	_ = 	snop  }
0x5: {  	_ = 	snop  }
0x6: {  	_ = 	snop  }
0x7: {  	_ = 	snop  }
__scs_overlays_trampoline_lowered:
0x8: {  	[smem:$0x3FA0] =	sst s0  }
0x9: {  	[smem:$0x3FA1] =	sst s1  }
0xa: {  	[smem:$0x3FA2] =	sst s2  }
0xb: {  	[smem:$0x3FA3] =	sst s3  }
0xc: {  	[smem:$0x3FA4] =	sst s4  }
0xd: {  	[smem:$0x3FA5] =	sst s5  }
0xe: {  	[smem:$0x3FA6] =	sst s6  }
0xf: {  	[smem:$0x3FA7] =	sst s7  }
0x10: {  	[smem:$0x3FA8] =	sst s8  }
0x11: {  	[smem:$0x3FA9] =	sst s9;
	s0 =	simm.s32 @!p0 $0x0  }
0x12: {  	s1 =	sld [smem:$0x3F8F];
	s0 =	simm.s32 @p0 $0x1  }
0x13: {  	[smem:$0x3FAA] =	sst s0;
	s0 =	simm.s32 @!p1 $0x0  }
0x14: {  	s2 =	sld [smem:$0x3F8E];
	s0 =	simm.s32 @p1 $0x1  }
0x15: {  	[smem:$0x3FAB] =	sst s0;
	s0 =	simm.s32 @!p2 $0x0  }
0x16: {  	s3 =	sld [smem:$0x3FDB];
	s0 =	simm.s32 @p2 $0x1  }
0x17: {  	s4 =	simm.s32 $0x1BF5;
	[smem:$0x3FAD] =	sst s0  }
0x18: {  	s0 =	sld [smem:$0x3F90];
	_ =	swait.ge [sflag:s4], $0x0  }
0x19: {  	s7 =	sld [smem:$0x3F91]  }
0x1a: {  	s8 =	sadd.s32 $0xFFFFE003, lr  }
0x1b: {  	s9 =	sadd.s32 $0xFFFFFEF7, lr;
	s5 =	simm.s32 $0xFFFFFFFF;
	p2 =	slt.u32 s8, $0xFFFFF086  }
0x1c: {  	p1 =	slt.u32 s9, $0xF7A;
	s5 =	simm.s32 @!p2 $0x0  }
0x1d: {  	s5 =	simm.s32 @p1 $0x1;
	p0 =	seq.s32 s7, s2  }
0x1e: {  	s7 =	smul.u32 @!p0 $0xF7A, s2;
	p2 =	seq.s32 @!p0 s5, $0x0  }
0x1f: {  	s9 =	smul.u32 $0xF7A, s1;
	s8 =	simm.s32 @!p0 $0x1BF5;
	p2 =	por !p2, p0  }
0x20: {  	[sflag:s8] =	ssyncset.s32 @!p0 $0xFFFFF086;
	s6 =	sadd.s32 @!p0 s3, s7;
	s7 =	simm.s32 @!p0 $0x108  }
0x21: {  	s3 =	sadd.s32 s3, s9;
	s6 =	sadd.s32 @!p0 $0x88, s6;
	s7 =	simm.s32 @p2 $0x1082  }
0x22: {  	[simem:s7], [sflag:s8] =	dma.local @!p0 [hbm:s6], $0xF7A  }
0x23: {  	s9 =	sor.u32 $0xD0000000, s2;
	s6 =	simm.s32 $0x108;
	_ =	swait.ge @!p0 [sflag:s8], $0x0  }
0x24: {  	s3 =	sadd.s32 $0x88, s3;
	s6 =	simm.s32 @!p1 $0x1082;
	[sflag:s4] =	ssyncset.s32 $0xFFFFF086  }
0x25: {  	[simem:s6], [sflag:s4] =	dma.local [hbm:s3], $0xF7A  }
0x26: {  	[smem:$0x3F91] =	sst s1;
	(tag) =	ssettag s2;
	_ =	strace s9  }
0x27: {  	s1 =	sld [smem:$0x3FA1]  }
0x28: {  	s2 =	sld [smem:$0x3FA2]  }
0x29: {  	s4 =	sld [smem:$0x3FA4]  }
0x2a: {  	p0 =	seq.s32 s5, $0x0;
	s5 =	sld [smem:$0x3FA5]  }
0x2b: {  	s6 =	sld [smem:$0x3FA6]  }
0x2c: {  	s7 =	sld [smem:$0x3FA7]  }
0x2d: {  	s3 =	simm.s32 $0x108;
	s8 =	sld [smem:$0x3FA8]  }
0x2e: {  	s3 =	simm.s32 @!p0 $0x1082;
	s9 =	sld [smem:$0x3FA9]  }
0x2f: {  	lr =	sadd.s32 s0, s3;
	s0 =	sld [smem:$0x3FA0]  }
0x30: {  	s3 =	sld [smem:$0x3FA3]  }
0x31: {  	[smem:$0x3FAC] =	sst s10  }
0x32: {  	s10 =	sld [smem:$0x3FAA];
	_ =	sdelay $0x3  }
0x33: {  	p0 =	seq.s32 s10, $0x1;
	s10 =	sld [smem:$0x3FAC];
	_ =	sdelay $0x3  }
0x34: {  	[smem:$0x3FAC] =	sst s10  }
0x35: {  	s10 =	sld [smem:$0x3FAB];
	_ =	sdelay $0x3  }
0x36: {  	p1 =	seq.s32 s10, $0x1;
	s10 =	sld [smem:$0x3FAC];
	_ =	sdelay $0x3  }
0x37: {  	[smem:$0x3FAC] =	sst s10  }
0x38: {  	s10 =	sld [smem:$0x3FAD]  }
0x39: {  	_ = 	snop;
	(pc) =	sbr.ind lr, $3  }
0x3a: {  	_ = 	snop  }
0x3b: {  	_ = 	snop  }
0x3c: {  	p2 =	seq.s32 s10, $0x1;
	s10 =	sld [smem:$0x3FAC]  }
0x3d: {  	_ =	shalt  }
0x3e: {  	_ =	shalt  }
0x3f: {  	_ =	shalt  }
0x40: {  	_ =	shalt  }
0x41: {  	_ =	shalt  }
0x42: {  	_ =	shalt  }
0x43: {  	_ =	shalt  }
0x44: {  	_ =	shalt  }
0x45: {  	_ =	shalt  }
0x46: {  	_ =	shalt  }
0x47: {  	_ =	shalt  }
0x48: {  	_ =	shalt  }
0x49: {  	_ =	shalt  }
0x4a: {  	_ =	shalt  }
0x4b: {  	_ =	shalt  }
0x4c: {  	_ =	shalt  }
0x4d: {  	_ =	shalt  }
0x4e: {  	_ =	shalt  }
0x4f: {  	_ =	shalt  }
0x50: {  	_ =	shalt  }
0x51: {  	_ =	shalt  }
0x52: {  	_ =	shalt  }
0x53: {  	_ =	shalt  }
0x54: {  	_ =	shalt  }
0x55: {  	_ =	shalt  }
0x56: {  	_ =	shalt  }
0x57: {  	_ =	shalt  }
0x58: {  	_ =	shalt  }
0x59: {  	_ =	shalt  }
0x5a: {  	_ =	shalt  }
0x5b: {  	_ =	shalt  }
0x5c: {  	_ =	shalt  }
0x5d: {  	_ =	shalt  }
0x5e: {  	_ =	shalt  }
0x5f: {  	_ =	shalt  }
0x60: {  	_ =	shalt  }
0x61: {  	_ =	shalt  }
0x62: {  	_ =	shalt  }
0x63: {  	_ =	shalt  }
0x64: {  	_ =	shalt  }
0x65: {  	_ =	shalt  }
0x66: {  	_ =	shalt  }
0x67: {  	_ =	shalt  }
0x68: {  	_ =	shalt  }
0x69: {  	_ =	shalt  }
0x6a: {  	_ =	shalt  }
0x6b: {  	_ =	shalt  }
0x6c: {  	_ =	shalt  }
0x6d: {  	_ =	shalt  }
0x6e: {  	_ =	shalt  }
0x6f: {  	_ =	shalt  }
0x70: {  	_ =	shalt  }
0x71: {  	_ =	shalt  }
0x72: {  	_ =	shalt  }
0x73: {  	_ =	shalt  }
0x74: {  	_ =	shalt  }
0x75: {  	_ =	shalt  }
0x76: {  	_ =	shalt  }
0x77: {  	_ =	shalt  }
0x78: {  	_ =	shalt  }
0x79: {  	_ =	shalt  }
0x7a: {  	_ =	shalt  }
0x7b: {  	_ =	shalt  }
0x7c: {  	_ =	shalt  }
0x7d: {  	_ =	shalt  }
0x7e: {  	_ =	shalt  }
0x7f: {  	_ =	shalt  }
0x80: {  	_ =	shalt  }
0x81: {  	_ =	shalt  }
0x82: {  	_ =	shalt  }
0x83: {  	_ =	shalt  }
0x84: {  	_ =	shalt  }
0x85: {  	_ =	shalt  }
0x86: {  	_ =	shalt  }
0x87: {  	_ =	shalt  }
.Lfunc_end0:
.L_simem_size_0:
called_computation.1_lowered:
.L_overlay_start_0:
0x88: {  	s2 =	sld [smem:$0x3FD9]  }
0x89: {  	s3 =	sld [smem:$0x3FFE];
	_ =	sdelay $0x1  }
0x8a: {  	s1 =	srdreg.scid  }
0x8b: {  	s0 =	sand.u32 $0x1, s1  }
0x8c: {  	s17 =	sshll.u32 s0, $0xA;
	s2 =	sadd.s32 s3, s2  }
0x8d: {  	s2 =	sadd.s32 s2, s17  }
0x8e: {  	[smem:$0x3FB8] =	sst s2  }
0x8f: {  	_ = 	snop  }
0x90: {  	s18 =	sld [smem:$0x3FD0];
	(tm) =	ssettm $0x1  }
0x91: {  	s19 =	sld [smem:$0x3FFB];
	_ =	sdelay $0x3  }
0x92: {  	_ =	strace s19  }
0x93: {  	s2 =	sld [smem:$0x3FFC];
	_ =	sdelay $0x3  }
0x94: {  	_ =	strace s2  }
0x95: {  	s2 =	sld [smem:$0x3FFD];
	_ =	sdelay $0x3  }
0x96: {  	_ =	strace s2  }
0x97: {  	_ =	strace $0x8FFFFFFF  }
0x98: {  	s20 =	sld [smem:$0x3FDB];
	_ =	sdelay $0x1  }
0x99: {  	s4 =	simm.s32 $_scs_section_size  }
0x9a: {  	s5 =	simm.s32 $_size__tile_overlayer_lowered;
	s6 =	simm.s32 $_tile_overlayer_lowered  }
0x9b: {  	s7 =	simm.s32 $0x1BFF;
	s21 =	sshll.u32 s6, $0x1;
	s4 =	sadd.s32 s4, s20  }
0x9c: {  	s22 =	simm.s32 $0x0;
	s5 =	sshll.u32 s5, $0x1;
	s6 =	sadd.s32 s21, s4  }
0x9d: {  	[timem:s22], [sflag:s7] =	dma.local [hbm:s6], s5  }
0x9e: {  	_ =	swait.ge [sflag:s7], s5  }
0x9f: {  	s5 =	ssub.s32 $0x0, s5;
	[sflag:s7] =	ssyncset.done $0x0  }
0xa0: {  	[sflag:s7] =	ssyncadd.s32 s5;
	_ =	sdelay $0x1  }
0xa1: {  	s23 =	simm.s32 $0x1B8B  }
0xa2: {  	_ =	swait.ge [sflag:s23], $0x1  }
0xa3: {  	[sflag:s23] =	ssyncset.done $0x0  }
0xa4: {  	[sflag:s23] =	ssyncadd.s32 $0xFFFFFFFF  }
0xa5: {  	s5 =	sld [smem:$0x0]  }
0xa6: {  	s6 =	sand.u32 $0xFFFFFFFE, s1  }
0xa7: {  	p0 =	sne.s32 s1, s6  }
0xa8: {  	s6 =	sshll.u32 @p0 s6, $0xE  }
0xa9: {  	s6 =	sadd.s32 @p0 $0x11B8D, s6;
	s7 =	sshll.u32 @p0 s5, $0x11  }
0xaa: {  	s6 =	sor.u32 @p0 s7, s6  }
0xab: {  	[sflag:s6] =	ssyncadd.remote.s32 @p0 $0x1;
	_ =	sdelay $0x1  }
0xac: {  	s6 =	simm.s32 @p0 $0x1B8D  }
0xad: {  	_ =	swait.eq @p0 [sflag:s6], $0x1  }
0xae: {  	[sflag:s6] =	ssyncadd.s32 @p0 $0xFFFFFFFF  }
0xaf: {  	s7 =	sshll.u32 @!p0 s1, $0xE  }
0xb0: {  	s7 =	sor.u32 @!p0 $0x4000, s7;
	s6 =	simm.s32 @!p0 $0x1B8D  }
0xb1: {  	s5 =	sshll.u32 @!p0 s5, $0x11;
	s7 =	sadd.s32 @!p0 $0x11B8D, s7;
	_ =	swait.eq @!p0 [sflag:s6], $0x1  }
0xb2: {  	s5 =	sor.u32 @!p0 s5, s7;
	[sflag:s6] =	ssyncadd.s32 @!p0 $0xFFFFFFFF  }
0xb3: {  	s25 =	simm.s32 $0x1B8E;
	s24 =	sld [smem:$0x3FFE];
	[sflag:s5] =	ssyncadd.remote.s32 @!p0 $0x1  }
0xb4: {  	s26 =	simm.s32 $execute0_lowered;
	[smem:$0x3FD2] =	sst s25  }
0xb5: {  	s6 =	sshll.u32 s26, $0x1;
	_ =	strace $0x8000004F;
	[dreg:$0x1] =	wrdreg $0xFFFFFFFF  }
0xb6: {  	s28 =	simm.s32 $_size_execute0_lowered;
	s4 =	sadd.s32 s4, s6;
	[dreg:$0x0] =	wrdreg $0x0  }
0xb7: {  	s6 =	sshll.u32 s28, $0x1;
	[dreg:$0x2] =	wrdreg s4  }
0xb8: {  	[dreg:$0x3] =	wrdreg s6  }
0xb9: {  	[dreg:$0x4] =	wrdreg $0xC0  }
0xba: {  	_ =	task [dreg:s22], $0x5FFFF  }
0xbb: {  	[dreg:$0x1] =	wrdreg $0xFFFFFFFF  }
0xbc: {  	[dreg:$0x0] =	wrdreg $0x60  }
0xbd: {  	[dreg:$0x2] =	wrdreg s24  }
0xbe: {  	[dreg:$0x3] =	wrdreg s18  }
0xbf: {  	[dreg:$0x4] =	wrdreg $0x0  }
0xc0: {  	[dreg:$0x5] =	wrdreg $0x9  }
0xc1: {  	_ =	task.clear_ibuf [dreg:s22], $0x6FFFF;
	_ =	strace $0x9000004F  }
0xc2: {  	s29 =	simm.s32 $0x9;
	_ =	strace $0x80000051  }
0xc3: {  	_ =	swait.ge [sflag:s29], $0x1  }
0xc4: {  	[sflag:s29] =	ssyncadd.s32 $0xFFFFFFFF  }
0xc5: {  	_ =	strace $0x90000051  }
0xc6: {  	_ =	sfence  }
0xc7: {  	s30 =	sld [smem:$0x0];
	_ =	sdelay $0x2  }
0xc8: {  	s31 =	sshll.u32 s1, $0xD;
	s1 =	sshrl.u32 s1, $0x2  }
0xc9: {  	s4 =	sand.u32 $0x4000, s31;
	s1 =	sadd.s32 s1, s30  }
0xca: {  	s0 =	sor.u32 s4, s0;
	s1 =	sshll.u32 s1, $0x11  }
0xcb: {  	s0 =	sor.u32 s1, s0  }
0xcc: {  	s0 =	sadd.s32 $0x8F2B, s0  }
0xcd: {  	[sflag:s0] =	ssyncadd.remote.s32 $0x1  }
0xce: {  	_ =	sfence.sel $0xFFFF  }
0xcf: {  	[dreg:$0x0] =	wrdreg $0xFFFFFFFF;
	(pc) =	sbr.abs _section_cstart, $3  }
0xd0: {  	[dreg:$0x1] =	wrdreg $0xFFFFFFFF  }
0xd1: {  	_ =	task.clear_ibuf [dreg:s22], $0x2FFFF;
	_ =	strace $0x9FFFFFFF  }
0xd2: {  	(tm) =	ssettm $0x7FFFFFFF  }
0xd3: {  	_ =	shalt  }
tec
execute0_lowered:
.L_overlay_start_1:
0x0: {  	(tag) =	ssettag $0x1  }
0x1: {  	s0 =	rddreg [dreg:$0x0]  }
0x2: {  	s1 =	rddreg [dreg:$0x1]  }
0x3: {  	s2 =	rddreg [dreg:$0x2];
	s18 =	stileid.u32  }
0x4: {  	s4 =	srdreg.scid;
	s3 =	simm.s32 $0x0;
	s28 =	simm.s32 $0x1A200  }
0x5: {  	s29 =	simm.s32 $0x2;
	s30 =	simm.s32 $0x3;
	s6 =	smul.u32 $0x2800, s18  }
0x6: {  	s8 =	sand.u32 $0x1, s4;
	[smem:$0x7FF] =	sst s3;
	s4 =	sadd.s32 $0x29E400, s0  }
0x7: {  	s31 =	simm.s32 $0x4;
	s13 =	sadd.s32 $0x11B2A00, s0;
	s5 =	sadd.s32 $0x52B600, s0  }
0x8: {  	s10 =	sshll.u32 s18, $0x1;
	s11 =	smul.u32 $0x50000, s18;
	s24 =	sshll.u32 s18, $0x6  }
0x9: {  	s14 =	sshrl.u32 s18, $0x2;
	s7 =	smul.u32 $0x28000, s8;
	_ =	strace $0x80000050  }
0xa: {  	s21 =	ssub.s32 $0x2, s8;
	s10 =	sor.u32 s8, s10;
	s14 =	smul.u32 $0x14000, s14  }
0xb: {  	s9 =	sadd.s32 s6, s0;
	s22 =	sshrl.u32 s21, $0x1;
	s23 =	smul.u32 $0x1440, s10  }
0xc: {  	s11 =	sshrl.u32 s11, $0x2;
	s12 =	smul.u32 $0x14400, s10;
	s17 =	sshll.u32 s10, $0x7  }
0xd: {  	s6 =	sadd.s32 s6, s7;
	s15 =	sadd.s32 s11, s2;
	s9 =	sadd.s32 $0x7BDC00, s9  }
0xe: {  	s7 =	sor.u32 $0x1C05, s24;
	s20 =	sand.u32 $0x380, s17;
	s17 =	smul.u32 $0x1440, s8  }
0xf: {  	s8 =	smul.u32 $0x14400, s8;
	s0 =	sadd.s32 s6, s0;
	s6 =	ssub.s32 s21, s22  }
0x10: {  	[dreg:$0x5] =	wrdreg s9;
	s25 =	sshrl.u32 s23, $0x3;
	s19 =	sadd.s32 s13, s12  }
0x11: {  	s21 =	sor.u32 s14, s20;
	s26 =	sadd.s32 s4, s25;
	[dreg:$0x8] =	wrdreg s19  }
0x12: {  	s22 =	smul.u32 $0x28800, s18;
	s16 =	sadd.s32 s5, s25;
	[dreg:$0x6] =	wrdreg s26  }
0x13: {  	s20 =	simm.s32 $0x14000;
	s0 =	sadd.s32 $0xC200, s0;
	[dreg:$0x7] =	wrdreg s16  }
0x14: {  	s19 =	simm.s32 $0x5;
	s16 =	smul.u32 $0x2880, s18;
	[dreg:$0x9] =	wrdreg s0  }
0x15: {  	s0 =	sshrl.u32 s21, $0x3;
	s23 =	sadd.s32 s22, s13;
	s13 =	smax.u32 s6, $0x1  }
0x16: {  	s18 =	sshrl.u32 s15, $0x3;
	s22 =	simm.s32 $0x14100;
	s26 =	simm.s32 $0x1A180  }
0x17: {  	s21 =	simm.s32 $0x0;
	s0 =	sadd.s32 s1, s0;
	s14 =	sadd.s32 s8, s23  }
0x18: {  	s23 =	simm.s32 $0x1;
	[dreg:$0x4] =	wrdreg s26;
	s16 =	sadd.s32 s17, s16  }
0x19: {  	s26 =	simm.s32 $0x60;
	[dreg:$0xa] =	wrdreg s0;
	s24 =	sadd.s32 $0x60, s16  }
0x1a: {  	s8 =	sadd.s32 $0xC0, s16;
	s25 =	sshrl.u32 s24, $0x3;
	s24 =	simm.s32 $0x14080  }
0x1b: {  	v0 =	vimm.f32 $0.0e+00;
	s6 =	sadd.s32 s25, s5;
	s1 =	sadd.s32 s25, s4;
	s25 =	simm.s32 $0x17100  }
.LBB2_1:
0x1c: {  	s0 =	rddreg [dreg:$0x5]  }
0x1d: {  	[spmem:s18], [sflag:s7] =	dma.local [hbm:s0], $0x2800  }
0x1e: {  	_ =	swait.ge [sflag:s19], $0x2800  }
0x1f: {  	[sflag:s19] =	ssyncset.done $0x0  }
0x20: {  	s15 =	simm.s32 $0x0;
	s0 =	simm.s32 $0x40;
	[sflag:s19] =	ssyncadd.s32 $0xFFFFD800  }
.LBB2_2:
0x21: {  	p0 =	sne.s32 s0, $0x9FC0;
	[tilespmem:s15+$0x1A200] =	vst v0;
	s15 =	smov.u32 s0;
	s0 =	sadd.s32 $0x40, s0  }
.Ltmp0:
0x22: {  	(pc) =	sbr.rel @p0 .LBB2_2-.Ltmp0, $2  }
0x23: {  	_ =	sdelay $0x2  }
0x24: {  	s15 =	sshra.s32 s15, $0x2  }
0x25: {  	[tilespmem:s15+$0x1A200] =	vst v0  }
0x26: {  	[bflag:$0x0] =	sbarrier.arrive $0xFFFF  }
0x27: {  	s0 =	simm.s32 $0x0;
	s9 =	rddreg [dreg:$0x6]  }
0x28: {  	[tilespmem:s20], [sflag:$0x1] =	stream.linear.gather [hbm4b:s9+s0], $0x60, $0x38;
	[tilespmem:$0x1CA00] =	vst v63  }
0x29: {  	s10 =	simm.s32 $0x1A100;
	s16 =	rddreg [dreg:$0x7]  }
0x2a: {  	[tilespmem:s10], [sflag:$0x1] =	stream.linear.gather [hbm4b:s16+s0], $0x60, $0x38;
	[tilespmem:$0x1CA00] =	vst v63  }
0x2b: {  	s17 =	rddreg [dreg:$0x8]  }
0x2c: {  	[tilespmem:s22], [sflag:$0x1] =	stream.linear.gather [hbm4b:s17+s0], $0x3000, $0x38;
	[tilespmem:$0x1CA00] =	vst v63  }
0x2d: {  	s15 =	smov.u32 s8;
	s16 =	smov.u32 s6;
	s17 =	smov.u32 s1  }
.LBB2_4:
0x2e: {  	_ =	swait.ge [sflag:s23], $0x60  }
0x2f: {  	[sflag:s23] =	ssyncset.done $0x0  }
0x30: {  	[sflag:s23] =	ssyncadd.s32 $0xFFFFFFA0  }
0x31: {  	_ =	swait.ge [sflag:s23], $0x60  }
0x32: {  	[sflag:s23] =	ssyncset.done $0x0  }
0x33: {  	[sflag:s23] =	ssyncadd.s32 $0xFFFFFFA0  }
0x34: {  	_ =	swait.ge [sflag:s23], $0x3000  }
0x35: {  	p0 =	seq.s32 s0, $0x0;
	[sflag:s23] =	ssyncset.done $0x0  }
0x36: {  	s9 =	simm.s32 @!p0 $0x4;
	[sflag:s23] =	ssyncadd.s32 $0xFFFFD000  }
0x37: {  	_ =	swait.ge @!p0 [sflag:s9], $0x3000  }
0x38: {  	[sflag:s9] =	ssyncset.done @!p0 $0x0  }
0x39: {  	[sflag:s9] =	ssyncadd.s32 @!p0 $0xFFFFD000  }
0x3a: {  	[tilespmem:s24], [sflag:$0x2] =	stream.linear.gather [hbm4b:s17+s3], $0x60, $0x38;
	[tilespmem:$0x1CA00] =	vst v63  }
0x3b: {  	s12 =	sadd.s32 s0, s14;
	s11 =	rddreg [dreg:$0x4]  }
0x3c: {  	[tilespmem:s11], [sflag:$0x2] =	stream.linear.gather [hbm4b:s16+s3], $0x60, $0x38;
	[tilespmem:$0x1CA00] =	vst v63  }
0x3d: {  	s9 =	sadd.s32 $0x600, s12  }
0x3e: {  	[tilespmem:s25], [sflag:$0x2] =	stream.linear.gather [hbm4b:s9+s3], $0x3000, $0x38;
	[tilespmem:$0x1CA00] =	vst v63  }
0x3f: {  	_ = 	snop  }
0x40: {  	[spmem:s2] =	stream.indirect.scatter.add.f32 [tilespmem:s22], [sflag:$0x3], $0x80, s20, s26, $0xb8;
	[tilespmem:$0x1CA00] =	vst v63  }
0x41: {  	v1 =	vld [tilespmem:$0x14000];
	_ =	sdelay $0x2  }
0x42: {  	v2 =	vld [tilespmem:$0x1A100];
	_ =	sdelay $0x4  }
0x43: {  	[tilespmem:v1+s28+$0x0] =	vst.idx.add.f32.msk $0xffff, v2  }
0x44: {  	v1 =	vld [tilespmem:$0x14010];
	_ =	sdelay $0x2  }
0x45: {  	v2 =	vld [tilespmem:$0x1A110];
	_ =	sdelay $0x4  }
0x46: {  	[tilespmem:v1+s28+$0x0] =	vst.idx.add.f32.msk $0xffff, v2  }
0x47: {  	v1 =	vld [tilespmem:$0x14020];
	_ =	sdelay $0x2  }
0x48: {  	v2 =	vld [tilespmem:$0x1A120];
	_ =	sdelay $0x4  }
0x49: {  	[tilespmem:v1+s28+$0x0] =	vst.idx.add.f32.msk $0xffff, v2  }
0x4a: {  	v1 =	vld [tilespmem:$0x14030];
	_ =	sdelay $0x2  }
0x4b: {  	v2 =	vld [tilespmem:$0x1A130];
	_ =	sdelay $0x4  }
0x4c: {  	[tilespmem:v1+s28+$0x0] =	vst.idx.add.f32.msk $0xffff, v2  }
0x4d: {  	v1 =	vld [tilespmem:$0x14040];
	_ =	sdelay $0x2  }
0x4e: {  	v2 =	vld [tilespmem:$0x1A140];
	_ =	sdelay $0x4  }
0x4f: {  	[tilespmem:v1+s28+$0x0] =	vst.idx.add.f32.msk $0xffff, v2  }
0x50: {  	v1 =	vld [tilespmem:$0x14050];
	_ =	sdelay $0x2  }
0x51: {  	v2 =	vld [tilespmem:$0x1A150];
	_ =	sdelay $0x4  }
0x52: {  	[tilespmem:v1+s28+$0x0] =	vst.idx.add.f32.msk $0xffff, v2  }
0x53: {  	_ =	swait.ge [sflag:s29], $0x60  }
0x54: {  	[sflag:s29] =	ssyncset.done $0x0  }
0x55: {  	[sflag:s29] =	ssyncadd.s32 $0xFFFFFFA0  }
0x56: {  	_ =	swait.ge [sflag:s29], $0x60  }
0x57: {  	[sflag:s29] =	ssyncset.done $0x0  }
0x58: {  	[sflag:s29] =	ssyncadd.s32 $0xFFFFFFA0  }
0x59: {  	_ =	swait.ge [sflag:s29], $0x3000  }
0x5a: {  	p0 =	seq.s32 s0, $0x13800;
	[sflag:s29] =	ssyncset.done $0x0  }
0x5b: {  	s9 =	simm.s32 @!p0 $0x3;
	[sflag:s29] =	ssyncadd.s32 $0xFFFFD000  }
0x5c: {  	_ =	swait.ge @!p0 [sflag:s9], $0x3000  }
0x5d: {  	[sflag:s9] =	ssyncset.done @!p0 $0x0  }
0x5e: {  	[sflag:s9] =	ssyncadd.s32 @!p0 $0xFFFFD000;
	s9 =	sshrl.u32 @!p0 s15, $0x3  }
0x5f: {  	s12 =	simm.s32 @!p0 $0x14000;
	s11 =	simm.s32 @!p0 $0x0;
	s10 =	sadd.s32 @!p0 s4, s9  }
0x60: {  	[tilespmem:s12], [sflag:$0x1] =	stream.linear.gather @!p0 [hbm4b:s10+s11], $0x60, $0x38;
	[tilespmem:$0x1CA00] =	vst v63  }
0x61: {  	s9 =	sadd.s32 @!p0 s5, s9;
	s10 =	simm.s32 @!p0 $0x1A100  }
0x62: {  	[tilespmem:s10], [sflag:$0x1] =	stream.linear.gather @!p0 [hbm4b:s9+s11], $0x60, $0x38;
	[tilespmem:$0x1CA00] =	vst v63  }
0x63: {  	s9 =	sadd.s32 @!p0 s0, s14  }
0x64: {  	s10 =	simm.s32 @!p0 $0x14100;
	s9 =	sadd.s32 @!p0 $0xC00, s9  }
0x65: {  	[tilespmem:s10], [sflag:$0x1] =	stream.linear.gather @!p0 [hbm4b:s9+s11], $0x3000, $0x38;
	[tilespmem:$0x1CA00] =	vst v63  }
0x66: {  	_ = 	snop  }
0x67: {  	[spmem:s2] =	stream.indirect.scatter.add.f32 [tilespmem:s25], [sflag:$0x4], $0x80, s24, s26, $0xb8;
	[tilespmem:$0x1CA00] =	vst v63  }
0x68: {  	v1 =	vld [tilespmem:$0x14080];
	_ =	sdelay $0x2  }
0x69: {  	v2 =	vld [tilespmem:$0x1A180];
	_ =	sdelay $0x4  }
0x6a: {  	[tilespmem:v1+s28+$0x0] =	vst.idx.add.f32.msk $0xffff, v2  }
0x6b: {  	v1 =	vld [tilespmem:$0x14090];
	_ =	sdelay $0x2  }
0x6c: {  	v2 =	vld [tilespmem:$0x1A190];
	_ =	sdelay $0x4  }
0x6d: {  	[tilespmem:v1+s28+$0x0] =	vst.idx.add.f32.msk $0xffff, v2  }
0x6e: {  	v1 =	vld [tilespmem:$0x140A0];
	_ =	sdelay $0x2  }
0x6f: {  	v2 =	vld [tilespmem:$0x1A1A0];
	_ =	sdelay $0x4  }
0x70: {  	[tilespmem:v1+s28+$0x0] =	vst.idx.add.f32.msk $0xffff, v2  }
0x71: {  	v1 =	vld [tilespmem:$0x140B0];
	_ =	sdelay $0x2  }
0x72: {  	v2 =	vld [tilespmem:$0x1A1B0];
	_ =	sdelay $0x4  }
0x73: {  	[tilespmem:v1+s28+$0x0] =	vst.idx.add.f32.msk $0xffff, v2  }
0x74: {  	v1 =	vld [tilespmem:$0x140C0];
	_ =	sdelay $0x2  }
0x75: {  	v2 =	vld [tilespmem:$0x1A1C0];
	_ =	sdelay $0x4  }
0x76: {  	[tilespmem:v1+s28+$0x0] =	vst.idx.add.f32.msk $0xffff, v2  }
0x77: {  	v1 =	vld [tilespmem:$0x140D0];
	_ =	sdelay $0x1  }
0x78: {  	s0 =	sadd.s32 $0xC00, s0  }
0x79: {  	p0 =	sne.s32 s0, $0x14400;
	v2 =	vld [tilespmem:$0x1A1D0]  }
.Ltmp1:
0x7a: {  	_ = 	snop;
	(pc) =	sbr.rel @p0 .LBB2_4-.Ltmp1, $2  }
0x7b: {  	_ =	sdelay $0x2  }
0x7c: {  	s17 =	sadd.s32 $0x18, s17;
	s16 =	sadd.s32 $0x18, s16;
	s15 =	sadd.s32 $0xC0, s15;
	[tilespmem:v1+s28+$0x0] =	vst.idx.add.f32.msk $0xffff, v2  }
0x7d: {  	_ =	swait.ge [sflag:s30], $0x3000  }
0x7e: {  	[sflag:s30] =	ssyncset.done $0x0  }
0x7f: {  	[sflag:s30] =	ssyncadd.s32 $0xFFFFD000  }
0x80: {  	_ =	swait.ge [sflag:s31], $0x3000  }
0x81: {  	[sflag:s31] =	ssyncset.done $0x0  }
0x82: {  	[sflag:s31] =	ssyncadd.s32 $0xFFFFD000  }
0x83: {  	[bflag:$0x0] =	sbarrier.arrive $0xFFFF  }
0x84: {  	s0 =	rddreg [dreg:$0x9]  }
0x85: {  	[hbm:s0], [sflag:s7] =	dma.local [spmem:s18], $0x2800  }
0x86: {  	s9 =	simm.s32 $0x80;
	s21 =	sadd.s32 $0x1, s21;
	_ =	swait.ge [sflag:s19], $0x2800  }
0x87: {  	s10 =	simm.s32 $0x400;
	p0 =	sne.s32 s21, s13;
	[sflag:s19] =	ssyncset.done $0x0  }
.Ltmp2:
0x88: {  	s17 =	rddreg [dreg:$0xa];
	[sflag:s19] =	ssyncadd.s32 $0xFFFFD800;
	(pc) =	sbr.rel @p0 .LBB2_1-.Ltmp2, $4  }
0x89: {  	[hbm4b:s17+s9] =	stream.strided.scatter [tilespmem:s28], [sflag:$0x5], $0x2800, s10, s9, $0x38;
	[tilespmem:$0x1CA00] =	vst v63  }
0x8a: {  	_ =	swait.ge [sflag:s19], $0x2800  }
0x8b: {  	[sflag:s19] =	ssyncset.done $0x0  }
0x8c: {  	[sflag:s19] =	ssyncadd.s32 $0xFFFFD800  }
0x8d: {  	_ =	sfence.sel $0x180000  }
0x8e: {  	[bflag:$0x0] =	sbarrier.arrive $0xFFFF  }
0x8f: {  	_ =	strace $0x90000050  }
0x90: {  	s0 =	stileid.u32;
	[bflag:$0x2] =	sbarrier.arrive $0xFFFF  }
0x91: {  	p0 =	sne.s32 s0, $0x0;
	s0 =	rddreg [dreg:$0x3]  }
0x92: {  	s0 =	sadd.s32 @!p0 $0x100000, s0  }
0x93: {  	[sflag:s0] =	ssyncadd.tile.s32 @!p0 $0x1;
	_ =	shalt  }
.Lfunc_end2:
_tile_overlayer_lowered:
.L_overlay_start_2:
0x94: {  	(tag) =	ssettag $0x2  }
0x95: {  	s0 =	rddreg [dreg:$0x0];
	s2 =	stileid.u32  }
0x96: {  	s1 =	rddreg [dreg:$0x1];
	p0 =	sne.s32 s2, $0x0  }
0x97: {  	s3 =	rddreg [dreg:$0x2];
	[bflag:$0x3] =	sbarrier.arrive $0xFFFF;
	s2 =	simm.s32 @!p0 $0x1C05  }
0x98: {  	[timem:s3], [sflag:s2] =	dma.local @!p0 [hbm:s0], s1  }
0x99: {  	s0 =	simm.s32 @!p0 $0x5  }
0x9a: {  	_ =	swait.ge @!p0 [sflag:s0], s1  }
0x9b: {  	s1 =	ssub.s32 @!p0 $0x0, s1;
	[sflag:s0] =	ssyncset.done @!p0 $0x0  }
0x9c: {  	[sflag:s0] =	ssyncadd.s32 @!p0 s1  }
0x9d: {  	[bflag:$0x3] =	sbarrier.arrive $0xFFFF  }
0x9e: {  	_ =	shalt  }

// kernel: kernel.15.cloned.1.call-start
scs
__scs_entry_jumppad:
0x0: {  	(pc) =	sbr.rel $0x88, $3  }
0x1: {  	(tag) =	ssettag $0x0;
	lr =	simm.s32 $0x1  }
0x2: {  	[smem:$0x3F91] =	sst lr;
	_ =	strace $0xD0000000  }
0x3: {  	_ = 	snop  }
0x4: {  	_ = 	snop  }
0x5: {  	_ = 	snop  }
0x6: {  	_ = 	snop  }
0x7: {  	_ = 	snop  }
__scs_overlays_trampoline_lowered:
0x8: {  	[smem:$0x3FA0] =	sst s0  }
0x9: {  	[smem:$0x3FA1] =	sst s1  }
0xa: {  	[smem:$0x3FA2] =	sst s2  }
0xb: {  	[smem:$0x3FA3] =	sst s3  }
0xc: {  	[smem:$0x3FA4] =	sst s4  }
0xd: {  	[smem:$0x3FA5] =	sst s5  }
0xe: {  	[smem:$0x3FA6] =	sst s6  }
0xf: {  	[smem:$0x3FA7] =	sst s7  }
0x10: {  	[smem:$0x3FA8] =	sst s8  }
0x11: {  	[smem:$0x3FA9] =	sst s9;
	s0 =	simm.s32 @!p0 $0x0  }
0x12: {  	s1 =	sld [smem:$0x3F8F];
	s0 =	simm.s32 @p0 $0x1  }
0x13: {  	[smem:$0x3FAA] =	sst s0;
	s0 =	simm.s32 @!p1 $0x0  }
0x14: {  	s2 =	sld [smem:$0x3F8E];
	s0 =	simm.s32 @p1 $0x1  }
0x15: {  	[smem:$0x3FAB] =	sst s0;
	s0 =	simm.s32 @!p2 $0x0  }
0x16: {  	s3 =	sld [smem:$0x3FDB];
	s0 =	simm.s32 @p2 $0x1  }
0x17: {  	s4 =	simm.s32 $0x1BF5;
	[smem:$0x3FAD] =	sst s0  }
0x18: {  	s0 =	sld [smem:$0x3F90];
	_ =	swait.ge [sflag:s4], $0x0  }
0x19: {  	s7 =	sld [smem:$0x3F91]  }
0x1a: {  	s8 =	sadd.s32 $0xFFFFE003, lr  }
0x1b: {  	s9 =	sadd.s32 $0xFFFFFEF7, lr;
	s5 =	simm.s32 $0xFFFFFFFF;
	p2 =	slt.u32 s8, $0xFFFFF086  }
0x1c: {  	p1 =	slt.u32 s9, $0xF7A;
	s5 =	simm.s32 @!p2 $0x0  }
0x1d: {  	s5 =	simm.s32 @p1 $0x1;
	p0 =	seq.s32 s7, s2  }
0x1e: {  	s7 =	smul.u32 @!p0 $0xF7A, s2;
	p2 =	seq.s32 @!p0 s5, $0x0  }
0x1f: {  	s9 =	smul.u32 $0xF7A, s1;
	s8 =	simm.s32 @!p0 $0x1BF5;
	p2 =	por !p2, p0  }
0x20: {  	[sflag:s8] =	ssyncset.s32 @!p0 $0xFFFFF086;
	s6 =	sadd.s32 @!p0 s3, s7;
	s7 =	simm.s32 @!p0 $0x108  }
0x21: {  	s3 =	sadd.s32 s3, s9;
	s6 =	sadd.s32 @!p0 $0x88, s6;
	s7 =	simm.s32 @p2 $0x1082  }
0x22: {  	[simem:s7], [sflag:s8] =	dma.local @!p0 [hbm:s6], $0xF7A  }
0x23: {  	s9 =	sor.u32 $0xD0000000, s2;
	s6 =	simm.s32 $0x108;
	_ =	swait.ge @!p0 [sflag:s8], $0x0  }
0x24: {  	s3 =	sadd.s32 $0x88, s3;
	s6 =	simm.s32 @!p1 $0x1082;
	[sflag:s4] =	ssyncset.s32 $0xFFFFF086  }
0x25: {  	[simem:s6], [sflag:s4] =	dma.local [hbm:s3], $0xF7A  }
0x26: {  	[smem:$0x3F91] =	sst s1;
	(tag) =	ssettag s2;
	_ =	strace s9  }
0x27: {  	s1 =	sld [smem:$0x3FA1]  }
0x28: {  	s2 =	sld [smem:$0x3FA2]  }
0x29: {  	s4 =	sld [smem:$0x3FA4]  }
0x2a: {  	p0 =	seq.s32 s5, $0x0;
	s5 =	sld [smem:$0x3FA5]  }
0x2b: {  	s6 =	sld [smem:$0x3FA6]  }
0x2c: {  	s7 =	sld [smem:$0x3FA7]  }
0x2d: {  	s3 =	simm.s32 $0x108;
	s8 =	sld [smem:$0x3FA8]  }
0x2e: {  	s3 =	simm.s32 @!p0 $0x1082;
	s9 =	sld [smem:$0x3FA9]  }
0x2f: {  	lr =	sadd.s32 s0, s3;
	s0 =	sld [smem:$0x3FA0]  }
0x30: {  	s3 =	sld [smem:$0x3FA3]  }
0x31: {  	[smem:$0x3FAC] =	sst s10  }
0x32: {  	s10 =	sld [smem:$0x3FAA];
	_ =	sdelay $0x3  }
0x33: {  	p0 =	seq.s32 s10, $0x1;
	s10 =	sld [smem:$0x3FAC];
	_ =	sdelay $0x3  }
0x34: {  	[smem:$0x3FAC] =	sst s10  }
0x35: {  	s10 =	sld [smem:$0x3FAB];
	_ =	sdelay $0x3  }
0x36: {  	p1 =	seq.s32 s10, $0x1;
	s10 =	sld [smem:$0x3FAC];
	_ =	sdelay $0x3  }
0x37: {  	[smem:$0x3FAC] =	sst s10  }
0x38: {  	s10 =	sld [smem:$0x3FAD]  }
0x39: {  	_ = 	snop;
	(pc) =	sbr.ind lr, $3  }
0x3a: {  	_ = 	snop  }
0x3b: {  	_ = 	snop  }
0x3c: {  	p2 =	seq.s32 s10, $0x1;
	s10 =	sld [smem:$0x3FAC]  }
0x3d: {  	_ =	shalt  }
0x3e: {  	_ =	shalt  }
0x3f: {  	_ =	shalt  }
0x40: {  	_ =	shalt  }
0x41: {  	_ =	shalt  }
0x42: {  	_ =	shalt  }
0x43: {  	_ =	shalt  }
0x44: {  	_ =	shalt  }
0x45: {  	_ =	shalt  }
0x46: {  	_ =	shalt  }
0x47: {  	_ =	shalt  }
0x48: {  	_ =	shalt  }
0x49: {  	_ =	shalt  }
0x4a: {  	_ =	shalt  }
0x4b: {  	_ =	shalt  }
0x4c: {  	_ =	shalt  }
0x4d: {  	_ =	shalt  }
0x4e: {  	_ =	shalt  }
0x4f: {  	_ =	shalt  }
0x50: {  	_ =	shalt  }
0x51: {  	_ =	shalt  }
0x52: {  	_ =	shalt  }
0x53: {  	_ =	shalt  }
0x54: {  	_ =	shalt  }
0x55: {  	_ =	shalt  }
0x56: {  	_ =	shalt  }
0x57: {  	_ =	shalt  }
0x58: {  	_ =	shalt  }
0x59: {  	_ =	shalt  }
0x5a: {  	_ =	shalt  }
0x5b: {  	_ =	shalt  }
0x5c: {  	_ =	shalt  }
0x5d: {  	_ =	shalt  }
0x5e: {  	_ =	shalt  }
0x5f: {  	_ =	shalt  }
0x60: {  	_ =	shalt  }
0x61: {  	_ =	shalt  }
0x62: {  	_ =	shalt  }
0x63: {  	_ =	shalt  }
0x64: {  	_ =	shalt  }
0x65: {  	_ =	shalt  }
0x66: {  	_ =	shalt  }
0x67: {  	_ =	shalt  }
0x68: {  	_ =	shalt  }
0x69: {  	_ =	shalt  }
0x6a: {  	_ =	shalt  }
0x6b: {  	_ =	shalt  }
0x6c: {  	_ =	shalt  }
0x6d: {  	_ =	shalt  }
0x6e: {  	_ =	shalt  }
0x6f: {  	_ =	shalt  }
0x70: {  	_ =	shalt  }
0x71: {  	_ =	shalt  }
0x72: {  	_ =	shalt  }
0x73: {  	_ =	shalt  }
0x74: {  	_ =	shalt  }
0x75: {  	_ =	shalt  }
0x76: {  	_ =	shalt  }
0x77: {  	_ =	shalt  }
0x78: {  	_ =	shalt  }
0x79: {  	_ =	shalt  }
0x7a: {  	_ =	shalt  }
0x7b: {  	_ =	shalt  }
0x7c: {  	_ =	shalt  }
0x7d: {  	_ =	shalt  }
0x7e: {  	_ =	shalt  }
0x7f: {  	_ =	shalt  }
0x80: {  	_ =	shalt  }
0x81: {  	_ =	shalt  }
0x82: {  	_ =	shalt  }
0x83: {  	_ =	shalt  }
0x84: {  	_ =	shalt  }
0x85: {  	_ =	shalt  }
0x86: {  	_ =	shalt  }
0x87: {  	_ =	shalt  }
.Lfunc_end0:
.L_simem_size_0:
called_computation.2_lowered:
.L_overlay_start_0:
0x88: {  	s2 =	sld [smem:$0x3FD9]  }
0x89: {  	s3 =	sld [smem:$0x3FFE];
	_ =	sdelay $0x1  }
0x8a: {  	s1 =	srdreg.scid  }
0x8b: {  	s0 =	sand.u32 $0x1, s1  }
0x8c: {  	s17 =	sshll.u32 s0, $0xA;
	s2 =	sadd.s32 s3, s2  }
0x8d: {  	s2 =	sadd.s32 s2, s17  }
0x8e: {  	[smem:$0x3FB8] =	sst s2  }
0x8f: {  	_ = 	snop  }
0x90: {  	s2 =	sld [smem:$0x3FD0];
	(tm) =	ssettm $0x1  }
0x91: {  	s18 =	sld [smem:$0x3FFB];
	_ =	sdelay $0x3  }
0x92: {  	_ =	strace s18  }
0x93: {  	s3 =	sld [smem:$0x3FFC];
	_ =	sdelay $0x3  }
0x94: {  	_ =	strace s3  }
0x95: {  	s3 =	sld [smem:$0x3FFD];
	_ =	sdelay $0x3  }
0x96: {  	_ =	strace s3  }
0x97: {  	_ =	strace $0x8FFFFFFF  }
0x98: {  	s19 =	sld [smem:$0x3FDB];
	_ =	sdelay $0x1  }
0x99: {  	s4 =	simm.s32 $_scs_section_size  }
0x9a: {  	s5 =	simm.s32 $_size__tile_overlayer_lowered;
	s6 =	simm.s32 $_tile_overlayer_lowered  }
0x9b: {  	s22 =	simm.s32 $0x1BFF;
	s21 =	sshll.u32 s6, $0x1;
	s3 =	sadd.s32 s4, s19  }
0x9c: {  	s7 =	simm.s32 $0x0;
	s20 =	sshll.u32 s5, $0x1;
	s5 =	sadd.s32 s21, s3  }
0x9d: {  	[timem:s7], [sflag:s22] =	dma.local [hbm:s5], s20  }
0x9e: {  	_ =	swait.ge [sflag:s22], s20  }
0x9f: {  	s4 =	ssub.s32 $0x0, s20;
	[sflag:s22] =	ssyncset.done $0x0  }
0xa0: {  	[sflag:s22] =	ssyncadd.s32 s4;
	_ =	sdelay $0x1  }
0xa1: {  	s23 =	simm.s32 $0x1B8B  }
0xa2: {  	_ =	swait.ge [sflag:s23], $0x1  }
0xa3: {  	[sflag:s23] =	ssyncset.done $0x0  }
0xa4: {  	s25 =	simm.s32 $0x1B8E;
	s24 =	sld [smem:$0x3FFE];
	[sflag:s23] =	ssyncadd.s32 $0xFFFFFFFF  }
0xa5: {  	s26 =	simm.s32 $execute0_lowered;
	[smem:$0x3FD2] =	sst s25  }
0xa6: {  	s5 =	sshll.u32 s26, $0x1;
	_ =	strace $0x80000046;
	[dreg:$0x1] =	wrdreg $0xFFFFFFFF  }
0xa7: {  	s28 =	simm.s32 $_size_execute0_lowered;
	s3 =	sadd.s32 s3, s5;
	[dreg:$0x0] =	wrdreg $0x0  }
0xa8: {  	s5 =	sshll.u32 s28, $0x1;
	[dreg:$0x2] =	wrdreg s3  }
0xa9: {  	[dreg:$0x3] =	wrdreg s5  }
0xaa: {  	[dreg:$0x4] =	wrdreg $0xC0  }
0xab: {  	_ =	task [dreg:s7], $0x5FFFF  }
0xac: {  	[dreg:$0x1] =	wrdreg $0xFFFFFFFF  }
0xad: {  	[dreg:$0x0] =	wrdreg $0x60  }
0xae: {  	[dreg:$0x2] =	wrdreg s2  }
0xaf: {  	[dreg:$0x3] =	wrdreg s24  }
0xb0: {  	[dreg:$0x4] =	wrdreg $0x0  }
0xb1: {  	[dreg:$0x5] =	wrdreg $0xA  }
0xb2: {  	_ =	task.clear_ibuf [dreg:s7], $0x6FFFF;
	_ =	strace $0x90000046  }
0xb3: {  	s29 =	simm.s32 $0xA;
	_ =	strace $0x80000048  }
0xb4: {  	_ =	swait.ge [sflag:s29], $0x1  }
0xb5: {  	[sflag:s29] =	ssyncadd.s32 $0xFFFFFFFF  }
0xb6: {  	_ =	strace $0x90000048  }
0xb7: {  	_ =	sfence  }
0xb8: {  	s30 =	sld [smem:$0x0];
	_ =	sdelay $0x2  }
0xb9: {  	s31 =	sshll.u32 s1, $0xD;
	s1 =	sshrl.u32 s1, $0x2  }
0xba: {  	s3 =	sand.u32 $0x4000, s31;
	s1 =	sadd.s32 s1, s30  }
0xbb: {  	s0 =	sor.u32 s3, s0;
	s1 =	sshll.u32 s1, $0x11  }
0xbc: {  	s0 =	sor.u32 s1, s0  }
0xbd: {  	s0 =	sadd.s32 $0x8F2B, s0  }
0xbe: {  	[sflag:s0] =	ssyncadd.remote.s32 $0x1  }
0xbf: {  	_ =	sfence.sel $0xFFFF  }
0xc0: {  	[dreg:$0x0] =	wrdreg $0xFFFFFFFF;
	(pc) =	sbr.abs _section_cstart, $3  }
0xc1: {  	[dreg:$0x1] =	wrdreg $0xFFFFFFFF  }
0xc2: {  	_ =	task.clear_ibuf [dreg:s7], $0x2FFFF;
	_ =	strace $0x9FFFFFFF  }
0xc3: {  	(tm) =	ssettm $0x7FFFFFFF  }
tec
execute0_lowered:
.L_overlay_start_1:
0x0: {  	(tag) =	ssettag $0x1  }
0x1: {  	s4 =	rddreg [dreg:$0x0]  }
0x2: {  	s1 =	srdreg.scid;
	s5 =	rddreg [dreg:$0x1]  }
0x3: {  	s0 =	stileid.u32;
	s2 =	rddreg [dreg:$0x2]  }
0x4: {  	s3 =	simm.s32 $0x0;
	s17 =	simm.s32 $0x1B0;
	s18 =	simm.s32 $0xC880  }
0x5: {  	s19 =	simm.s32 $0xA1B0;
	s20 =	simm.s32 $0x13480;
	s21 =	simm.s32 $0x1  }
0x6: {  	s22 =	simm.s32 $0x3;
	s28 =	simm.s32 $0x0;
	s11 =	smul.u32 $0xA000, s0  }
0x7: {  	s9 =	sand.u32 $0x1, s1;
	s23 =	sshll.u32 s0, $0x1;
	s26 =	smul.u32 $0x28800, s0  }
0x8: {  	[smem:$0x7FF] =	sst s3;
	s13 =	sadd.s32 $0x16400, s5;
	s12 =	smul.u32 $0x5100, s0  }
0x9: {  	s29 =	sshll.u32 s0, $0x6;
	s6 =	sor.u32 s9, s23;
	s15 =	smul.u32 $0x2880, s9  }
0xa: {  	_ =	strace $0x80000047;
	s8 =	ssub.s32 $0x2, s9;
	s16 =	smul.u32 $0x14400, s9  }
0xb: {  	s23 =	simm.s32 $0xA360;
	s7 =	smul.u32 $0x2880, s6;
	s10 =	sshrl.u32 s8, $0x1  }
0xc: {  	s24 =	smul.u32 $0x14400, s6;
	s14 =	sadd.s32 s11, s2;
	s25 =	sshrl.u32 s11, $0x3  }
0xd: {  	s11 =	sadd.s32 s26, s13;
	s26 =	simm.s32 $0xC6D0;
	s8 =	ssub.s32 s8, s10  }
0xe: {  	s4 =	sadd.s32 s4, s25;
	s12 =	sadd.s32 s15, s12;
	s30 =	sadd.s32 s16, s11  }
0xf: {  	s14 =	sshrl.u32 s14, $0x3;
	s15 =	simm.s32 $0x5;
	s16 =	simm.s32 $0xA000  }
0x10: {  	s25 =	simm.s32 $0x4;
	s7 =	sshrl.u32 s7, $0x3;
	s31 =	sshll.u32 s12, $0x3  }
0x11: {  	s12 =	sadd.s32 $0x1B00, s30;
	s7 =	sadd.s32 s7, s5;
	s5 =	sor.u32 $0x1C05, s29  }
0x12: {  	s6 =	sadd.s32 $0xC200, s7;
	s7 =	smax.u32 s8, $0x1;
	s8 =	sadd.s32 s13, s24  }
0x13: {  	s13 =	sadd.s32 s13, s31;
	s24 =	simm.s32 $0x2;
	s9 =	sadd.s32 $0xD80, s8  }
0x14: {  	s10 =	sadd.s32 $0x12900, s8;
	s11 =	sadd.s32 $0x13680, s8;
	s13 =	sadd.s32 $0x2880, s13  }
.LBB2_1:
0x15: {  	[spmem:s14], [sflag:s5] =	dma.local [hbm:s4], $0x1400  }
0x16: {  	_ =	swait.ge [sflag:s15], $0x1400  }
0x17: {  	[sflag:s15] =	ssyncset.done $0x0  }
0x18: {  	[sflag:s15] =	ssyncadd.s32 $0xFFFFEC00  }
0x19: {  	[tilespmem:s16], [sflag:$0x5] =	stream.linear.gather [hbm4b:s6+s3], $0x2880, $0x38;
	[tilespmem:$0x1A080] =	vst v63  }
0x1a: {  	_ =	swait.ge [sflag:s15], $0x2880  }
0x1b: {  	[sflag:s15] =	ssyncset.done $0x0  }
0x1c: {  	[sflag:s15] =	ssyncadd.s32 $0xFFFFD780  }
0x1d: {  	[bflag:$0x0] =	sbarrier.arrive $0xFFFF  }
0x1e: {  	[tilespmem:s18], [sflag:$0x1] =	stream.indirect.gather [spmem:s2], $0x40, s16, s17, $0xb8;
	[tilespmem:$0x1A080] =	vst v63  }
0x1f: {  	_ = 	snop  }
0x20: {  	[tilespmem:s20], [sflag:$0x2] =	stream.indirect.gather [spmem:s2], $0x40, s19, s17, $0xb8;
	[tilespmem:$0x1A080] =	vst v63  }
0x21: {  	_ =	swait.ge [sflag:s21], $0x6C00  }
0x22: {  	[sflag:s21] =	ssyncset.done $0x0  }
0x23: {  	[sflag:s21] =	ssyncadd.s32 $0xFFFF9400  }
0x24: {  	[hbm4b:s8+s3] =	stream.linear.scatter [tilespmem:s18], [sflag:$0x3], $0x6C00, $0x38;
	[tilespmem:$0x1A080] =	vst v63  }
0x25: {  	_ =	swait.ge [sflag:s22], $0x6C00  }
0x26: {  	[sflag:s22] =	ssyncset.done $0x0  }
0x27: {  	[sflag:s22] =	ssyncadd.s32 $0xFFFF9400  }
0x28: {  	[tilespmem:s18], [sflag:$0x1] =	stream.indirect.gather [spmem:s2], $0x40, s23, s17, $0xb8;
	[tilespmem:$0x1A080] =	vst v63  }
0x29: {  	_ =	swait.ge [sflag:s24], $0x6C00  }
0x2a: {  	[sflag:s24] =	ssyncset.done $0x0  }
0x2b: {  	[sflag:s24] =	ssyncadd.s32 $0xFFFF9400  }
0x2c: {  	[hbm4b:s9+s3] =	stream.linear.scatter [tilespmem:s20], [sflag:$0x4], $0x6C00, $0x38;
	[tilespmem:$0x1A080] =	vst v63  }
0x2d: {  	_ =	swait.ge [sflag:s25], $0x6C00  }
0x2e: {  	[sflag:s25] =	ssyncset.done $0x0  }
0x2f: {  	s29 =	simm.s32 $0xA510;
	[sflag:s25] =	ssyncadd.s32 $0xFFFF9400  }
0x30: {  	[tilespmem:s20], [sflag:$0x2] =	stream.indirect.gather [spmem:s2], $0x40, s29, s17, $0xb8;
	[tilespmem:$0x1A080] =	vst v63  }
0x31: {  	_ =	swait.ge [sflag:s21], $0x6C00  }
0x32: {  	[sflag:s21] =	ssyncset.done $0x0  }
0x33: {  	s29 =	sadd.s32 $0x0, s12;
	[sflag:s21] =	ssyncadd.s32 $0xFFFF9400  }
0x34: {  	[hbm4b:s29+s3] =	stream.linear.scatter [tilespmem:s18], [sflag:$0x3], $0x6C00, $0x38;
	[tilespmem:$0x1A080] =	vst v63  }
0x35: {  	_ =	swait.ge [sflag:s22], $0x6C00  }
0x36: {  	[sflag:s22] =	ssyncset.done $0x0  }
0x37: {  	s29 =	simm.s32 $0xA6C0;
	[sflag:s22] =	ssyncadd.s32 $0xFFFF9400  }
0x38: {  	[tilespmem:s18], [sflag:$0x1] =	stream.indirect.gather [spmem:s2], $0x40, s29, s17, $0xb8;
	[tilespmem:$0x1A080] =	vst v63  }
0x39: {  	_ =	swait.ge [sflag:s24], $0x6C00  }
0x3a: {  	s31 =	sadd.s32 $0x0, s13;
	[sflag:s24] =	ssyncset.done $0x0  }
0x3b: {  	s30 =	simm.s32 $0xAA20;
	s29 =	simm.s32 $0x1B00;
	[sflag:s24] =	ssyncadd.s32 $0xFFFF9400  }
.LBB2_2:
0x3c: {  	[hbm4b:s31+s3] =	stream.linear.scatter [tilespmem:s20], [sflag:$0x4], $0x6C00, $0x38;
	[tilespmem:$0x1A080] =	vst v63  }
0x3d: {  	s31 =	smov.u32 s29  }
0x3e: {  	p0 =	sne.s32 s29, $0xF300;
	s29 =	sadd.s32 $0x1B00, s29;
	_ =	swait.ge [sflag:s25], $0x6C00  }
0x3f: {  	[sflag:s25] =	ssyncset.done $0x0  }
0x40: {  	s1 =	sadd.s32 $0xFFFFFE50, s30;
	[sflag:s25] =	ssyncadd.s32 $0xFFFF9400  }
0x41: {  	[tilespmem:s20], [sflag:$0x2] =	stream.indirect.gather [spmem:s2], $0x40, s1, s17, $0xb8;
	[tilespmem:$0x1A080] =	vst v63  }
0x42: {  	_ =	swait.ge [sflag:s21], $0x6C00  }
0x43: {  	[sflag:s21] =	ssyncset.done $0x0  }
0x44: {  	s1 =	sadd.s32 s31, s12;
	[sflag:s21] =	ssyncadd.s32 $0xFFFF9400  }
0x45: {  	[hbm4b:s1+s3] =	stream.linear.scatter [tilespmem:s18], [sflag:$0x3], $0x6C00, $0x38;
	[tilespmem:$0x1A080] =	vst v63  }
0x46: {  	_ =	swait.ge [sflag:s22], $0x6C00  }
0x47: {  	[sflag:s22] =	ssyncset.done $0x0  }
.Ltmp0:
0x48: {  	[sflag:s22] =	ssyncadd.s32 $0xFFFF9400;
	(pc) =	sbr.rel @p0 .LBB2_2-.Ltmp0, $4  }
0x49: {  	[tilespmem:s18], [sflag:$0x1] =	stream.indirect.gather [spmem:s2], $0x40, s30, s17, $0xb8;
	[tilespmem:$0x1A080] =	vst v63  }
0x4a: {  	_ =	swait.ge [sflag:s24], $0x6C00  }
0x4b: {  	[sflag:s24] =	ssyncset.done $0x0  }
0x4c: {  	s31 =	sadd.s32 s31, s13;
	s30 =	sadd.s32 $0x360, s30;
	[sflag:s24] =	ssyncadd.s32 $0xFFFF9400  }
0x4d: {  	[hbm4b:s31+s3] =	stream.linear.scatter [tilespmem:s20], [sflag:$0x4], $0x6C00, $0x38;
	[tilespmem:$0x1A080] =	vst v63  }
0x4e: {  	_ =	swait.ge [sflag:s25], $0x6C00  }
0x4f: {  	[sflag:s25] =	ssyncset.done $0x0  }
0x50: {  	[sflag:s25] =	ssyncadd.s32 $0xFFFF9400  }
0x51: {  	[tilespmem:s20], [sflag:$0x2] =	stream.indirect.gather [spmem:s2], $0x40, s26, s17, $0xb8;
	[tilespmem:$0x1A080] =	vst v63  }
0x52: {  	_ =	swait.ge [sflag:s21], $0x6C00  }
0x53: {  	[sflag:s21] =	ssyncset.done $0x0  }
0x54: {  	[sflag:s21] =	ssyncadd.s32 $0xFFFF9400  }
0x55: {  	[hbm4b:s10+s3] =	stream.linear.scatter [tilespmem:s18], [sflag:$0x3], $0x6C00, $0x38;
	[tilespmem:$0x1A080] =	vst v63  }
0x56: {  	_ =	swait.ge [sflag:s24], $0x6C00  }
0x57: {  	[sflag:s24] =	ssyncset.done $0x0  }
0x58: {  	s28 =	sadd.s32 $0x1, s28;
	[sflag:s24] =	ssyncadd.s32 $0xFFFF9400  }
0x59: {  	[hbm4b:s11+s3] =	stream.linear.scatter [tilespmem:s20], [sflag:$0x4], $0x6C00, $0x38;
	[tilespmem:$0x1A080] =	vst v63  }
0x5a: {  	p0 =	sne.s32 s28, s7;
	_ =	swait.ge [sflag:s22], $0x6C00  }
.Ltmp1:
0x5b: {  	[sflag:s22] =	ssyncset.done $0x0;
	(pc) =	sbr.rel @p0 .LBB2_1-.Ltmp1, $4  }
0x5c: {  	[sflag:s22] =	ssyncadd.s32 $0xFFFF9400  }
0x5d: {  	_ =	swait.ge [sflag:s25], $0x6C00  }
0x5e: {  	[sflag:s25] =	ssyncset.done $0x0  }
0x5f: {  	[sflag:s25] =	ssyncadd.s32 $0xFFFF9400  }
0x60: {  	_ =	sfence.sel $0x180000  }
0x61: {  	[bflag:$0x0] =	sbarrier.arrive $0xFFFF  }
0x62: {  	_ =	strace $0x90000047  }
0x63: {  	[bflag:$0x2] =	sbarrier.arrive $0xFFFF  }
0x64: {  	p0 =	sne.s32 s0, $0x0;
	s0 =	rddreg [dreg:$0x3]  }
0x65: {  	s0 =	sadd.s32 @!p0 $0x100000, s0  }
0x66: {  	[sflag:s0] =	ssyncadd.tile.s32 @!p0 $0x1;
	_ =	shalt  }
.Lfunc_end2:
_tile_overlayer_lowered:
.L_overlay_start_2:
0x67: {  	(tag) =	ssettag $0x2  }
0x68: {  	s0 =	rddreg [dreg:$0x0];
	s2 =	stileid.u32  }
0x69: {  	s1 =	rddreg [dreg:$0x1];
	p0 =	sne.s32 s2, $0x0  }
0x6a: {  	s3 =	rddreg [dreg:$0x2];
	[bflag:$0x3] =	sbarrier.arrive $0xFFFF;
	s2 =	simm.s32 @!p0 $0x1C05  }
0x6b: {  	[timem:s3], [sflag:s2] =	dma.local @!p0 [hbm:s0], s1  }
0x6c: {  	s0 =	simm.s32 @!p0 $0x5  }
0x6d: {  	_ =	swait.ge @!p0 [sflag:s0], s1  }
0x6e: {  	s1 =	ssub.s32 @!p0 $0x0, s1;
	[sflag:s0] =	ssyncset.done @!p0 $0x0  }
0x6f: {  	[sflag:s0] =	ssyncadd.s32 @!p0 s1  }
0x70: {  	[bflag:$0x3] =	sbarrier.arrive $0xFFFF  }
0x71: {  	_ =	shalt  }

// kernel: kernel.18.cloned.1.call-start
scs
__scs_entry_jumppad:
0x0: {  	(pc) =	sbr.rel $0x88, $3  }
0x1: {  	(tag) =	ssettag $0x0;
	lr =	simm.s32 $0x1  }
0x2: {  	[smem:$0x3F91] =	sst lr;
	_ =	strace $0xD0000000  }
0x3: {  	_ = 	snop  }
0x4: {  	_ = 	snop  }
0x5: {  	_ = 	snop  }
0x6: {  	_ = 	snop  }
0x7: {  	_ = 	snop  }
__scs_overlays_trampoline_lowered:
0x8: {  	[smem:$0x3FA0] =	sst s0  }
0x9: {  	[smem:$0x3FA1] =	sst s1  }
0xa: {  	[smem:$0x3FA2] =	sst s2  }
0xb: {  	[smem:$0x3FA3] =	sst s3  }
0xc: {  	[smem:$0x3FA4] =	sst s4  }
0xd: {  	[smem:$0x3FA5] =	sst s5  }
0xe: {  	[smem:$0x3FA6] =	sst s6  }
0xf: {  	[smem:$0x3FA7] =	sst s7  }
0x10: {  	[smem:$0x3FA8] =	sst s8  }
0x11: {  	[smem:$0x3FA9] =	sst s9;
	s0 =	simm.s32 @!p0 $0x0  }
0x12: {  	s1 =	sld [smem:$0x3F8F];
	s0 =	simm.s32 @p0 $0x1  }
0x13: {  	[smem:$0x3FAA] =	sst s0;
	s0 =	simm.s32 @!p1 $0x0  }
0x14: {  	s2 =	sld [smem:$0x3F8E];
	s0 =	simm.s32 @p1 $0x1  }
0x15: {  	[smem:$0x3FAB] =	sst s0;
	s0 =	simm.s32 @!p2 $0x0  }
0x16: {  	s3 =	sld [smem:$0x3FDB];
	s0 =	simm.s32 @p2 $0x1  }
0x17: {  	s4 =	simm.s32 $0x1BF5;
	[smem:$0x3FAD] =	sst s0  }
0x18: {  	s0 =	sld [smem:$0x3F90];
	_ =	swait.ge [sflag:s4], $0x0  }
0x19: {  	s7 =	sld [smem:$0x3F91]  }
0x1a: {  	s8 =	sadd.s32 $0xFFFFE003, lr  }
0x1b: {  	s9 =	sadd.s32 $0xFFFFFEF7, lr;
	s5 =	simm.s32 $0xFFFFFFFF;
	p2 =	slt.u32 s8, $0xFFFFF086  }
0x1c: {  	p1 =	slt.u32 s9, $0xF7A;
	s5 =	simm.s32 @!p2 $0x0  }
0x1d: {  	s5 =	simm.s32 @p1 $0x1;
	p0 =	seq.s32 s7, s2  }
0x1e: {  	s7 =	smul.u32 @!p0 $0xF7A, s2;
	p2 =	seq.s32 @!p0 s5, $0x0  }
0x1f: {  	s9 =	smul.u32 $0xF7A, s1;
	s8 =	simm.s32 @!p0 $0x1BF5;
	p2 =	por !p2, p0  }
0x20: {  	[sflag:s8] =	ssyncset.s32 @!p0 $0xFFFFF086;
	s6 =	sadd.s32 @!p0 s3, s7;
	s7 =	simm.s32 @!p0 $0x108  }
0x21: {  	s3 =	sadd.s32 s3, s9;
	s6 =	sadd.s32 @!p0 $0x88, s6;
	s7 =	simm.s32 @p2 $0x1082  }
0x22: {  	[simem:s7], [sflag:s8] =	dma.local @!p0 [hbm:s6], $0xF7A  }
0x23: {  	s9 =	sor.u32 $0xD0000000, s2;
	s6 =	simm.s32 $0x108;
	_ =	swait.ge @!p0 [sflag:s8], $0x0  }
0x24: {  	s3 =	sadd.s32 $0x88, s3;
	s6 =	simm.s32 @!p1 $0x1082;
	[sflag:s4] =	ssyncset.s32 $0xFFFFF086  }
0x25: {  	[simem:s6], [sflag:s4] =	dma.local [hbm:s3], $0xF7A  }
0x26: {  	[smem:$0x3F91] =	sst s1;
	(tag) =	ssettag s2;
	_ =	strace s9  }
0x27: {  	s1 =	sld [smem:$0x3FA1]  }
0x28: {  	s2 =	sld [smem:$0x3FA2]  }
0x29: {  	s4 =	sld [smem:$0x3FA4]  }
0x2a: {  	p0 =	seq.s32 s5, $0x0;
	s5 =	sld [smem:$0x3FA5]  }
0x2b: {  	s6 =	sld [smem:$0x3FA6]  }
0x2c: {  	s7 =	sld [smem:$0x3FA7]  }
0x2d: {  	s3 =	simm.s32 $0x108;
	s8 =	sld [smem:$0x3FA8]  }
0x2e: {  	s3 =	simm.s32 @!p0 $0x1082;
	s9 =	sld [smem:$0x3FA9]  }
0x2f: {  	lr =	sadd.s32 s0, s3;
	s0 =	sld [smem:$0x3FA0]  }
0x30: {  	s3 =	sld [smem:$0x3FA3]  }
0x31: {  	[smem:$0x3FAC] =	sst s10  }
0x32: {  	s10 =	sld [smem:$0x3FAA];
	_ =	sdelay $0x3  }
0x33: {  	p0 =	seq.s32 s10, $0x1;
	s10 =	sld [smem:$0x3FAC];
	_ =	sdelay $0x3  }
0x34: {  	[smem:$0x3FAC] =	sst s10  }
0x35: {  	s10 =	sld [smem:$0x3FAB];
	_ =	sdelay $0x3  }
0x36: {  	p1 =	seq.s32 s10, $0x1;
	s10 =	sld [smem:$0x3FAC];
	_ =	sdelay $0x3  }
0x37: {  	[smem:$0x3FAC] =	sst s10  }
0x38: {  	s10 =	sld [smem:$0x3FAD]  }
0x39: {  	_ = 	snop;
	(pc) =	sbr.ind lr, $3  }
0x3a: {  	_ = 	snop  }
0x3b: {  	_ = 	snop  }
0x3c: {  	p2 =	seq.s32 s10, $0x1;
	s10 =	sld [smem:$0x3FAC]  }
0x3d: {  	_ =	shalt  }
0x3e: {  	_ =	shalt  }
0x3f: {  	_ =	shalt  }
0x40: {  	_ =	shalt  }
0x41: {  	_ =	shalt  }
0x42: {  	_ =	shalt  }
0x43: {  	_ =	shalt  }
0x44: {  	_ =	shalt  }
0x45: {  	_ =	shalt  }
0x46: {  	_ =	shalt  }
0x47: {  	_ =	shalt  }
0x48: {  	_ =	shalt  }
0x49: {  	_ =	shalt  }
0x4a: {  	_ =	shalt  }
0x4b: {  	_ =	shalt  }
0x4c: {  	_ =	shalt  }
0x4d: {  	_ =	shalt  }
0x4e: {  	_ =	shalt  }
0x4f: {  	_ =	shalt  }
0x50: {  	_ =	shalt  }
0x51: {  	_ =	shalt  }
0x52: {  	_ =	shalt  }
0x53: {  	_ =	shalt  }
0x54: {  	_ =	shalt  }
0x55: {  	_ =	shalt  }
0x56: {  	_ =	shalt  }
0x57: {  	_ =	shalt  }
0x58: {  	_ =	shalt  }
0x59: {  	_ =	shalt  }
0x5a: {  	_ =	shalt  }
0x5b: {  	_ =	shalt  }
0x5c: {  	_ =	shalt  }
0x5d: {  	_ =	shalt  }
0x5e: {  	_ =	shalt  }
0x5f: {  	_ =	shalt  }
0x60: {  	_ =	shalt  }
0x61: {  	_ =	shalt  }
0x62: {  	_ =	shalt  }
0x63: {  	_ =	shalt  }
0x64: {  	_ =	shalt  }
0x65: {  	_ =	shalt  }
0x66: {  	_ =	shalt  }
0x67: {  	_ =	shalt  }
0x68: {  	_ =	shalt  }
0x69: {  	_ =	shalt  }
0x6a: {  	_ =	shalt  }
0x6b: {  	_ =	shalt  }
0x6c: {  	_ =	shalt  }
0x6d: {  	_ =	shalt  }
0x6e: {  	_ =	shalt  }
0x6f: {  	_ =	shalt  }
0x70: {  	_ =	shalt  }
0x71: {  	_ =	shalt  }
0x72: {  	_ =	shalt  }
0x73: {  	_ =	shalt  }
0x74: {  	_ =	shalt  }
0x75: {  	_ =	shalt  }
0x76: {  	_ =	shalt  }
0x77: {  	_ =	shalt  }
0x78: {  	_ =	shalt  }
0x79: {  	_ =	shalt  }
0x7a: {  	_ =	shalt  }
0x7b: {  	_ =	shalt  }
0x7c: {  	_ =	shalt  }
0x7d: {  	_ =	shalt  }
0x7e: {  	_ =	shalt  }
0x7f: {  	_ =	shalt  }
0x80: {  	_ =	shalt  }
0x81: {  	_ =	shalt  }
0x82: {  	_ =	shalt  }
0x83: {  	_ =	shalt  }
0x84: {  	_ =	shalt  }
0x85: {  	_ =	shalt  }
0x86: {  	_ =	shalt  }
0x87: {  	_ =	shalt  }
.Lfunc_end0:
.L_simem_size_0:
called_computation.3_lowered:
.L_overlay_start_0:
0x88: {  	s2 =	sld [smem:$0x3FD9]  }
0x89: {  	s3 =	sld [smem:$0x3FFE];
	_ =	sdelay $0x1  }
0x8a: {  	s1 =	srdreg.scid  }
0x8b: {  	s0 =	sand.u32 $0x1, s1  }
0x8c: {  	s17 =	sshll.u32 s0, $0xA;
	s2 =	sadd.s32 s3, s2  }
0x8d: {  	s2 =	sadd.s32 s2, s17  }
0x8e: {  	[smem:$0x3FB8] =	sst s2  }
0x8f: {  	_ = 	snop  }
0x90: {  	(tm) =	ssettm $0x1  }
0x91: {  	s18 =	sld [smem:$0x3FFB];
	_ =	sdelay $0x3  }
0x92: {  	_ =	strace s18  }
0x93: {  	s2 =	sld [smem:$0x3FFC];
	_ =	sdelay $0x3  }
0x94: {  	_ =	strace s2  }
0x95: {  	s2 =	sld [smem:$0x3FFD];
	_ =	sdelay $0x3  }
0x96: {  	_ =	strace s2  }
0x97: {  	_ =	strace $0x8FFFFFFF  }
0x98: {  	s19 =	sld [smem:$0x3FDB];
	_ =	sdelay $0x1  }
0x99: {  	s20 =	simm.s32 $_scs_section_size  }
0x9a: {  	s4 =	simm.s32 $_size__tile_overlayer_lowered;
	s5 =	simm.s32 $_tile_overlayer_lowered  }
0x9b: {  	s6 =	simm.s32 $0x1BFF;
	s21 =	sshll.u32 s5, $0x1;
	s3 =	sadd.s32 s20, s19  }
0x9c: {  	s22 =	simm.s32 $0x0;
	s4 =	sshll.u32 s4, $0x1;
	s5 =	sadd.s32 s21, s3  }
0x9d: {  	[timem:s22], [sflag:s6] =	dma.local [hbm:s5], s4  }
0x9e: {  	_ =	swait.ge [sflag:s6], s4  }
0x9f: {  	s4 =	ssub.s32 $0x0, s4;
	[sflag:s6] =	ssyncset.done $0x0  }
0xa0: {  	[sflag:s6] =	ssyncadd.s32 s4;
	_ =	sdelay $0x1  }
0xa1: {  	s23 =	simm.s32 $0x1B8B  }
0xa2: {  	_ =	swait.ge [sflag:s23], $0x1  }
0xa3: {  	[sflag:s23] =	ssyncset.done $0x0  }
0xa4: {  	[sflag:s23] =	ssyncadd.s32 $0xFFFFFFFF  }
0xa5: {  	s4 =	sld [smem:$0x0]  }
0xa6: {  	s5 =	sand.u32 $0xFFFFFFFE, s1  }
0xa7: {  	p0 =	sne.s32 s1, s5  }
0xa8: {  	s5 =	sshll.u32 @p0 s5, $0xE  }
0xa9: {  	s5 =	sadd.s32 @p0 $0x11B8D, s5;
	s6 =	sshll.u32 @p0 s4, $0x11  }
0xaa: {  	s5 =	sor.u32 @p0 s6, s5  }
0xab: {  	[sflag:s5] =	ssyncadd.remote.s32 @p0 $0x1;
	_ =	sdelay $0x1  }
0xac: {  	s5 =	simm.s32 @p0 $0x1B8D  }
0xad: {  	_ =	swait.eq @p0 [sflag:s5], $0x1  }
0xae: {  	[sflag:s5] =	ssyncadd.s32 @p0 $0xFFFFFFFF  }
0xaf: {  	s6 =	sshll.u32 @!p0 s1, $0xE  }
0xb0: {  	s6 =	sor.u32 @!p0 $0x4000, s6;
	s5 =	simm.s32 @!p0 $0x1B8D  }
0xb1: {  	s4 =	sshll.u32 @!p0 s4, $0x11;
	s6 =	sadd.s32 @!p0 $0x11B8D, s6;
	_ =	swait.eq @!p0 [sflag:s5], $0x1  }
0xb2: {  	s4 =	sor.u32 @!p0 s4, s6;
	[sflag:s5] =	ssyncadd.s32 @!p0 $0xFFFFFFFF  }
0xb3: {  	s25 =	simm.s32 $0x1B8E;
	s24 =	sld [smem:$0x3FFE];
	[sflag:s4] =	ssyncadd.remote.s32 @!p0 $0x1  }
0xb4: {  	s26 =	simm.s32 $execute0_lowered;
	[smem:$0x3FD2] =	sst s25  }
0xb5: {  	s5 =	sshll.u32 s26, $0x1;
	_ =	strace $0x8000004C;
	[dreg:$0x1] =	wrdreg $0xFFFFFFFF  }
0xb6: {  	s28 =	simm.s32 $_size_execute0_lowered;
	s3 =	sadd.s32 s3, s5;
	[dreg:$0x0] =	wrdreg $0x0  }
0xb7: {  	s5 =	sshll.u32 s28, $0x1;
	[dreg:$0x2] =	wrdreg s3  }
0xb8: {  	[dreg:$0x3] =	wrdreg s5  }
0xb9: {  	[dreg:$0x4] =	wrdreg $0xC0  }
0xba: {  	_ =	task [dreg:s22], $0x5FFFF  }
0xbb: {  	[dreg:$0x1] =	wrdreg $0xFFFFFFFF  }
0xbc: {  	[dreg:$0x0] =	wrdreg $0x60  }
0xbd: {  	[dreg:$0x2] =	wrdreg s24  }
0xbe: {  	[dreg:$0x3] =	wrdreg $0x0  }
0xbf: {  	[dreg:$0x4] =	wrdreg $0xA  }
0xc0: {  	_ =	task.clear_ibuf [dreg:s22], $0x5FFFF;
	_ =	strace $0x9000004C  }
0xc1: {  	s29 =	simm.s32 $0xA;
	_ =	strace $0x8000004E  }
0xc2: {  	_ =	swait.ge [sflag:s29], $0x1  }
0xc3: {  	[sflag:s29] =	ssyncadd.s32 $0xFFFFFFFF  }
0xc4: {  	_ =	strace $0x9000004E  }
0xc5: {  	_ =	sfence  }
0xc6: {  	s30 =	sld [smem:$0x0];
	_ =	sdelay $0x2  }
0xc7: {  	s31 =	sshll.u32 s1, $0xD;
	s1 =	sshrl.u32 s1, $0x2  }
0xc8: {  	s4 =	sand.u32 $0x4000, s31;
	s1 =	sadd.s32 s1, s30  }
0xc9: {  	s0 =	sor.u32 s4, s0;
	s1 =	sshll.u32 s1, $0x11  }
0xca: {  	s0 =	sor.u32 s1, s0  }
0xcb: {  	s0 =	sadd.s32 $0x8F2B, s0  }
0xcc: {  	[sflag:s0] =	ssyncadd.remote.s32 $0x1  }
0xcd: {  	_ =	sfence.sel $0xFFFF  }
0xce: {  	[dreg:$0x0] =	wrdreg $0xFFFFFFFF;
	(pc) =	sbr.abs _section_cstart, $3  }
0xcf: {  	[dreg:$0x1] =	wrdreg $0xFFFFFFFF  }
0xd0: {  	_ =	task.clear_ibuf [dreg:s22], $0x2FFFF;
	_ =	strace $0x9FFFFFFF  }
0xd1: {  	(tm) =	ssettm $0x7FFFFFFF  }
tec
execute0_lowered:
.L_overlay_start_1:
0x0: {  	(tag) =	ssettag $0x1  }
0x1: {  	s0 =	rddreg [dreg:$0x0]  }
0x2: {  	s1 =	rddreg [dreg:$0x1];
	s3 =	simm.s32 $0x0;
	s17 =	stileid.u32  }
0x3: {  	s2 =	srdreg.scid;
	s28 =	simm.s32 $0x1A200;
	s29 =	simm.s32 $0x2  }
0x4: {  	s30 =	simm.s32 $0x3;
	s31 =	simm.s32 $0x4;
	s6 =	smul.u32 $0x2800, s17  }
0x5: {  	[smem:$0x7FF] =	sst s3;
	s2 =	sand.u32 $0x1, s2;
	s25 =	smul.u32 $0x50000, s17  }
0x6: {  	s4 =	sshll.u32 s17, $0x1;
	s22 =	sshrl.u32 s17, $0x2;
	s21 =	smul.u32 $0x28800, s17  }
0x7: {  	s13 =	sadd.s32 $0x535C00, s0;
	s16 =	sshll.u32 s17, $0x6;
	s7 =	smul.u32 $0x28000, s2  }
0x8: {  	_ =	strace $0x8000004D;
	s8 =	sor.u32 s2, s4;
	s10 =	smul.u32 $0x14000, s22  }
0x9: {  	s4 =	sadd.s32 $0x7000, s0;
	s24 =	ssub.s32 $0x2, s2;
	s9 =	sadd.s32 s6, s0  }
0xa: {  	s5 =	sshll.u32 s8, $0x7;
	s26 =	sshrl.u32 s24, $0x1;
	s12 =	smul.u32 $0x1440, s8  }
0xb: {  	s15 =	sshrl.u32 s25, $0x2;
	s8 =	smul.u32 $0x14400, s8;
	s11 =	sand.u32 $0x380, s5  }
0xc: {  	s5 =	sadd.s32 $0x294200, s0;
	s6 =	sadd.s32 s6, s7;
	s14 =	ssub.s32 s24, s26  }
0xd: {  	s15 =	sadd.s32 s15, s1;
	s9 =	sadd.s32 $0x7BDC00, s9;
	s26 =	simm.s32 $0x1A180  }
0xe: {  	s23 =	sor.u32 s10, s11;
	s6 =	sadd.s32 s6, s0;
	[dreg:$0x4] =	wrdreg s9  }
0xf: {  	s18 =	sshrl.u32 s12, $0x3;
	s12 =	smul.u32 $0x2880, s17;
	s8 =	sadd.s32 s13, s8  }
0x10: {  	[dreg:$0x3] =	wrdreg s26;
	s26 =	simm.s32 $0x60;
	s7 =	sshrl.u32 s23, $0x3  }
0x11: {  	s19 =	sadd.s32 s4, s18;
	s20 =	sadd.s32 s5, s18;
	[dreg:$0x7] =	wrdreg s8  }
0x12: {  	s6 =	sadd.s32 $0x7EFC00, s6;
	s23 =	sadd.s32 s21, s13;
	s13 =	smax.u32 s14, $0x1  }
0x13: {  	s18 =	sshrl.u32 s15, $0x3;
	s0 =	sadd.s32 s7, s0;
	[dreg:$0x5] =	wrdreg s19  }
0x14: {  	s7 =	sor.u32 $0x1C05, s16;
	s16 =	smul.u32 $0x1440, s2;
	[dreg:$0x6] =	wrdreg s20  }
0x15: {  	s21 =	simm.s32 $0x0;
	[dreg:$0x8] =	wrdreg s6;
	s2 =	smul.u32 $0x14400, s2  }
0x16: {  	s19 =	simm.s32 $0x5;
	s20 =	simm.s32 $0x14000;
	s0 =	sadd.s32 $0x7E5C00, s0  }
0x17: {  	s22 =	sadd.s32 s16, s12;
	[dreg:$0x9] =	wrdreg s0;
	s14 =	sadd.s32 s2, s23  }
0x18: {  	s23 =	simm.s32 $0x1;
	s24 =	sadd.s32 $0x60, s22;
	s8 =	sadd.s32 $0xC0, s22  }
0x19: {  	s22 =	simm.s32 $0x14100;
	s25 =	sshrl.u32 s24, $0x3;
	s24 =	simm.s32 $0x14080  }
0x1a: {  	v0 =	vimm.f32 $0.0e+00;
	s6 =	sadd.s32 s25, s5;
	s2 =	sadd.s32 s25, s4;
	s25 =	simm.s32 $0x17100  }
.LBB2_1:
0x1b: {  	s0 =	rddreg [dreg:$0x4]  }
0x1c: {  	[spmem:s18], [sflag:s7] =	dma.local [hbm:s0], $0x2800  }
0x1d: {  	_ =	swait.ge [sflag:s19], $0x2800  }
0x1e: {  	[sflag:s19] =	ssyncset.done $0x0  }
0x1f: {  	s15 =	simm.s32 $0x0;
	s0 =	simm.s32 $0x40;
	[sflag:s19] =	ssyncadd.s32 $0xFFFFD800  }
.LBB2_2:
0x20: {  	p0 =	sne.s32 s0, $0x9FC0;
	[tilespmem:s15+$0x1A200] =	vst v0;
	s15 =	smov.u32 s0;
	s0 =	sadd.s32 $0x40, s0  }
.Ltmp0:
0x21: {  	(pc) =	sbr.rel @p0 .LBB2_2-.Ltmp0, $2  }
0x22: {  	_ =	sdelay $0x2  }
0x23: {  	s15 =	sshra.s32 s15, $0x2  }
0x24: {  	[tilespmem:s15+$0x1A200] =	vst v0  }
0x25: {  	[bflag:$0x0] =	sbarrier.arrive $0xFFFF  }
0x26: {  	s0 =	simm.s32 $0x0;
	s9 =	rddreg [dreg:$0x5]  }
0x27: {  	[tilespmem:s20], [sflag:$0x1] =	stream.linear.gather [hbm4b:s9+s0], $0x60, $0x38;
	[tilespmem:$0x1CA00] =	vst v63  }
0x28: {  	s10 =	simm.s32 $0x1A100;
	s16 =	rddreg [dreg:$0x6]  }
0x29: {  	[tilespmem:s10], [sflag:$0x1] =	stream.linear.gather [hbm4b:s16+s0], $0x60, $0x38;
	[tilespmem:$0x1CA00] =	vst v63  }
0x2a: {  	s17 =	rddreg [dreg:$0x7]  }
0x2b: {  	[tilespmem:s22], [sflag:$0x1] =	stream.linear.gather [hbm4b:s17+s0], $0x3000, $0x38;
	[tilespmem:$0x1CA00] =	vst v63  }
0x2c: {  	s15 =	smov.u32 s8;
	s16 =	smov.u32 s6;
	s17 =	smov.u32 s2  }
.LBB2_4:
0x2d: {  	_ =	swait.ge [sflag:s23], $0x60  }
0x2e: {  	[sflag:s23] =	ssyncset.done $0x0  }
0x2f: {  	[sflag:s23] =	ssyncadd.s32 $0xFFFFFFA0  }
0x30: {  	_ =	swait.ge [sflag:s23], $0x60  }
0x31: {  	[sflag:s23] =	ssyncset.done $0x0  }
0x32: {  	[sflag:s23] =	ssyncadd.s32 $0xFFFFFFA0  }
0x33: {  	_ =	swait.ge [sflag:s23], $0x3000  }
0x34: {  	p0 =	seq.s32 s0, $0x0;
	[sflag:s23] =	ssyncset.done $0x0  }
0x35: {  	s9 =	simm.s32 @!p0 $0x4;
	[sflag:s23] =	ssyncadd.s32 $0xFFFFD000  }
0x36: {  	_ =	swait.ge @!p0 [sflag:s9], $0x3000  }
0x37: {  	[sflag:s9] =	ssyncset.done @!p0 $0x0  }
0x38: {  	[sflag:s9] =	ssyncadd.s32 @!p0 $0xFFFFD000  }
0x39: {  	[tilespmem:s24], [sflag:$0x2] =	stream.linear.gather [hbm4b:s17+s3], $0x60, $0x38;
	[tilespmem:$0x1CA00] =	vst v63  }
0x3a: {  	s12 =	sadd.s32 s0, s14;
	s11 =	rddreg [dreg:$0x3]  }
0x3b: {  	[tilespmem:s11], [sflag:$0x2] =	stream.linear.gather [hbm4b:s16+s3], $0x60, $0x38;
	[tilespmem:$0x1CA00] =	vst v63  }
0x3c: {  	s9 =	sadd.s32 $0x600, s12  }
0x3d: {  	[tilespmem:s25], [sflag:$0x2] =	stream.linear.gather [hbm4b:s9+s3], $0x3000, $0x38;
	[tilespmem:$0x1CA00] =	vst v63  }
0x3e: {  	_ = 	snop  }
0x3f: {  	[spmem:s1] =	stream.indirect.scatter.add.f32 [tilespmem:s22], [sflag:$0x3], $0x80, s20, s26, $0xb8;
	[tilespmem:$0x1CA00] =	vst v63  }
0x40: {  	v1 =	vld [tilespmem:$0x14000];
	_ =	sdelay $0x2  }
0x41: {  	v2 =	vld [tilespmem:$0x1A100];
	_ =	sdelay $0x4  }
0x42: {  	[tilespmem:v1+s28+$0x0] =	vst.idx.add.f32.msk $0xffff, v2  }
0x43: {  	v1 =	vld [tilespmem:$0x14010];
	_ =	sdelay $0x2  }
0x44: {  	v2 =	vld [tilespmem:$0x1A110];
	_ =	sdelay $0x4  }
0x45: {  	[tilespmem:v1+s28+$0x0] =	vst.idx.add.f32.msk $0xffff, v2  }
0x46: {  	v1 =	vld [tilespmem:$0x14020];
	_ =	sdelay $0x2  }
0x47: {  	v2 =	vld [tilespmem:$0x1A120];
	_ =	sdelay $0x4  }
0x48: {  	[tilespmem:v1+s28+$0x0] =	vst.idx.add.f32.msk $0xffff, v2  }
0x49: {  	v1 =	vld [tilespmem:$0x14030];
	_ =	sdelay $0x2  }
0x4a: {  	v2 =	vld [tilespmem:$0x1A130];
	_ =	sdelay $0x4  }
0x4b: {  	[tilespmem:v1+s28+$0x0] =	vst.idx.add.f32.msk $0xffff, v2  }
0x4c: {  	v1 =	vld [tilespmem:$0x14040];
	_ =	sdelay $0x2  }
0x4d: {  	v2 =	vld [tilespmem:$0x1A140];
	_ =	sdelay $0x4  }
0x4e: {  	[tilespmem:v1+s28+$0x0] =	vst.idx.add.f32.msk $0xffff, v2  }
0x4f: {  	v1 =	vld [tilespmem:$0x14050];
	_ =	sdelay $0x2  }
0x50: {  	v2 =	vld [tilespmem:$0x1A150];
	_ =	sdelay $0x4  }
0x51: {  	[tilespmem:v1+s28+$0x0] =	vst.idx.add.f32.msk $0xffff, v2  }
0x52: {  	_ =	swait.ge [sflag:s29], $0x60  }
0x53: {  	[sflag:s29] =	ssyncset.done $0x0  }
0x54: {  	[sflag:s29] =	ssyncadd.s32 $0xFFFFFFA0  }
0x55: {  	_ =	swait.ge [sflag:s29], $0x60  }
0x56: {  	[sflag:s29] =	ssyncset.done $0x0  }
0x57: {  	[sflag:s29] =	ssyncadd.s32 $0xFFFFFFA0  }
0x58: {  	_ =	swait.ge [sflag:s29], $0x3000  }
0x59: {  	p0 =	seq.s32 s0, $0x13800;
	[sflag:s29] =	ssyncset.done $0x0  }
0x5a: {  	s9 =	simm.s32 @!p0 $0x3;
	[sflag:s29] =	ssyncadd.s32 $0xFFFFD000  }
0x5b: {  	_ =	swait.ge @!p0 [sflag:s9], $0x3000  }
0x5c: {  	[sflag:s9] =	ssyncset.done @!p0 $0x0  }
0x5d: {  	[sflag:s9] =	ssyncadd.s32 @!p0 $0xFFFFD000;
	s9 =	sshrl.u32 @!p0 s15, $0x3  }
0x5e: {  	s12 =	simm.s32 @!p0 $0x14000;
	s11 =	simm.s32 @!p0 $0x0;
	s10 =	sadd.s32 @!p0 s4, s9  }
0x5f: {  	[tilespmem:s12], [sflag:$0x1] =	stream.linear.gather @!p0 [hbm4b:s10+s11], $0x60, $0x38;
	[tilespmem:$0x1CA00] =	vst v63  }
0x60: {  	s9 =	sadd.s32 @!p0 s5, s9;
	s10 =	simm.s32 @!p0 $0x1A100  }
0x61: {  	[tilespmem:s10], [sflag:$0x1] =	stream.linear.gather @!p0 [hbm4b:s9+s11], $0x60, $0x38;
	[tilespmem:$0x1CA00] =	vst v63  }
0x62: {  	s9 =	sadd.s32 @!p0 s0, s14  }
0x63: {  	s10 =	simm.s32 @!p0 $0x14100;
	s9 =	sadd.s32 @!p0 $0xC00, s9  }
0x64: {  	[tilespmem:s10], [sflag:$0x1] =	stream.linear.gather @!p0 [hbm4b:s9+s11], $0x3000, $0x38;
	[tilespmem:$0x1CA00] =	vst v63  }
0x65: {  	_ = 	snop  }
0x66: {  	[spmem:s1] =	stream.indirect.scatter.add.f32 [tilespmem:s25], [sflag:$0x4], $0x80, s24, s26, $0xb8;
	[tilespmem:$0x1CA00] =	vst v63  }
0x67: {  	v1 =	vld [tilespmem:$0x14080];
	_ =	sdelay $0x2  }
0x68: {  	v2 =	vld [tilespmem:$0x1A180];
	_ =	sdelay $0x4  }
0x69: {  	[tilespmem:v1+s28+$0x0] =	vst.idx.add.f32.msk $0xffff, v2  }
0x6a: {  	v1 =	vld [tilespmem:$0x14090];
	_ =	sdelay $0x2  }
0x6b: {  	v2 =	vld [tilespmem:$0x1A190];
	_ =	sdelay $0x4  }
0x6c: {  	[tilespmem:v1+s28+$0x0] =	vst.idx.add.f32.msk $0xffff, v2  }
0x6d: {  	v1 =	vld [tilespmem:$0x140A0];
	_ =	sdelay $0x2  }
0x6e: {  	v2 =	vld [tilespmem:$0x1A1A0];
	_ =	sdelay $0x4  }
0x6f: {  	[tilespmem:v1+s28+$0x0] =	vst.idx.add.f32.msk $0xffff, v2  }
0x70: {  	v1 =	vld [tilespmem:$0x140B0];
	_ =	sdelay $0x2  }
0x71: {  	v2 =	vld [tilespmem:$0x1A1B0];
	_ =	sdelay $0x4  }
0x72: {  	[tilespmem:v1+s28+$0x0] =	vst.idx.add.f32.msk $0xffff, v2  }
0x73: {  	v1 =	vld [tilespmem:$0x140C0];
	_ =	sdelay $0x2  }
0x74: {  	v2 =	vld [tilespmem:$0x1A1C0];
	_ =	sdelay $0x4  }
0x75: {  	[tilespmem:v1+s28+$0x0] =	vst.idx.add.f32.msk $0xffff, v2  }
0x76: {  	v1 =	vld [tilespmem:$0x140D0];
	_ =	sdelay $0x1  }
0x77: {  	s0 =	sadd.s32 $0xC00, s0  }
0x78: {  	p0 =	sne.s32 s0, $0x14400;
	v2 =	vld [tilespmem:$0x1A1D0]  }
.Ltmp1:
0x79: {  	_ = 	snop;
	(pc) =	sbr.rel @p0 .LBB2_4-.Ltmp1, $2  }
0x7a: {  	_ =	sdelay $0x2  }
0x7b: {  	s17 =	sadd.s32 $0x18, s17;
	s16 =	sadd.s32 $0x18, s16;
	s15 =	sadd.s32 $0xC0, s15;
	[tilespmem:v1+s28+$0x0] =	vst.idx.add.f32.msk $0xffff, v2  }
0x7c: {  	_ =	swait.ge [sflag:s30], $0x3000  }
0x7d: {  	[sflag:s30] =	ssyncset.done $0x0  }
0x7e: {  	[sflag:s30] =	ssyncadd.s32 $0xFFFFD000  }
0x7f: {  	_ =	swait.ge [sflag:s31], $0x3000  }
0x80: {  	[sflag:s31] =	ssyncset.done $0x0  }
0x81: {  	[sflag:s31] =	ssyncadd.s32 $0xFFFFD000  }
0x82: {  	[bflag:$0x0] =	sbarrier.arrive $0xFFFF  }
0x83: {  	s0 =	rddreg [dreg:$0x8]  }
0x84: {  	[hbm:s0], [sflag:s7] =	dma.local [spmem:s18], $0x2800  }
0x85: {  	s9 =	simm.s32 $0x80;
	s21 =	sadd.s32 $0x1, s21;
	_ =	swait.ge [sflag:s19], $0x2800  }
0x86: {  	s10 =	simm.s32 $0x400;
	p0 =	sne.s32 s21, s13;
	[sflag:s19] =	ssyncset.done $0x0  }
.Ltmp2:
0x87: {  	s17 =	rddreg [dreg:$0x9];
	[sflag:s19] =	ssyncadd.s32 $0xFFFFD800;
	(pc) =	sbr.rel @p0 .LBB2_1-.Ltmp2, $4  }
0x88: {  	[hbm4b:s17+s9] =	stream.strided.scatter [tilespmem:s28], [sflag:$0x5], $0x2800, s10, s9, $0x38;
	[tilespmem:$0x1CA00] =	vst v63  }
0x89: {  	_ =	swait.ge [sflag:s19], $0x2800  }
0x8a: {  	[sflag:s19] =	ssyncset.done $0x0  }
0x8b: {  	[sflag:s19] =	ssyncadd.s32 $0xFFFFD800  }
0x8c: {  	_ =	sfence.sel $0x180000  }
0x8d: {  	[bflag:$0x0] =	sbarrier.arrive $0xFFFF  }
0x8e: {  	_ =	strace $0x9000004D  }
0x8f: {  	s0 =	stileid.u32;
	[bflag:$0x2] =	sbarrier.arrive $0xFFFF  }
0x90: {  	p0 =	sne.s32 s0, $0x0;
	s0 =	rddreg [dreg:$0x2]  }
0x91: {  	s0 =	sadd.s32 @!p0 $0x100000, s0  }
0x92: {  	[sflag:s0] =	ssyncadd.tile.s32 @!p0 $0x1;
	_ =	shalt  }
.Lfunc_end2:
_tile_overlayer_lowered:
.L_overlay_start_2:
0x93: {  	(tag) =	ssettag $0x2  }
0x94: {  	s0 =	rddreg [dreg:$0x0];
	s2 =	stileid.u32  }
0x95: {  	s1 =	rddreg [dreg:$0x1];
	p0 =	sne.s32 s2, $0x0  }
0x96: {  	s3 =	rddreg [dreg:$0x2];
	[bflag:$0x3] =	sbarrier.arrive $0xFFFF;
	s2 =	simm.s32 @!p0 $0x1C05  }
0x97: {  	[timem:s3], [sflag:s2] =	dma.local @!p0 [hbm:s0], s1  }
0x98: {  	s0 =	simm.s32 @!p0 $0x5  }
0x99: {  	_ =	swait.ge @!p0 [sflag:s0], s1  }
0x9a: {  	s1 =	ssub.s32 @!p0 $0x0, s1;
	[sflag:s0] =	ssyncset.done @!p0 $0x0  }
0x9b: {  	[sflag:s0] =	ssyncadd.s32 @!p0 s1  }
0x9c: {  	[bflag:$0x3] =	sbarrier.arrive $0xFFFF  }
0x9d: {  	_ =	shalt  }

// kernel: kernel.9.cloned.1.call-start
scs
__scs_entry_jumppad:
0x0: {  	(pc) =	sbr.rel $0x88, $3  }
0x1: {  	(tag) =	ssettag $0x0;
	lr =	simm.s32 $0x1  }
0x2: {  	[smem:$0x3F91] =	sst lr;
	_ =	strace $0xD0000000  }
0x3: {  	_ = 	snop  }
0x4: {  	_ = 	snop  }
0x5: {  	_ = 	snop  }
0x6: {  	_ = 	snop  }
0x7: {  	_ = 	snop  }
__scs_overlays_trampoline_lowered:
0x8: {  	[smem:$0x3FA0] =	sst s0  }
0x9: {  	[smem:$0x3FA1] =	sst s1  }
0xa: {  	[smem:$0x3FA2] =	sst s2  }
0xb: {  	[smem:$0x3FA3] =	sst s3  }
0xc: {  	[smem:$0x3FA4] =	sst s4  }
0xd: {  	[smem:$0x3FA5] =	sst s5  }
0xe: {  	[smem:$0x3FA6] =	sst s6  }
0xf: {  	[smem:$0x3FA7] =	sst s7  }
0x10: {  	[smem:$0x3FA8] =	sst s8  }
0x11: {  	[smem:$0x3FA9] =	sst s9;
	s0 =	simm.s32 @!p0 $0x0  }
0x12: {  	s1 =	sld [smem:$0x3F8F];
	s0 =	simm.s32 @p0 $0x1  }
0x13: {  	[smem:$0x3FAA] =	sst s0;
	s0 =	simm.s32 @!p1 $0x0  }
0x14: {  	s2 =	sld [smem:$0x3F8E];
	s0 =	simm.s32 @p1 $0x1  }
0x15: {  	[smem:$0x3FAB] =	sst s0;
	s0 =	simm.s32 @!p2 $0x0  }
0x16: {  	s3 =	sld [smem:$0x3FDB];
	s0 =	simm.s32 @p2 $0x1  }
0x17: {  	s4 =	simm.s32 $0x1BF5;
	[smem:$0x3FAD] =	sst s0  }
0x18: {  	s0 =	sld [smem:$0x3F90];
	_ =	swait.ge [sflag:s4], $0x0  }
0x19: {  	s7 =	sld [smem:$0x3F91]  }
0x1a: {  	s8 =	sadd.s32 $0xFFFFE003, lr  }
0x1b: {  	s9 =	sadd.s32 $0xFFFFFEF7, lr;
	s5 =	simm.s32 $0xFFFFFFFF;
	p2 =	slt.u32 s8, $0xFFFFF086  }
0x1c: {  	p1 =	slt.u32 s9, $0xF7A;
	s5 =	simm.s32 @!p2 $0x0  }
0x1d: {  	s5 =	simm.s32 @p1 $0x1;
	p0 =	seq.s32 s7, s2  }
0x1e: {  	s7 =	smul.u32 @!p0 $0xF7A, s2;
	p2 =	seq.s32 @!p0 s5, $0x0  }
0x1f: {  	s9 =	smul.u32 $0xF7A, s1;
	s8 =	simm.s32 @!p0 $0x1BF5;
	p2 =	por !p2, p0  }
0x20: {  	[sflag:s8] =	ssyncset.s32 @!p0 $0xFFFFF086;
	s6 =	sadd.s32 @!p0 s3, s7;
	s7 =	simm.s32 @!p0 $0x108  }
0x21: {  	s3 =	sadd.s32 s3, s9;
	s6 =	sadd.s32 @!p0 $0x88, s6;
	s7 =	simm.s32 @p2 $0x1082  }
0x22: {  	[simem:s7], [sflag:s8] =	dma.local @!p0 [hbm:s6], $0xF7A  }
0x23: {  	s9 =	sor.u32 $0xD0000000, s2;
	s6 =	simm.s32 $0x108;
	_ =	swait.ge @!p0 [sflag:s8], $0x0  }
0x24: {  	s3 =	sadd.s32 $0x88, s3;
	s6 =	simm.s32 @!p1 $0x1082;
	[sflag:s4] =	ssyncset.s32 $0xFFFFF086  }
0x25: {  	[simem:s6], [sflag:s4] =	dma.local [hbm:s3], $0xF7A  }
0x26: {  	[smem:$0x3F91] =	sst s1;
	(tag) =	ssettag s2;
	_ =	strace s9  }
0x27: {  	s1 =	sld [smem:$0x3FA1]  }
0x28: {  	s2 =	sld [smem:$0x3FA2]  }
0x29: {  	s4 =	sld [smem:$0x3FA4]  }
0x2a: {  	p0 =	seq.s32 s5, $0x0;
	s5 =	sld [smem:$0x3FA5]  }
0x2b: {  	s6 =	sld [smem:$0x3FA6]  }
0x2c: {  	s7 =	sld [smem:$0x3FA7]  }
0x2d: {  	s3 =	simm.s32 $0x108;
	s8 =	sld [smem:$0x3FA8]  }
0x2e: {  	s3 =	simm.s32 @!p0 $0x1082;
	s9 =	sld [smem:$0x3FA9]  }
0x2f: {  	lr =	sadd.s32 s0, s3;
	s0 =	sld [smem:$0x3FA0]  }
0x30: {  	s3 =	sld [smem:$0x3FA3]  }
0x31: {  	[smem:$0x3FAC] =	sst s10  }
0x32: {  	s10 =	sld [smem:$0x3FAA];
	_ =	sdelay $0x3  }
0x33: {  	p0 =	seq.s32 s10, $0x1;
	s10 =	sld [smem:$0x3FAC];
	_ =	sdelay $0x3  }
0x34: {  	[smem:$0x3FAC] =	sst s10  }
0x35: {  	s10 =	sld [smem:$0x3FAB];
	_ =	sdelay $0x3  }
0x36: {  	p1 =	seq.s32 s10, $0x1;
	s10 =	sld [smem:$0x3FAC];
	_ =	sdelay $0x3  }
0x37: {  	[smem:$0x3FAC] =	sst s10  }
0x38: {  	s10 =	sld [smem:$0x3FAD]  }
0x39: {  	_ = 	snop;
	(pc) =	sbr.ind lr, $3  }
0x3a: {  	_ = 	snop  }
0x3b: {  	_ = 	snop  }
0x3c: {  	p2 =	seq.s32 s10, $0x1;
	s10 =	sld [smem:$0x3FAC]  }
0x3d: {  	_ =	shalt  }
0x3e: {  	_ =	shalt  }
0x3f: {  	_ =	shalt  }
0x40: {  	_ =	shalt  }
0x41: {  	_ =	shalt  }
0x42: {  	_ =	shalt  }
0x43: {  	_ =	shalt  }
0x44: {  	_ =	shalt  }
0x45: {  	_ =	shalt  }
0x46: {  	_ =	shalt  }
0x47: {  	_ =	shalt  }
0x48: {  	_ =	shalt  }
0x49: {  	_ =	shalt  }
0x4a: {  	_ =	shalt  }
0x4b: {  	_ =	shalt  }
0x4c: {  	_ =	shalt  }
0x4d: {  	_ =	shalt  }
0x4e: {  	_ =	shalt  }
0x4f: {  	_ =	shalt  }
0x50: {  	_ =	shalt  }
0x51: {  	_ =	shalt  }
0x52: {  	_ =	shalt  }
0x53: {  	_ =	shalt  }
0x54: {  	_ =	shalt  }
0x55: {  	_ =	shalt  }
0x56: {  	_ =	shalt  }
0x57: {  	_ =	shalt  }
0x58: {  	_ =	shalt  }
0x59: {  	_ =	shalt  }
0x5a: {  	_ =	shalt  }
0x5b: {  	_ =	shalt  }
0x5c: {  	_ =	shalt  }
0x5d: {  	_ =	shalt  }
0x5e: {  	_ =	shalt  }
0x5f: {  	_ =	shalt  }
0x60: {  	_ =	shalt  }
0x61: {  	_ =	shalt  }
0x62: {  	_ =	shalt  }
0x63: {  	_ =	shalt  }
0x64: {  	_ =	shalt  }
0x65: {  	_ =	shalt  }
0x66: {  	_ =	shalt  }
0x67: {  	_ =	shalt  }
0x68: {  	_ =	shalt  }
0x69: {  	_ =	shalt  }
0x6a: {  	_ =	shalt  }
0x6b: {  	_ =	shalt  }
0x6c: {  	_ =	shalt  }
0x6d: {  	_ =	shalt  }
0x6e: {  	_ =	shalt  }
0x6f: {  	_ =	shalt  }
0x70: {  	_ =	shalt  }
0x71: {  	_ =	shalt  }
0x72: {  	_ =	shalt  }
0x73: {  	_ =	shalt  }
0x74: {  	_ =	shalt  }
0x75: {  	_ =	shalt  }
0x76: {  	_ =	shalt  }
0x77: {  	_ =	shalt  }
0x78: {  	_ =	shalt  }
0x79: {  	_ =	shalt  }
0x7a: {  	_ =	shalt  }
0x7b: {  	_ =	shalt  }
0x7c: {  	_ =	shalt  }
0x7d: {  	_ =	shalt  }
0x7e: {  	_ =	shalt  }
0x7f: {  	_ =	shalt  }
0x80: {  	_ =	shalt  }
0x81: {  	_ =	shalt  }
0x82: {  	_ =	shalt  }
0x83: {  	_ =	shalt  }
0x84: {  	_ =	shalt  }
0x85: {  	_ =	shalt  }
0x86: {  	_ =	shalt  }
0x87: {  	_ =	shalt  }
.Lfunc_end0:
.L_simem_size_0:
called_computation_lowered:
.L_overlay_start_0:
0x88: {  	s2 =	sld [smem:$0x3FD9]  }
0x89: {  	s3 =	sld [smem:$0x3FFE];
	_ =	sdelay $0x1  }
0x8a: {  	s1 =	srdreg.scid  }
0x8b: {  	s0 =	sand.u32 $0x1, s1  }
0x8c: {  	s17 =	sshll.u32 s0, $0xA;
	s2 =	sadd.s32 s3, s2  }
0x8d: {  	s2 =	sadd.s32 s2, s17  }
0x8e: {  	[smem:$0x3FB8] =	sst s2  }
0x8f: {  	_ = 	snop  }
0x90: {  	s18 =	sld [smem:$0x3FD0];
	(tm) =	ssettm $0x1  }
0x91: {  	s19 =	sld [smem:$0x3FFB];
	_ =	sdelay $0x3  }
0x92: {  	_ =	strace s19  }
0x93: {  	s2 =	sld [smem:$0x3FFC];
	_ =	sdelay $0x3  }
0x94: {  	_ =	strace s2  }
0x95: {  	s2 =	sld [smem:$0x3FFD];
	_ =	sdelay $0x3  }
0x96: {  	_ =	strace s2  }
0x97: {  	_ =	strace $0x8FFFFFFF  }
0x98: {  	s20 =	sld [smem:$0x3FDB];
	_ =	sdelay $0x1  }
0x99: {  	s4 =	simm.s32 $_scs_section_size  }
0x9a: {  	s5 =	simm.s32 $_size__tile_overlayer_lowered;
	s6 =	simm.s32 $_tile_overlayer_lowered  }
0x9b: {  	s7 =	simm.s32 $0x1BFF;
	s21 =	sshll.u32 s6, $0x1;
	s4 =	sadd.s32 s4, s20  }
0x9c: {  	s22 =	simm.s32 $0x0;
	s5 =	sshll.u32 s5, $0x1;
	s6 =	sadd.s32 s21, s4  }
0x9d: {  	[timem:s22], [sflag:s7] =	dma.local [hbm:s6], s5  }
0x9e: {  	_ =	swait.ge [sflag:s7], s5  }
0x9f: {  	s5 =	ssub.s32 $0x0, s5;
	[sflag:s7] =	ssyncset.done $0x0  }
0xa0: {  	[sflag:s7] =	ssyncadd.s32 s5;
	_ =	sdelay $0x1  }
0xa1: {  	s23 =	simm.s32 $0x1B8B  }
0xa2: {  	_ =	swait.ge [sflag:s23], $0x1  }
0xa3: {  	[sflag:s23] =	ssyncset.done $0x0  }
0xa4: {  	[sflag:s23] =	ssyncadd.s32 $0xFFFFFFFF  }
0xa5: {  	s5 =	sld [smem:$0x0]  }
0xa6: {  	s6 =	sand.u32 $0xFFFFFFFE, s1  }
0xa7: {  	p0 =	sne.s32 s1, s6  }
0xa8: {  	s6 =	sshll.u32 @p0 s6, $0xE  }
0xa9: {  	s6 =	sadd.s32 @p0 $0x11B8D, s6;
	s7 =	sshll.u32 @p0 s5, $0x11  }
0xaa: {  	s6 =	sor.u32 @p0 s7, s6  }
0xab: {  	[sflag:s6] =	ssyncadd.remote.s32 @p0 $0x1;
	_ =	sdelay $0x1  }
0xac: {  	s6 =	simm.s32 @p0 $0x1B8D  }
0xad: {  	_ =	swait.eq @p0 [sflag:s6], $0x1  }
0xae: {  	[sflag:s6] =	ssyncadd.s32 @p0 $0xFFFFFFFF  }
0xaf: {  	s7 =	sshll.u32 @!p0 s1, $0xE  }
0xb0: {  	s7 =	sor.u32 @!p0 $0x4000, s7;
	s6 =	simm.s32 @!p0 $0x1B8D  }
0xb1: {  	s5 =	sshll.u32 @!p0 s5, $0x11;
	s7 =	sadd.s32 @!p0 $0x11B8D, s7;
	_ =	swait.eq @!p0 [sflag:s6], $0x1  }
0xb2: {  	s5 =	sor.u32 @!p0 s5, s7;
	[sflag:s6] =	ssyncadd.s32 @!p0 $0xFFFFFFFF  }
0xb3: {  	s25 =	simm.s32 $0x1B8E;
	s24 =	sld [smem:$0x3FFE];
	[sflag:s5] =	ssyncadd.remote.s32 @!p0 $0x1  }
0xb4: {  	s26 =	simm.s32 $execute0_lowered;
	[smem:$0x3FD2] =	sst s25  }
0xb5: {  	s6 =	sshll.u32 s26, $0x1;
	_ =	strace $0x80000049;
	[dreg:$0x1] =	wrdreg $0xFFFFFFFF  }
0xb6: {  	s28 =	simm.s32 $_size_execute0_lowered;
	s4 =	sadd.s32 s4, s6;
	[dreg:$0x0] =	wrdreg $0x0  }
0xb7: {  	s6 =	sshll.u32 s28, $0x1;
	[dreg:$0x2] =	wrdreg s4  }
0xb8: {  	[dreg:$0x3] =	wrdreg s6  }
0xb9: {  	[dreg:$0x4] =	wrdreg $0xC0  }
0xba: {  	_ =	task [dreg:s22], $0x5FFFF  }
0xbb: {  	[dreg:$0x1] =	wrdreg $0xFFFFFFFF  }
0xbc: {  	[dreg:$0x0] =	wrdreg $0x60  }
0xbd: {  	[dreg:$0x2] =	wrdreg s18  }
0xbe: {  	[dreg:$0x3] =	wrdreg s24  }
0xbf: {  	[dreg:$0x4] =	wrdreg $0x0  }
0xc0: {  	[dreg:$0x5] =	wrdreg $0x9  }
0xc1: {  	_ =	task.clear_ibuf [dreg:s22], $0x6FFFF;
	_ =	strace $0x90000049  }
0xc2: {  	s29 =	simm.s32 $0x9;
	_ =	strace $0x8000004B  }
0xc3: {  	_ =	swait.ge [sflag:s29], $0x1  }
0xc4: {  	[sflag:s29] =	ssyncadd.s32 $0xFFFFFFFF  }
0xc5: {  	_ =	strace $0x9000004B  }
0xc6: {  	_ =	sfence  }
0xc7: {  	s30 =	sld [smem:$0x0];
	_ =	sdelay $0x2  }
0xc8: {  	s31 =	sshll.u32 s1, $0xD;
	s1 =	sshrl.u32 s1, $0x2  }
0xc9: {  	s4 =	sand.u32 $0x4000, s31;
	s1 =	sadd.s32 s1, s30  }
0xca: {  	s0 =	sor.u32 s4, s0;
	s1 =	sshll.u32 s1, $0x11  }
0xcb: {  	s0 =	sor.u32 s1, s0  }
0xcc: {  	s0 =	sadd.s32 $0x8F2B, s0  }
0xcd: {  	[sflag:s0] =	ssyncadd.remote.s32 $0x1  }
0xce: {  	_ =	sfence.sel $0xFFFF  }
0xcf: {  	[dreg:$0x0] =	wrdreg $0xFFFFFFFF;
	(pc) =	sbr.abs _section_cstart, $3  }
0xd0: {  	[dreg:$0x1] =	wrdreg $0xFFFFFFFF  }
0xd1: {  	_ =	task.clear_ibuf [dreg:s22], $0x2FFFF;
	_ =	strace $0x9FFFFFFF  }
0xd2: {  	(tm) =	ssettm $0x7FFFFFFF  }
0xd3: {  	_ =	shalt  }
tec
execute0_lowered:
.L_overlay_start_1:
0x0: {  	(tag) =	ssettag $0x1  }
0x1: {  	s4 =	rddreg [dreg:$0x0]  }
0x2: {  	s1 =	srdreg.scid;
	s5 =	rddreg [dreg:$0x1]  }
0x3: {  	s0 =	stileid.u32;
	s2 =	rddreg [dreg:$0x2]  }
0x4: {  	s3 =	simm.s32 $0x0;
	s17 =	simm.s32 $0x1B0;
	s18 =	simm.s32 $0xC880  }
0x5: {  	s19 =	simm.s32 $0xA1B0;
	s20 =	simm.s32 $0x13480;
	s21 =	simm.s32 $0x1  }
0x6: {  	s22 =	simm.s32 $0x3;
	s28 =	simm.s32 $0x0;
	s11 =	smul.u32 $0xA000, s0  }
0x7: {  	s9 =	sand.u32 $0x1, s1;
	s23 =	sshll.u32 s0, $0x1;
	s26 =	smul.u32 $0x28800, s0  }
0x8: {  	[smem:$0x7FF] =	sst s3;
	s13 =	sadd.s32 $0x2AD800, s5;
	s12 =	smul.u32 $0x5100, s0  }
0x9: {  	s29 =	sshll.u32 s0, $0x6;
	s6 =	sor.u32 s9, s23;
	s15 =	smul.u32 $0x2880, s9  }
0xa: {  	_ =	strace $0x8000004A;
	s8 =	ssub.s32 $0x2, s9;
	s16 =	smul.u32 $0x14400, s9  }
0xb: {  	s23 =	simm.s32 $0xA360;
	s7 =	smul.u32 $0x2880, s6;
	s10 =	sshrl.u32 s8, $0x1  }
0xc: {  	s24 =	smul.u32 $0x14400, s6;
	s14 =	sadd.s32 s11, s2;
	s25 =	sshrl.u32 s11, $0x3  }
0xd: {  	s11 =	sadd.s32 s26, s13;
	s26 =	simm.s32 $0xC6D0;
	s8 =	ssub.s32 s8, s10  }
0xe: {  	s4 =	sadd.s32 s4, s25;
	s12 =	sadd.s32 s15, s12;
	s30 =	sadd.s32 s16, s11  }
0xf: {  	s14 =	sshrl.u32 s14, $0x3;
	s15 =	simm.s32 $0x5;
	s16 =	simm.s32 $0xA000  }
0x10: {  	s25 =	simm.s32 $0x4;
	s7 =	sshrl.u32 s7, $0x3;
	s31 =	sshll.u32 s12, $0x3  }
0x11: {  	s12 =	sadd.s32 $0x1B00, s30;
	s7 =	sadd.s32 s7, s5;
	s5 =	sor.u32 $0x1C05, s29  }
0x12: {  	s6 =	sadd.s32 $0x2A3600, s7;
	s7 =	smax.u32 s8, $0x1;
	s8 =	sadd.s32 s13, s24  }
0x13: {  	s13 =	sadd.s32 s13, s31;
	s24 =	simm.s32 $0x2;
	s9 =	sadd.s32 $0xD80, s8  }
0x14: {  	s10 =	sadd.s32 $0x12900, s8;
	s11 =	sadd.s32 $0x13680, s8;
	s13 =	sadd.s32 $0x2880, s13  }
.LBB2_1:
0x15: {  	[spmem:s14], [sflag:s5] =	dma.local [hbm:s4], $0x1400  }
0x16: {  	_ =	swait.ge [sflag:s15], $0x1400  }
0x17: {  	[sflag:s15] =	ssyncset.done $0x0  }
0x18: {  	[sflag:s15] =	ssyncadd.s32 $0xFFFFEC00  }
0x19: {  	[tilespmem:s16], [sflag:$0x5] =	stream.linear.gather [hbm4b:s6+s3], $0x2880, $0x38;
	[tilespmem:$0x1A080] =	vst v63  }
0x1a: {  	_ =	swait.ge [sflag:s15], $0x2880  }
0x1b: {  	[sflag:s15] =	ssyncset.done $0x0  }
0x1c: {  	[sflag:s15] =	ssyncadd.s32 $0xFFFFD780  }
0x1d: {  	[bflag:$0x0] =	sbarrier.arrive $0xFFFF  }
0x1e: {  	[tilespmem:s18], [sflag:$0x1] =	stream.indirect.gather [spmem:s2], $0x40, s16, s17, $0xb8;
	[tilespmem:$0x1A080] =	vst v63  }
0x1f: {  	_ = 	snop  }
0x20: {  	[tilespmem:s20], [sflag:$0x2] =	stream.indirect.gather [spmem:s2], $0x40, s19, s17, $0xb8;
	[tilespmem:$0x1A080] =	vst v63  }
0x21: {  	_ =	swait.ge [sflag:s21], $0x6C00  }
0x22: {  	[sflag:s21] =	ssyncset.done $0x0  }
0x23: {  	[sflag:s21] =	ssyncadd.s32 $0xFFFF9400  }
0x24: {  	[hbm4b:s8+s3] =	stream.linear.scatter [tilespmem:s18], [sflag:$0x3], $0x6C00, $0x38;
	[tilespmem:$0x1A080] =	vst v63  }
0x25: {  	_ =	swait.ge [sflag:s22], $0x6C00  }
0x26: {  	[sflag:s22] =	ssyncset.done $0x0  }
0x27: {  	[sflag:s22] =	ssyncadd.s32 $0xFFFF9400  }
0x28: {  	[tilespmem:s18], [sflag:$0x1] =	stream.indirect.gather [spmem:s2], $0x40, s23, s17, $0xb8;
	[tilespmem:$0x1A080] =	vst v63  }
0x29: {  	_ =	swait.ge [sflag:s24], $0x6C00  }
0x2a: {  	[sflag:s24] =	ssyncset.done $0x0  }
0x2b: {  	[sflag:s24] =	ssyncadd.s32 $0xFFFF9400  }
0x2c: {  	[hbm4b:s9+s3] =	stream.linear.scatter [tilespmem:s20], [sflag:$0x4], $0x6C00, $0x38;
	[tilespmem:$0x1A080] =	vst v63  }
0x2d: {  	_ =	swait.ge [sflag:s25], $0x6C00  }
0x2e: {  	[sflag:s25] =	ssyncset.done $0x0  }
0x2f: {  	s29 =	simm.s32 $0xA510;
	[sflag:s25] =	ssyncadd.s32 $0xFFFF9400  }
0x30: {  	[tilespmem:s20], [sflag:$0x2] =	stream.indirect.gather [spmem:s2], $0x40, s29, s17, $0xb8;
	[tilespmem:$0x1A080] =	vst v63  }
0x31: {  	_ =	swait.ge [sflag:s21], $0x6C00  }
0x32: {  	[sflag:s21] =	ssyncset.done $0x0  }
0x33: {  	s29 =	sadd.s32 $0x0, s12;
	[sflag:s21] =	ssyncadd.s32 $0xFFFF9400  }
0x34: {  	[hbm4b:s29+s3] =	stream.linear.scatter [tilespmem:s18], [sflag:$0x3], $0x6C00, $0x38;
	[tilespmem:$0x1A080] =	vst v63  }
0x35: {  	_ =	swait.ge [sflag:s22], $0x6C00  }
0x36: {  	[sflag:s22] =	ssyncset.done $0x0  }
0x37: {  	s29 =	simm.s32 $0xA6C0;
	[sflag:s22] =	ssyncadd.s32 $0xFFFF9400  }
0x38: {  	[tilespmem:s18], [sflag:$0x1] =	stream.indirect.gather [spmem:s2], $0x40, s29, s17, $0xb8;
	[tilespmem:$0x1A080] =	vst v63  }
0x39: {  	_ =	swait.ge [sflag:s24], $0x6C00  }
0x3a: {  	s31 =	sadd.s32 $0x0, s13;
	[sflag:s24] =	ssyncset.done $0x0  }
0x3b: {  	s30 =	simm.s32 $0xAA20;
	s29 =	simm.s32 $0x1B00;
	[sflag:s24] =	ssyncadd.s32 $0xFFFF9400  }
.LBB2_2:
0x3c: {  	[hbm4b:s31+s3] =	stream.linear.scatter [tilespmem:s20], [sflag:$0x4], $0x6C00, $0x38;
	[tilespmem:$0x1A080] =	vst v63  }
0x3d: {  	s31 =	smov.u32 s29  }
0x3e: {  	p0 =	sne.s32 s29, $0xF300;
	s29 =	sadd.s32 $0x1B00, s29;
	_ =	swait.ge [sflag:s25], $0x6C00  }
0x3f: {  	[sflag:s25] =	ssyncset.done $0x0  }
0x40: {  	s1 =	sadd.s32 $0xFFFFFE50, s30;
	[sflag:s25] =	ssyncadd.s32 $0xFFFF9400  }
0x41: {  	[tilespmem:s20], [sflag:$0x2] =	stream.indirect.gather [spmem:s2], $0x40, s1, s17, $0xb8;
	[tilespmem:$0x1A080] =	vst v63  }
0x42: {  	_ =	swait.ge [sflag:s21], $0x6C00  }
0x43: {  	[sflag:s21] =	ssyncset.done $0x0  }
0x44: {  	s1 =	sadd.s32 s31, s12;
	[sflag:s21] =	ssyncadd.s32 $0xFFFF9400  }
0x45: {  	[hbm4b:s1+s3] =	stream.linear.scatter [tilespmem:s18], [sflag:$0x3], $0x6C00, $0x38;
	[tilespmem:$0x1A080] =	vst v63  }
0x46: {  	_ =	swait.ge [sflag:s22], $0x6C00  }
0x47: {  	[sflag:s22] =	ssyncset.done $0x0  }
.Ltmp0:
0x48: {  	[sflag:s22] =	ssyncadd.s32 $0xFFFF9400;
	(pc) =	sbr.rel @p0 .LBB2_2-.Ltmp0, $4  }
0x49: {  	[tilespmem:s18], [sflag:$0x1] =	stream.indirect.gather [spmem:s2], $0x40, s30, s17, $0xb8;
	[tilespmem:$0x1A080] =	vst v63  }
0x4a: {  	_ =	swait.ge [sflag:s24], $0x6C00  }
0x4b: {  	[sflag:s24] =	ssyncset.done $0x0  }
0x4c: {  	s31 =	sadd.s32 s31, s13;
	s30 =	sadd.s32 $0x360, s30;
	[sflag:s24] =	ssyncadd.s32 $0xFFFF9400  }
0x4d: {  	[hbm4b:s31+s3] =	stream.linear.scatter [tilespmem:s20], [sflag:$0x4], $0x6C00, $0x38;
	[tilespmem:$0x1A080] =	vst v63  }
0x4e: {  	_ =	swait.ge [sflag:s25], $0x6C00  }
0x4f: {  	[sflag:s25] =	ssyncset.done $0x0  }
0x50: {  	[sflag:s25] =	ssyncadd.s32 $0xFFFF9400  }
0x51: {  	[tilespmem:s20], [sflag:$0x2] =	stream.indirect.gather [spmem:s2], $0x40, s26, s17, $0xb8;
	[tilespmem:$0x1A080] =	vst v63  }
0x52: {  	_ =	swait.ge [sflag:s21], $0x6C00  }
0x53: {  	[sflag:s21] =	ssyncset.done $0x0  }
0x54: {  	[sflag:s21] =	ssyncadd.s32 $0xFFFF9400  }
0x55: {  	[hbm4b:s10+s3] =	stream.linear.scatter [tilespmem:s18], [sflag:$0x3], $0x6C00, $0x38;
	[tilespmem:$0x1A080] =	vst v63  }
0x56: {  	_ =	swait.ge [sflag:s24], $0x6C00  }
0x57: {  	[sflag:s24] =	ssyncset.done $0x0  }
0x58: {  	s28 =	sadd.s32 $0x1, s28;
	[sflag:s24] =	ssyncadd.s32 $0xFFFF9400  }
0x59: {  	[hbm4b:s11+s3] =	stream.linear.scatter [tilespmem:s20], [sflag:$0x4], $0x6C00, $0x38;
	[tilespmem:$0x1A080] =	vst v63  }
0x5a: {  	p0 =	sne.s32 s28, s7;
	_ =	swait.ge [sflag:s22], $0x6C00  }
.Ltmp1:
0x5b: {  	[sflag:s22] =	ssyncset.done $0x0;
	(pc) =	sbr.rel @p0 .LBB2_1-.Ltmp1, $4  }
0x5c: {  	[sflag:s22] =	ssyncadd.s32 $0xFFFF9400  }
0x5d: {  	_ =	swait.ge [sflag:s25], $0x6C00  }
0x5e: {  	[sflag:s25] =	ssyncset.done $0x0  }
0x5f: {  	[sflag:s25] =	ssyncadd.s32 $0xFFFF9400  }
0x60: {  	_ =	sfence.sel $0x180000  }
0x61: {  	[bflag:$0x0] =	sbarrier.arrive $0xFFFF  }
0x62: {  	_ =	strace $0x9000004A  }
0x63: {  	[bflag:$0x2] =	sbarrier.arrive $0xFFFF  }
0x64: {  	p0 =	sne.s32 s0, $0x0;
	s0 =	rddreg [dreg:$0x3]  }
0x65: {  	s0 =	sadd.s32 @!p0 $0x100000, s0  }
0x66: {  	[sflag:s0] =	ssyncadd.tile.s32 @!p0 $0x1;
	_ =	shalt  }
.Lfunc_end2:
_tile_overlayer_lowered:
.L_overlay_start_2:
0x67: {  	(tag) =	ssettag $0x2  }
0x68: {  	s0 =	rddreg [dreg:$0x0];
	s2 =	stileid.u32  }
0x69: {  	s1 =	rddreg [dreg:$0x1];
	p0 =	sne.s32 s2, $0x0  }
0x6a: {  	s3 =	rddreg [dreg:$0x2];
	[bflag:$0x3] =	sbarrier.arrive $0xFFFF;
	s2 =	simm.s32 @!p0 $0x1C05  }
0x6b: {  	[timem:s3], [sflag:s2] =	dma.local @!p0 [hbm:s0], s1  }
0x6c: {  	s0 =	simm.s32 @!p0 $0x5  }
0x6d: {  	_ =	swait.ge @!p0 [sflag:s0], s1  }
0x6e: {  	s1 =	ssub.s32 @!p0 $0x0, s1;
	[sflag:s0] =	ssyncset.done @!p0 $0x0  }
0x6f: {  	[sflag:s0] =	ssyncadd.s32 @!p0 s1  }
0x70: {  	[bflag:$0x3] =	sbarrier.arrive $0xFFFF  }
0x71: {  	_ =	shalt  }

</sc_bundles>
